<compile_context>
chip_gen: v7x
topology: tpu7x:2x2x1
jax: 0.10.2.dev20260603
libtpu: 0.0.44.dev20260713+nightly
codegen_flags: <defaults>
</compile_context>

<pallas_src>
import functools

import jax
import jax.numpy as jnp
from jax.experimental import pallas as pl
from jax.experimental.pallas import tpu as pltpu
from jax.experimental.pallas import tpu_sc as plsc

_BN_EPS = 1e-5
_SA_CFG = [(1024, 32), (256, 32), (64, 32), (16, 32)]
_INF = float("inf")


def _fold(params):
    s = 1.0 / jnp.sqrt(1.0 + _BN_EPS)
    out = []
    for W, b, g, be in params:
        sc = s * g
        out.append((W * sc[None, :], (b * sc + be).reshape(1, -1)))
    return out


def _gather(x, idx):
    return jax.vmap(lambda a, i: a[i])(x, idx)



def _fps_body(npoint, n, xyz_ref, out_ref):
    x = xyz_ref[0]
    y = xyz_ref[1]
    z = xyz_ref[2]
    b = x.shape[0]
    col = jax.lax.broadcasted_iota(jnp.int32, (b, n), 1)
    pcol = jax.lax.broadcasted_iota(jnp.int32, (b, npoint), 1)

    row = jax.lax.broadcasted_iota(jnp.int32, (b, n), 0)

    def step(t, carry):
        dists, far = carry
        sel = col == far
        cx = jnp.sum(jnp.where(sel, x, 0.0), axis=1, keepdims=True)
        cy = jnp.sum(jnp.where(sel, y, 0.0), axis=1, keepdims=True)
        cz = jnp.sum(jnp.where(sel, z, 0.0), axis=1, keepdims=True)
        dx = x - cx
        dy = y - cy
        dz = z - cz
        d = dx * dx + dy * dy + dz * dz
        dists = jnp.minimum(dists, d)
        out_ref[...] = jnp.where(pcol == t, far, out_ref[...])
        m = jnp.max(dists, axis=1, keepdims=True)
        far = jnp.min(jnp.where(dists == m, col, n), axis=1,
                      keepdims=True).astype(jnp.int32)
        return dists, far

    zero = (col + row) * 0
    dists0 = zero.astype(jnp.float32) + 1e10
    far0 = jnp.min(zero, axis=1, keepdims=True)
    jax.lax.fori_loop(0, npoint, step, (dists0, far0))


def _fps(xyz, npoint):
    bb, n, _ = xyz.shape
    xyzt = jnp.transpose(xyz, (2, 0, 1))
    return pl.pallas_call(
        functools.partial(_fps_body, npoint, n),
        grid=(1,),
        in_specs=[pl.BlockSpec((3, bb, n), lambda i: (0, 0, 0))],
        out_specs=pl.BlockSpec((bb, npoint), lambda i: (0, 0)),
        out_shape=jax.ShapeDtypeStruct((bb, npoint), jnp.int32),
    )(xyzt)



def _axes3(q):
    e = (jax.lax.broadcasted_iota(jnp.int32, (3, 3), 0)
         == jax.lax.broadcasted_iota(jnp.int32, (3, 3), 1)).astype(jnp.float32)
    qx = jnp.dot(q, e[:, 0:1], preferred_element_type=jnp.float32)
    qy = jnp.dot(q, e[:, 1:2], preferred_element_type=jnp.float32)
    qz = jnp.dot(q, e[:, 2:3], preferred_element_type=jnp.float32)
    return qx, qy, qz


def _sqdist(q_ref, p_ref):
    qx, qy, qz = _axes3(q_ref[0])
    px = p_ref[0, 0:1, :]
    py = p_ref[0, 1:2, :]
    pz = p_ref[0, 2:3, :]
    dx = qx - px
    dy = qy - py
    dz = qz - pz
    return dx * dx + dy * dy + dz * dz


def _knn_body(k, n, q_ref, p_ref, idx_ref):
    d = _sqdist(q_ref, p_ref)
    qt = d.shape[0]
    col = jax.lax.broadcasted_iota(jnp.int32, (qt, n), 1)
    kcol = jax.lax.broadcasted_iota(jnp.int32, (qt, k), 1)

    def step(t, d_cur):
        j = jnp.argmin(d_cur, axis=1).astype(jnp.int32)[:, None]
        idx_ref[0] = jnp.where(kcol == t, j, idx_ref[0])
        return jnp.where(col == j, _INF, d_cur)

    jax.lax.fori_loop(0, k, step, d)


def _knn(new_xyz, xyz, k, qt):
    bb, s, _ = new_xyz.shape
    n = xyz.shape[1]
    pt = jnp.transpose(xyz, (0, 2, 1))
    return pl.pallas_call(
        functools.partial(_knn_body, k, n),
        grid=(bb, s // qt),
        in_specs=[
            pl.BlockSpec((1, qt, 3), lambda b, i: (b, i, 0)),
            pl.BlockSpec((1, 3, n), lambda b, i: (b, 0, 0)),
        ],
        out_specs=pl.BlockSpec((1, qt, k), lambda b, i: (b, i, 0)),
        out_shape=jax.ShapeDtypeStruct((bb, s, k), jnp.int32),
    )(new_xyz, pt)



def _sc_gather(table, idx):
    r, d = table.shape
    m = idx.shape[0]
    info = plsc.get_sparse_core_info()
    nc = info.num_cores
    nw = nc * info.num_subcores
    bpw = m // nw
    ch = 128 if bpw % 128 == 0 else bpw
    nchunks = bpw // ch
    idx2d = idx.reshape(m // ch, ch)
    mesh = plsc.VectorSubcoreMesh(core_axis_name="c", subcore_axis_name="s")

    @functools.partial(
        pl.kernel, mesh=mesh,
        out_type=jax.ShapeDtypeStruct((m, d), jnp.float32),
        compiler_params=pltpu.CompilerParams(use_tc_tiling_on_sc=False),
        scratch_types=[
            pltpu.VMEM((nchunks, ch), jnp.int32),
            pltpu.VMEM((ch, d), jnp.float32),
            pltpu.SemaphoreType.DMA,
        ],
    )
    def k(table_hbm, idx_hbm, out_hbm, idx_v, rows_v, sem):
        wid = jax.lax.axis_index("s") * nc + jax.lax.axis_index("c")
        cbase = wid * nchunks
        pltpu.sync_copy(idx_hbm.at[pl.ds(cbase, nchunks)], idx_v)

        def body(j, carry):
            pltpu.async_copy(table_hbm.at[idx_v.at[j]], rows_v, sem).wait()
            pltpu.sync_copy(rows_v, out_hbm.at[pl.ds((cbase + j) * ch, ch)])
            return carry

        jax.lax.fori_loop(0, nchunks, body, 0)

    return k(table, idx2d)


def _sa_body(ns, nmm, g_ref, c_ref, *refs):
    out_ref = refs[-1]
    w1 = refs[0][...]
    b1 = refs[1][...]
    h = jnp.dot(g_ref[...], w1, preferred_element_type=jnp.float32) + b1
    ct = jnp.dot(c_ref[...], w1[:3, :], preferred_element_type=jnp.float32)
    r, c1 = h.shape
    h = h.reshape(r // ns, ns, c1) - ct[:, None, :]
    h = jnp.maximum(h, 0.0).reshape(r, c1)
    for i in range(1, nmm):
        w = refs[2 * i][...]
        b = refs[2 * i + 1][...]
        h = jnp.maximum(
            jnp.dot(h, w, preferred_element_type=jnp.float32) + b, 0.0)
    r, c = h.shape
    out_ref[...] = jnp.max(h.reshape(r // ns, ns, c), axis=1)


def _sa_mlp(g2d, centers, params, ns, st, cin):
    rtot, cpad = g2d.shape
    stot = rtot // ns
    cout = params[-1][0].shape[1]
    w1, b1 = params[0]
    w1 = jnp.pad(w1, ((0, cpad - cin), (0, 0)))
    specs = [
        pl.BlockSpec((st * ns, cpad), lambda i: (i, 0)),
        pl.BlockSpec((st, 3), lambda i: (i, 0)),
        pl.BlockSpec(w1.shape, lambda i: (0, 0)),
        pl.BlockSpec(b1.shape, lambda i: (0, 0)),
    ]
    args = [g2d, centers, w1, b1]
    for w, b in params[1:]:
        specs.append(pl.BlockSpec(w.shape, lambda i: (0, 0)))
        specs.append(pl.BlockSpec(b.shape, lambda i: (0, 0)))
        args += [w, b]
    return pl.pallas_call(
        functools.partial(_sa_body, ns, len(params)),
        grid=(stot // st,),
        in_specs=specs,
        out_specs=pl.BlockSpec((st, cout), lambda i: (i, 0)),
        out_shape=jax.ShapeDtypeStruct((stot, cout), jnp.float32),
    )(*args)



def _fp_body(nmm, n2, c2, q_ref, p_ref, f2_ref, f1_ref, *rest):
    out_ref = rest[-1]
    wrefs = rest[:-1]
    d = _sqdist(q_ref, p_ref)
    qt = d.shape[0]
    col = jax.lax.broadcasted_iota(jnp.int32, (qt, n2), 1)
    sm = jnp.zeros((qt, n2), jnp.float32)
    wsum = jnp.zeros((qt, 1), jnp.float32)
    for _ in range(3):
        m = jnp.min(d, axis=1, keepdims=True)
        j = jnp.min(jnp.where(d == m, col, n2), axis=1,
                    keepdims=True).astype(jnp.int32)
        w = 1.0 / jnp.maximum(m, 1e-10)
        sm = sm + jnp.where(col == j, w, 0.0)
        wsum = wsum + w
        d = jnp.where(col == j, _INF, d)
    sm = sm / wsum
    interp = jnp.dot(sm, f2_ref[0], preferred_element_type=jnp.float32)
    w1 = wrefs[0][...]
    b1 = wrefs[1][...]
    h = (jnp.dot(interp, w1[:c2, :], preferred_element_type=jnp.float32)
         + jnp.dot(f1_ref[0], w1[c2:, :], preferred_element_type=jnp.float32)
         + b1)
    h = jnp.maximum(h, 0.0)
    for i in range(1, nmm):
        w = wrefs[2 * i][...]
        b = wrefs[2 * i + 1][...]
        h = jnp.maximum(
            jnp.dot(h, w, preferred_element_type=jnp.float32) + b, 0.0)
    out_ref[0] = h


def _fp(xyz1, xyz2, f1, f2, params, qt):
    bb, n1, _ = xyz1.shape
    n2 = xyz2.shape[1]
    c2 = f2.shape[2]
    c1 = f1.shape[2]
    cout = params[-1][0].shape[1]
    pt = jnp.transpose(xyz2, (0, 2, 1))
    specs = [
        pl.BlockSpec((1, qt, 3), lambda b, i: (b, i, 0)),
        pl.BlockSpec((1, 3, n2), lambda b, i: (b, 0, 0)),
        pl.BlockSpec((1, n2, c2), lambda b, i: (b, 0, 0)),
        pl.BlockSpec((1, qt, c1), lambda b, i: (b, i, 0)),
    ]
    args = [xyz1, pt, f2, f1]
    for w, b in params:
        specs.append(pl.BlockSpec(w.shape, lambda b_, i: (0, 0)))
        specs.append(pl.BlockSpec(b.shape, lambda b_, i: (0, 0)))
        args += [w, b]
    return pl.pallas_call(
        functools.partial(_fp_body, len(params), n2, c2),
        grid=(bb, n1 // qt),
        in_specs=specs,
        out_specs=pl.BlockSpec((1, qt, cout), lambda b, i: (b, i, 0)),
        out_shape=jax.ShapeDtypeStruct((bb, n1, cout), jnp.float32),
    )(*args)



def _fc_body(x_ref, w1_ref, b1_ref, w2_ref, b2_ref, out_ref):
    h = jnp.maximum(
        jnp.dot(x_ref[...], w1_ref[...], preferred_element_type=jnp.float32)
        + b1_ref[...], 0.0)
    out_ref[...] = (jnp.dot(h, w2_ref[...], preferred_element_type=jnp.float32)
                    + b2_ref[...])


def _fc(x2d, w1, b1, w2, b2, rt):
    rtot, cin = x2d.shape
    kcls = w2.shape[1]
    return pl.pallas_call(
        _fc_body,
        grid=(rtot // rt,),
        in_specs=[
            pl.BlockSpec((rt, cin), lambda i: (i, 0)),
            pl.BlockSpec(w1.shape, lambda i: (0, 0)),
            pl.BlockSpec(b1.shape, lambda i: (0, 0)),
            pl.BlockSpec(w2.shape, lambda i: (0, 0)),
            pl.BlockSpec(b2.shape, lambda i: (0, 0)),
        ],
        out_specs=pl.BlockSpec((rt, kcls), lambda i: (i, 0)),
        out_shape=jax.ShapeDtypeStruct((rtot, kcls), jnp.float32),
    )(x2d, w1, b1, w2, b2)



def kernel(pointcloud, sa_params, fp_params, fc_params):
    bb, n, _ = pointcloud.shape
    xyz = pointcloud[..., 0:3]
    feats = pointcloud[..., 3:]

    sa_fold = [_fold(p) for p in sa_params]
    fp_fold = [_fold(p) for p in fp_params]
    wf, bf, gf, bef = fc_params[0]
    sc = 1.0 / jnp.sqrt(1.0 + _BN_EPS) * gf
    fc_w1 = wf * sc[None, :]
    fc_b1 = (bf * sc + bef).reshape(1, -1)
    wo, bo = fc_params[1]
    fc_b2 = bo.reshape(1, -1)

    knn_qt = [128, 128, 64, 16]
    sa_st = [128, 64, 32, 16]
    l_xyz, l_feats = [xyz], [feats]
    for i, (npoint, ns) in enumerate(_SA_CFG):
        x, f = l_xyz[i], l_feats[i]
        fidx = _fps(x, npoint)
        new_xyz = _gather(x, fidx)
        gidx = _knn(new_xyz, x, ns, knn_qt[i])
        cin = 3 + f.shape[-1]
        cpad = ((cin + 15) // 16) * 16
        tbl = jnp.concatenate([x, f], axis=-1)
        tbl = jnp.pad(tbl, ((0, 0), (0, 0), (0, cpad - cin)))
        tbl = tbl.reshape(bb * x.shape[1], cpad)
        flat = (gidx + (jnp.arange(bb, dtype=jnp.int32) * x.shape[1])[:, None, None]
                ).reshape(-1)
        g2d = _sc_gather(tbl, flat)
        nf = _sa_mlp(g2d, new_xyz.reshape(bb * npoint, 3), sa_fold[i], ns,
                     sa_st[i], cin).reshape(bb, npoint, -1)
        l_xyz.append(new_xyz)
        l_feats.append(nf)

    fp_qt = {-1: 64, -2: 128, -3: 128, -4: 256}
    for i in range(-1, -5, -1):
        l_feats[i - 1] = _fp(l_xyz[i - 1], l_xyz[i], l_feats[i - 1],
                             l_feats[i], fp_fold[i], fp_qt[i])

    x2d = l_feats[0].reshape(bb * n, -1)
    y = _fc(x2d, fc_w1, fc_b1, wo, fc_b2, 2048)
    return jnp.transpose(y.reshape(bb, n, -1), (0, 2, 1))

# --- scband reference (transcript-rebuilt; emitter-appended) ---
"""Pipeline reference for scband-point-net2-ssgseg-32263794328109 (READ-ONLY COPY).

The authoritative reference and input builder live on the scoring server;
editing this copy changes nothing except your own understanding.
"""

import jax, jax.numpy as jnp
import numpy as np

B, N, C_IN, K_CLS = 4, 8192, 3, 13
SA_CFG = [(1024, 32), (256, 32), (64, 32), (16, 32)]
SA_DIMS = [[6, 32, 32, 64], [67, 64, 64, 128], [131, 128, 128, 256], [259, 256, 256, 512]]
FP_DIMS = [[131, 128, 128, 128], [320, 256, 128], [384, 256, 256], [768, 256, 256]]
BN_EPS = 1e-5


def _mlp_params(key, dims):
    ps = []
    for i in range(len(dims) - 1):
        key, k1 = jax.random.split(key)
        W = jax.random.normal(k1, (dims[i], dims[i + 1]), jnp.float32) * 0.02
        ps.append((W,
                   jnp.zeros((dims[i + 1],), jnp.float32),
                   jnp.ones((dims[i + 1],), jnp.float32),
                   jnp.zeros((dims[i + 1],), jnp.float32)))
    return ps


def setup_inputs(seed: int = 0):
    key = jax.random.key(seed)
    ks = jax.random.split(key, 16)
    pointcloud = jax.random.normal(ks[0], (B, N, 3 + C_IN), jnp.float32)
    sa_params = [_mlp_params(ks[1 + i], SA_DIMS[i]) for i in range(4)]
    fp_params = [_mlp_params(ks[5 + i], FP_DIMS[i]) for i in range(4)]
    Wf = jax.random.normal(ks[9], (128, 128), jnp.float32) * 0.02
    Wo = jax.random.normal(ks[10], (128, K_CLS), jnp.float32) * 0.02
    fc_params = [(Wf, jnp.zeros((128,), jnp.float32), jnp.ones((128,), jnp.float32), jnp.zeros((128,), jnp.float32)),
                 (Wo, jnp.zeros((K_CLS,), jnp.float32))]
    return {"pointcloud": pointcloud, "sa_params": sa_params, "fp_params": fp_params, "fc_params": fc_params}


def _gather(x, idx):
    # x: (B, N, C), idx: (B, ...) int -> (B, ..., C)
    return jax.vmap(lambda a, i: a[i])(x, idx)


def _fps(xyz, npoint):
    # farthest point sampling; indices are non-differentiable
    xyz = jax.lax.stop_gradient(xyz)
    Bn, Nn, _ = xyz.shape
    def step(state, _):
        dists, farthest = state
        centroid = jnp.take_along_axis(xyz, farthest[:, None, None], axis=1)  # (B,1,3)
        d = jnp.sum((xyz - centroid) ** 2, axis=-1)  # (B,N)
        dists = jnp.minimum(dists, d)
        nxt = jnp.argmax(dists, axis=-1).astype(jnp.int32)
        return (dists, nxt), farthest
    init = (jnp.full((Bn, Nn), 1e10, jnp.float32), jnp.zeros((Bn,), jnp.int32))
    _, idxs = jax.lax.scan(step, init, jnp.arange(npoint))
    return idxs.T  # (B, npoint)


def _apply_mlp(x, params):
    # shared 1x1 conv + inference-mode BatchNorm (running mean 0 / var 1) + ReLU
    for (W, b, g, be) in params:
        x = x @ W + b
        x = x / jnp.sqrt(1.0 + BN_EPS) * g + be
        x = jax.nn.relu(x)
    return x


def _sa_module(xyz, feats, params, npoint, nsample):
    fidx = _fps(xyz, npoint)
    new_xyz = _gather(xyz, fidx)  # (B,S,3)
    d = jnp.sum((new_xyz[:, :, None, :] - xyz[:, None, :, :]) ** 2, axis=-1)  # (B,S,N)
    _, gidx = jax.lax.top_k(-d, nsample)  # (B,S,ns)
    grouped_xyz = _gather(xyz, gidx) - new_xyz[:, :, None, :]  # (B,S,ns,3)
    if feats is not None:
        grouped_feats = _gather(feats, gidx)  # (B,S,ns,C)
        g = jnp.concatenate([grouped_xyz, grouped_feats], axis=-1)  # use_xyz=True
    else:
        g = grouped_xyz
    h = _apply_mlp(g, params)
    return new_xyz, jnp.max(h, axis=2)


def _fp_module(xyz1, xyz2, feats1, feats2, params):
    d = jnp.sum((xyz1[:, :, None, :] - xyz2[:, None, :, :]) ** 2, axis=-1)  # (B,N1,N2)
    negd, idx = jax.lax.top_k(-d, 3)
    dist = jnp.maximum(-negd, 1e-10)
    w = 1.0 / dist
    w = w / jnp.sum(w, axis=-1, keepdims=True)
    g = _gather(feats2, idx)  # (B,N1,3,C2)
    interp = jnp.sum(g * w[..., None], axis=2)
    x = jnp.concatenate([interp, feats1], axis=-1) if feats1 is not None else interp
    return _apply_mlp(x, params)


def _forward(pointcloud, sa_params, fp_params, fc_params):
    xyz = pointcloud[..., 0:3]
    feats = pointcloud[..., 3:] if pointcloud.shape[-1] > 3 else None
    l_xyz, l_feats = [xyz], [feats]
    for i, (npoint, nsample) in enumerate(SA_CFG):
        nx, nf = _sa_module(l_xyz[i], l_feats[i], sa_params[i], npoint, nsample)
        l_xyz.append(nx)
        l_feats.append(nf)
    for i in range(-1, -5, -1):
        l_feats[i - 1] = _fp_module(l_xyz[i - 1], l_xyz[i], l_feats[i - 1], l_feats[i], fp_params[i])
    x = l_feats[0]
    W, b, g, be = fc_params[0]
    x = x @ W + b
    x = x / jnp.sqrt(1.0 + BN_EPS) * g + be
    x = jax.nn.relu(x)
    # Dropout: identity in inference
    W2, b2 = fc_params[1]
    x = x @ W2 + b2
    return jnp.transpose(x, (0, 2, 1))  # (B, k, N) to match torch channel-first output


def reference(pointcloud, sa_params, fp_params, fc_params):
    return _forward(pointcloud, sa_params, fp_params, fc_params)

if __name__ == "__main__":
    import jax
    _d = setup_inputs()
    print(jax.jit(kernel)(*tuple(_d.values())))

</pallas_src>

<mosaic_0001>
#map = affine_map<(d0, d1) -> (0, 0)>
module attributes {stable_mosaic.version = 14 : i64} {
  func.func @k(%arg0: i32, %arg1: i32, %arg2: memref<32768x16xf32, #tpu.memory_space<hbm>>, %arg3: memref<1024x128xi32, #tpu.memory_space<hbm>>, %arg4: memref<131072x16xf32, #tpu.memory_space<hbm>>, %arg5: memref<32x128xi32, #tpu.memory_space<vmem>>, %arg6: memref<128x16xf32, #tpu.memory_space<vmem>>, %arg7: memref<!tpu.dma_semaphore, #tpu.memory_space<semaphore_mem>>) attributes {dimension_semantics = [#tpu.dimension_semantics<core_parallel>, #tpu.dimension_semantics<subcore_parallel>], iteration_bounds = array<i64: 2, 16>, scalar_prefetch = 0 : i64, scratch_operands = 3 : i64, tpu.core_type = #tpu.core_type<sc_vector_subcore>, window_params = [{transform_indices = #map}, {transform_indices = #map}, {transform_indices = #map}]} {
    %mul3A = arith.constant 2 : i32
    %mul3A_0 = arith.muli %arg1, %mul3A : i32
    %add3A = arith.addi %mul3A_0, %arg0 : i32
    %mul3A_1 = arith.constant 32 : i32
    %mul3A_2 = arith.muli %add3A, %mul3A_1 : i32
    "tpu.region"() ({
      %run_scoped3A = tpu.sem_alloc : memref<!tpu.dma_semaphore, #tpu.memory_space<semaphore_mem>>
      %dma_start3A = arith.constant 0 : i32
      %dma_start3A_8 = tpu.memref_slice %arg3[%mul3A_2, %dma_start3A] : memref<1024x128xi32, #tpu.memory_space<hbm>> -> memref<32x128xi32, #tpu.memory_space<hbm>>
      %dma_start3A_9 = arith.constant 0 : i32
      %dma_start3A_10 = tpu.memref_slice %arg3[%mul3A_2, %dma_start3A_9] : memref<1024x128xi32, #tpu.memory_space<hbm>> -> memref<32x128xi32, #tpu.memory_space<hbm>>
      tpu.enqueue_dma source(%dma_start3A_10 : memref<32x128xi32, #tpu.memory_space<hbm>>) target(%arg5 : memref<32x128xi32, #tpu.memory_space<vmem>>) target_semaphore(%run_scoped3A : memref<!tpu.dma_semaphore, #tpu.memory_space<semaphore_mem>>)
      %dma_wait3A = arith.constant 0 : i32
      %dma_wait3A_11 = tpu.memref_slice %arg3[%mul3A_2, %dma_wait3A] : memref<1024x128xi32, #tpu.memory_space<hbm>> -> memref<32x128xi32, #tpu.memory_space<hbm>>
      %dma_wait3A_12 = arith.constant 0 : i32
      %dma_wait3A_13 = tpu.memref_slice %arg3[%mul3A_2, %dma_wait3A_12] : memref<1024x128xi32, #tpu.memory_space<hbm>> -> memref<32x128xi32, #tpu.memory_space<hbm>>
      tpu.wait_dma2 semaphore(%run_scoped3A : memref<!tpu.dma_semaphore, #tpu.memory_space<semaphore_mem>>) src(%dma_wait3A_13 : memref<32x128xi32, #tpu.memory_space<hbm>>) dst(%arg5 : memref<32x128xi32, #tpu.memory_space<vmem>>)
      tpu.yield
    }) : () -> ()
    %scan3A = arith.constant 0 : i32
    %scan3A_3 = arith.constant 0 : i32
    %scan3A_4 = arith.constant 32 : i32
    %scan3A_5 = arith.addi %scan3A_3, %scan3A_4 : i32
    %scan3A_6 = arith.constant 1 : i32
    scf.for %scan3A_8 = %scan3A_3 to %scan3A_5 step %scan3A_6  : i32 {
      %dma_start3A = arith.constant 0 : i32
      %dma_start3A_9 = tpu.memref_slice %arg5[%scan3A_8, %dma_start3A] : memref<32x128xi32, #tpu.memory_space<vmem>> -> memref<1x128xi32, #tpu.memory_space<vmem>>
      %dma_start3A_10 = tpu.memref_squeeze %dma_start3A_9 : memref<1x128xi32, #tpu.memory_space<vmem>> -> memref<128xi32, #tpu.memory_space<vmem>>
      %dma_start3A_11 = arith.constant 0 : i32
      %dma_start3A_12 = arith.constant 0 : i32
      %dma_start3A_13 = tpu.memref_slice %arg2[%dma_start3A_11, %dma_start3A_12] : memref<32768x16xf32, #tpu.memory_space<hbm>> -> memref<32768x16xf32, #tpu.memory_space<hbm>>
      tpu.enqueue_indirect_dma source(%dma_start3A_13 : memref<32768x16xf32, #tpu.memory_space<hbm>>) target(%arg6 : memref<128x16xf32, #tpu.memory_space<vmem>>) offsets(%dma_start3A_10 : memref<128xi32, #tpu.memory_space<vmem>>) semaphore(%arg7 : memref<!tpu.dma_semaphore, #tpu.memory_space<semaphore_mem>>)
      %dma_wait3A = arith.constant 0 : i32
      %dma_wait3A_14 = tpu.memref_slice %arg5[%scan3A_8, %dma_wait3A] : memref<32x128xi32, #tpu.memory_space<vmem>> -> memref<1x128xi32, #tpu.memory_space<vmem>>
      %dma_wait3A_15 = tpu.memref_squeeze %dma_wait3A_14 : memref<1x128xi32, #tpu.memory_space<vmem>> -> memref<128xi32, #tpu.memory_space<vmem>>
      %dma_wait3A_16 = arith.constant 0 : i32
      %dma_wait3A_17 = arith.constant 0 : i32
      %dma_wait3A_18 = tpu.memref_slice %arg2[%dma_wait3A_16, %dma_wait3A_17] : memref<32768x16xf32, #tpu.memory_space<hbm>> -> memref<32768x16xf32, #tpu.memory_space<hbm>>
      tpu.wait_indirect_dma semaphore(%arg7 : memref<!tpu.dma_semaphore, #tpu.memory_space<semaphore_mem>>) src(%dma_wait3A_18 : memref<32768x16xf32, #tpu.memory_space<hbm>>) dst(%arg6 : memref<128x16xf32, #tpu.memory_space<vmem>>)
      %add3A_19 = arith.addi %mul3A_2, %scan3A_8 : i32
      %mul3A_20 = arith.constant 128 : i32
      %mul3A_21 = arith.muli %add3A_19, %mul3A_20 : i32
      "tpu.region"() ({
        %run_scoped3A = tpu.sem_alloc : memref<!tpu.dma_semaphore, #tpu.memory_space<semaphore_mem>>
        %dma_start3A_22 = arith.constant 0 : i32
        %dma_start3A_23 = tpu.memref_slice %arg4[%mul3A_21, %dma_start3A_22] : memref<131072x16xf32, #tpu.memory_space<hbm>> -> memref<128x16xf32, #tpu.memory_space<hbm>>
        %dma_start3A_24 = arith.constant 0 : i32
        %dma_start3A_25 = tpu.memref_slice %arg4[%mul3A_21, %dma_start3A_24] : memref<131072x16xf32, #tpu.memory_space<hbm>> -> memref<128x16xf32, #tpu.memory_space<hbm>>
        tpu.enqueue_dma source(%arg6 : memref<128x16xf32, #tpu.memory_space<vmem>>) target(%dma_start3A_25 : memref<128x16xf32, #tpu.memory_space<hbm>>) target_semaphore(%run_scoped3A : memref<!tpu.dma_semaphore, #tpu.memory_space<semaphore_mem>>)
        %dma_wait3A_26 = arith.constant 0 : i32
        %dma_wait3A_27 = tpu.memref_slice %arg4[%mul3A_21, %dma_wait3A_26] : memref<131072x16xf32, #tpu.memory_space<hbm>> -> memref<128x16xf32, #tpu.memory_space<hbm>>
        %dma_wait3A_28 = arith.constant 0 : i32
        %dma_wait3A_29 = tpu.memref_slice %arg4[%mul3A_21, %dma_wait3A_28] : memref<131072x16xf32, #tpu.memory_space<hbm>> -> memref<128x16xf32, #tpu.memory_space<hbm>>
        tpu.wait_dma2 semaphore(%run_scoped3A : memref<!tpu.dma_semaphore, #tpu.memory_space<semaphore_mem>>) src(%arg6 : memref<128x16xf32, #tpu.memory_space<vmem>>) dst(%dma_wait3A_29 : memref<128x16xf32, #tpu.memory_space<hbm>>)
        tpu.yield
      }) : () -> ()
    }
    %scan3A_7 = arith.constant 32 : i32
    return
  }
}

#map = affine_map<(d0, d1) -> (0, 0)>
module attributes {stable_mosaic.version = 14 : i64} {
  func.func @k(%arg0: i32, %arg1: i32, %arg2: memref<4096x80xf32, #tpu.memory_space<hbm>>, %arg3: memref<256x128xi32, #tpu.memory_space<hbm>>, %arg4: memref<32768x80xf32, #tpu.memory_space<hbm>>, %arg5: memref<8x128xi32, #tpu.memory_space<vmem>>, %arg6: memref<128x80xf32, #tpu.memory_space<vmem>>, %arg7: memref<!tpu.dma_semaphore, #tpu.memory_space<semaphore_mem>>) attributes {dimension_semantics = [#tpu.dimension_semantics<core_parallel>, #tpu.dimension_semantics<subcore_parallel>], iteration_bounds = array<i64: 2, 16>, scalar_prefetch = 0 : i64, scratch_operands = 3 : i64, tpu.core_type = #tpu.core_type<sc_vector_subcore>, window_params = [{transform_indices = #map}, {transform_indices = #map}, {transform_indices = #map}]} {
    %mul3A = arith.constant 2 : i32
    %mul3A_0 = arith.muli %arg1, %mul3A : i32
    %add3A = arith.addi %mul3A_0, %arg0 : i32
    %mul3A_1 = arith.constant 8 : i32
    %mul3A_2 = arith.muli %add3A, %mul3A_1 : i32
    "tpu.region"() ({
      %run_scoped3A = tpu.sem_alloc : memref<!tpu.dma_semaphore, #tpu.memory_space<semaphore_mem>>
      %dma_start3A = arith.constant 0 : i32
      %dma_start3A_8 = tpu.memref_slice %arg3[%mul3A_2, %dma_start3A] : memref<256x128xi32, #tpu.memory_space<hbm>> -> memref<8x128xi32, #tpu.memory_space<hbm>>
      %dma_start3A_9 = arith.constant 0 : i32
      %dma_start3A_10 = tpu.memref_slice %arg3[%mul3A_2, %dma_start3A_9] : memref<256x128xi32, #tpu.memory_space<hbm>> -> memref<8x128xi32, #tpu.memory_space<hbm>>
      tpu.enqueue_dma source(%dma_start3A_10 : memref<8x128xi32, #tpu.memory_space<hbm>>) target(%arg5 : memref<8x128xi32, #tpu.memory_space<vmem>>) target_semaphore(%run_scoped3A : memref<!tpu.dma_semaphore, #tpu.memory_space<semaphore_mem>>)
      %dma_wait3A = arith.constant 0 : i32
      %dma_wait3A_11 = tpu.memref_slice %arg3[%mul3A_2, %dma_wait3A] : memref<256x128xi32, #tpu.memory_space<hbm>> -> memref<8x128xi32, #tpu.memory_space<hbm>>
      %dma_wait3A_12 = arith.constant 0 : i32
      %dma_wait3A_13 = tpu.memref_slice %arg3[%mul3A_2, %dma_wait3A_12] : memref<256x128xi32, #tpu.memory_space<hbm>> -> memref<8x128xi32, #tpu.memory_space<hbm>>
      tpu.wait_dma2 semaphore(%run_scoped3A : memref<!tpu.dma_semaphore, #tpu.memory_space<semaphore_mem>>) src(%dma_wait3A_13 : memref<8x128xi32, #tpu.memory_space<hbm>>) dst(%arg5 : memref<8x128xi32, #tpu.memory_space<vmem>>)
      tpu.yield
    }) : () -> ()
    %scan3A = arith.constant 0 : i32
    %scan3A_3 = arith.constant 0 : i32
    %scan3A_4 = arith.constant 8 : i32
    %scan3A_5 = arith.addi %scan3A_3, %scan3A_4 : i32
    %scan3A_6 = arith.constant 1 : i32
    scf.for %scan3A_8 = %scan3A_3 to %scan3A_5 step %scan3A_6  : i32 {
      %dma_start3A = arith.constant 0 : i32
      %dma_start3A_9 = tpu.memref_slice %arg5[%scan3A_8, %dma_start3A] : memref<8x128xi32, #tpu.memory_space<vmem>> -> memref<1x128xi32, #tpu.memory_space<vmem>>
      %dma_start3A_10 = tpu.memref_squeeze %dma_start3A_9 : memref<1x128xi32, #tpu.memory_space<vmem>> -> memref<128xi32, #tpu.memory_space<vmem>>
      %dma_start3A_11 = arith.constant 0 : i32
      %dma_start3A_12 = arith.constant 0 : i32
      %dma_start3A_13 = tpu.memref_slice %arg2[%dma_start3A_11, %dma_start3A_12] : memref<4096x80xf32, #tpu.memory_space<hbm>> -> memref<4096x80xf32, #tpu.memory_space<hbm>>
      tpu.enqueue_indirect_dma source(%dma_start3A_13 : memref<4096x80xf32, #tpu.memory_space<hbm>>) target(%arg6 : memref<128x80xf32, #tpu.memory_space<vmem>>) offsets(%dma_start3A_10 : memref<128xi32, #tpu.memory_space<vmem>>) semaphore(%arg7 : memref<!tpu.dma_semaphore, #tpu.memory_space<semaphore_mem>>)
      %dma_wait3A = arith.constant 0 : i32
      %dma_wait3A_14 = tpu.memref_slice %arg5[%scan3A_8, %dma_wait3A] : memref<8x128xi32, #tpu.memory_space<vmem>> -> memref<1x128xi32, #tpu.memory_space<vmem>>
      %dma_wait3A_15 = tpu.memref_squeeze %dma_wait3A_14 : memref<1x128xi32, #tpu.memory_space<vmem>> -> memref<128xi32, #tpu.memory_space<vmem>>
      %dma_wait3A_16 = arith.constant 0 : i32
      %dma_wait3A_17 = arith.constant 0 : i32
      %dma_wait3A_18 = tpu.memref_slice %arg2[%dma_wait3A_16, %dma_wait3A_17] : memref<4096x80xf32, #tpu.memory_space<hbm>> -> memref<4096x80xf32, #tpu.memory_space<hbm>>
      tpu.wait_indirect_dma semaphore(%arg7 : memref<!tpu.dma_semaphore, #tpu.memory_space<semaphore_mem>>) src(%dma_wait3A_18 : memref<4096x80xf32, #tpu.memory_space<hbm>>) dst(%arg6 : memref<128x80xf32, #tpu.memory_space<vmem>>)
      %add3A_19 = arith.addi %mul3A_2, %scan3A_8 : i32
      %mul3A_20 = arith.constant 128 : i32
      %mul3A_21 = arith.muli %add3A_19, %mul3A_20 : i32
      "tpu.region"() ({
        %run_scoped3A = tpu.sem_alloc : memref<!tpu.dma_semaphore, #tpu.memory_space<semaphore_mem>>
        %dma_start3A_22 = arith.constant 0 : i32
        %dma_start3A_23 = tpu.memref_slice %arg4[%mul3A_21, %dma_start3A_22] : memref<32768x80xf32, #tpu.memory_space<hbm>> -> memref<128x80xf32, #tpu.memory_space<hbm>>
        %dma_start3A_24 = arith.constant 0 : i32
        %dma_start3A_25 = tpu.memref_slice %arg4[%mul3A_21, %dma_start3A_24] : memref<32768x80xf32, #tpu.memory_space<hbm>> -> memref<128x80xf32, #tpu.memory_space<hbm>>
        tpu.enqueue_dma source(%arg6 : memref<128x80xf32, #tpu.memory_space<vmem>>) target(%dma_start3A_25 : memref<128x80xf32, #tpu.memory_space<hbm>>) target_semaphore(%run_scoped3A : memref<!tpu.dma_semaphore, #tpu.memory_space<semaphore_mem>>)
        %dma_wait3A_26 = arith.constant 0 : i32
        %dma_wait3A_27 = tpu.memref_slice %arg4[%mul3A_21, %dma_wait3A_26] : memref<32768x80xf32, #tpu.memory_space<hbm>> -> memref<128x80xf32, #tpu.memory_space<hbm>>
        %dma_wait3A_28 = arith.constant 0 : i32
        %dma_wait3A_29 = tpu.memref_slice %arg4[%mul3A_21, %dma_wait3A_28] : memref<32768x80xf32, #tpu.memory_space<hbm>> -> memref<128x80xf32, #tpu.memory_space<hbm>>
        tpu.wait_dma2 semaphore(%run_scoped3A : memref<!tpu.dma_semaphore, #tpu.memory_space<semaphore_mem>>) src(%arg6 : memref<128x80xf32, #tpu.memory_space<vmem>>) dst(%dma_wait3A_29 : memref<128x80xf32, #tpu.memory_space<hbm>>)
        tpu.yield
      }) : () -> ()
    }
    %scan3A_7 = arith.constant 8 : i32
    return
  }
}

#map = affine_map<(d0, d1) -> (0, 0)>
module attributes {stable_mosaic.version = 14 : i64} {
  func.func @k(%arg0: i32, %arg1: i32, %arg2: memref<1024x144xf32, #tpu.memory_space<hbm>>, %arg3: memref<64x128xi32, #tpu.memory_space<hbm>>, %arg4: memref<8192x144xf32, #tpu.memory_space<hbm>>, %arg5: memref<2x128xi32, #tpu.memory_space<vmem>>, %arg6: memref<128x144xf32, #tpu.memory_space<vmem>>, %arg7: memref<!tpu.dma_semaphore, #tpu.memory_space<semaphore_mem>>) attributes {dimension_semantics = [#tpu.dimension_semantics<core_parallel>, #tpu.dimension_semantics<subcore_parallel>], iteration_bounds = array<i64: 2, 16>, scalar_prefetch = 0 : i64, scratch_operands = 3 : i64, tpu.core_type = #tpu.core_type<sc_vector_subcore>, window_params = [{transform_indices = #map}, {transform_indices = #map}, {transform_indices = #map}]} {
    %mul3A = arith.constant 2 : i32
    %mul3A_0 = arith.muli %arg1, %mul3A : i32
    %add3A = arith.addi %mul3A_0, %arg0 : i32
    %mul3A_1 = arith.constant 2 : i32
    %mul3A_2 = arith.muli %add3A, %mul3A_1 : i32
    "tpu.region"() ({
      %run_scoped3A = tpu.sem_alloc : memref<!tpu.dma_semaphore, #tpu.memory_space<semaphore_mem>>
      %dma_start3A = arith.constant 0 : i32
      %dma_start3A_8 = tpu.memref_slice %arg3[%mul3A_2, %dma_start3A] : memref<64x128xi32, #tpu.memory_space<hbm>> -> memref<2x128xi32, #tpu.memory_space<hbm>>
      %dma_start3A_9 = arith.constant 0 : i32
      %dma_start3A_10 = tpu.memref_slice %arg3[%mul3A_2, %dma_start3A_9] : memref<64x128xi32, #tpu.memory_space<hbm>> -> memref<2x128xi32, #tpu.memory_space<hbm>>
      tpu.enqueue_dma source(%dma_start3A_10 : memref<2x128xi32, #tpu.memory_space<hbm>>) target(%arg5 : memref<2x128xi32, #tpu.memory_space<vmem>>) target_semaphore(%run_scoped3A : memref<!tpu.dma_semaphore, #tpu.memory_space<semaphore_mem>>)
      %dma_wait3A = arith.constant 0 : i32
      %dma_wait3A_11 = tpu.memref_slice %arg3[%mul3A_2, %dma_wait3A] : memref<64x128xi32, #tpu.memory_space<hbm>> -> memref<2x128xi32, #tpu.memory_space<hbm>>
      %dma_wait3A_12 = arith.constant 0 : i32
      %dma_wait3A_13 = tpu.memref_slice %arg3[%mul3A_2, %dma_wait3A_12] : memref<64x128xi32, #tpu.memory_space<hbm>> -> memref<2x128xi32, #tpu.memory_space<hbm>>
      tpu.wait_dma2 semaphore(%run_scoped3A : memref<!tpu.dma_semaphore, #tpu.memory_space<semaphore_mem>>) src(%dma_wait3A_13 : memref<2x128xi32, #tpu.memory_space<hbm>>) dst(%arg5 : memref<2x128xi32, #tpu.memory_space<vmem>>)
      tpu.yield
    }) : () -> ()
    %scan3A = arith.constant 0 : i32
    %scan3A_3 = arith.constant 0 : i32
    %scan3A_4 = arith.constant 2 : i32
    %scan3A_5 = arith.addi %scan3A_3, %scan3A_4 : i32
    %scan3A_6 = arith.constant 1 : i32
    scf.for %scan3A_8 = %scan3A_3 to %scan3A_5 step %scan3A_6  : i32 {
      %dma_start3A = arith.constant 0 : i32
      %dma_start3A_9 = tpu.memref_slice %arg5[%scan3A_8, %dma_start3A] : memref<2x128xi32, #tpu.memory_space<vmem>> -> memref<1x128xi32, #tpu.memory_space<vmem>>
      %dma_start3A_10 = tpu.memref_squeeze %dma_start3A_9 : memref<1x128xi32, #tpu.memory_space<vmem>> -> memref<128xi32, #tpu.memory_space<vmem>>
      %dma_start3A_11 = arith.constant 0 : i32
      %dma_start3A_12 = arith.constant 0 : i32
      %dma_start3A_13 = tpu.memref_slice %arg2[%dma_start3A_11, %dma_start3A_12] : memref<1024x144xf32, #tpu.memory_space<hbm>> -> memref<1024x144xf32, #tpu.memory_space<hbm>>
      tpu.enqueue_indirect_dma source(%dma_start3A_13 : memref<1024x144xf32, #tpu.memory_space<hbm>>) target(%arg6 : memref<128x144xf32, #tpu.memory_space<vmem>>) offsets(%dma_start3A_10 : memref<128xi32, #tpu.memory_space<vmem>>) semaphore(%arg7 : memref<!tpu.dma_semaphore, #tpu.memory_space<semaphore_mem>>)
      %dma_wait3A = arith.constant 0 : i32
      %dma_wait3A_14 = tpu.memref_slice %arg5[%scan3A_8, %dma_wait3A] : memref<2x128xi32, #tpu.memory_space<vmem>> -> memref<1x128xi32, #tpu.memory_space<vmem>>
      %dma_wait3A_15 = tpu.memref_squeeze %dma_wait3A_14 : memref<1x128xi32, #tpu.memory_space<vmem>> -> memref<128xi32, #tpu.memory_space<vmem>>
      %dma_wait3A_16 = arith.constant 0 : i32
      %dma_wait3A_17 = arith.constant 0 : i32
      %dma_wait3A_18 = tpu.memref_slice %arg2[%dma_wait3A_16, %dma_wait3A_17] : memref<1024x144xf32, #tpu.memory_space<hbm>> -> memref<1024x144xf32, #tpu.memory_space<hbm>>
      tpu.wait_indirect_dma semaphore(%arg7 : memref<!tpu.dma_semaphore, #tpu.memory_space<semaphore_mem>>) src(%dma_wait3A_18 : memref<1024x144xf32, #tpu.memory_space<hbm>>) dst(%arg6 : memref<128x144xf32, #tpu.memory_space<vmem>>)
      %add3A_19 = arith.addi %mul3A_2, %scan3A_8 : i32
      %mul3A_20 = arith.constant 128 : i32
      %mul3A_21 = arith.muli %add3A_19, %mul3A_20 : i32
      "tpu.region"() ({
        %run_scoped3A = tpu.sem_alloc : memref<!tpu.dma_semaphore, #tpu.memory_space<semaphore_mem>>
        %dma_start3A_22 = arith.constant 0 : i32
        %dma_start3A_23 = tpu.memref_slice %arg4[%mul3A_21, %dma_start3A_22] : memref<8192x144xf32, #tpu.memory_space<hbm>> -> memref<128x144xf32, #tpu.memory_space<hbm>>
        %dma_start3A_24 = arith.constant 0 : i32
        %dma_start3A_25 = tpu.memref_slice %arg4[%mul3A_21, %dma_start3A_24] : memref<8192x144xf32, #tpu.memory_space<hbm>> -> memref<128x144xf32, #tpu.memory_space<hbm>>
        tpu.enqueue_dma source(%arg6 : memref<128x144xf32, #tpu.memory_space<vmem>>) target(%dma_start3A_25 : memref<128x144xf32, #tpu.memory_space<hbm>>) target_semaphore(%run_scoped3A : memref<!tpu.dma_semaphore, #tpu.memory_space<semaphore_mem>>)
        %dma_wait3A_26 = arith.constant 0 : i32
        %dma_wait3A_27 = tpu.memref_slice %arg4[%mul3A_21, %dma_wait3A_26] : memref<8192x144xf32, #tpu.memory_space<hbm>> -> memref<128x144xf32, #tpu.memory_space<hbm>>
        %dma_wait3A_28 = arith.constant 0 : i32
        %dma_wait3A_29 = tpu.memref_slice %arg4[%mul3A_21, %dma_wait3A_28] : memref<8192x144xf32, #tpu.memory_space<hbm>> -> memref<128x144xf32, #tpu.memory_space<hbm>>
        tpu.wait_dma2 semaphore(%run_scoped3A : memref<!tpu.dma_semaphore, #tpu.memory_space<semaphore_mem>>) src(%arg6 : memref<128x144xf32, #tpu.memory_space<vmem>>) dst(%dma_wait3A_29 : memref<128x144xf32, #tpu.memory_space<hbm>>)
        tpu.yield
      }) : () -> ()
    }
    %scan3A_7 = arith.constant 2 : i32
    return
  }
}

#map = affine_map<(d0, d1) -> (0, 0)>
module attributes {stable_mosaic.version = 14 : i64} {
  func.func @k(%arg0: i32, %arg1: i32, %arg2: memref<256x272xf32, #tpu.memory_space<hbm>>, %arg3: memref<32x64xi32, #tpu.memory_space<hbm>>, %arg4: memref<2048x272xf32, #tpu.memory_space<hbm>>, %arg5: memref<1x64xi32, #tpu.memory_space<vmem>>, %arg6: memref<64x272xf32, #tpu.memory_space<vmem>>, %arg7: memref<!tpu.dma_semaphore, #tpu.memory_space<semaphore_mem>>) attributes {dimension_semantics = [#tpu.dimension_semantics<core_parallel>, #tpu.dimension_semantics<subcore_parallel>], iteration_bounds = array<i64: 2, 16>, scalar_prefetch = 0 : i64, scratch_operands = 3 : i64, tpu.core_type = #tpu.core_type<sc_vector_subcore>, window_params = [{transform_indices = #map}, {transform_indices = #map}, {transform_indices = #map}]} {
    %mul3A = arith.constant 2 : i32
    %mul3A_0 = arith.muli %arg1, %mul3A : i32
    %add3A = arith.addi %mul3A_0, %arg0 : i32
    %mul3A_1 = arith.constant 1 : i32
    %mul3A_2 = arith.muli %add3A, %mul3A_1 : i32
    "tpu.region"() ({
      %run_scoped3A = tpu.sem_alloc : memref<!tpu.dma_semaphore, #tpu.memory_space<semaphore_mem>>
      %dma_start3A_18 = arith.constant 0 : i32
      %dma_start3A_19 = tpu.memref_slice %arg3[%mul3A_2, %dma_start3A_18] : memref<32x64xi32, #tpu.memory_space<hbm>> -> memref<1x64xi32, #tpu.memory_space<hbm>>
      %dma_start3A_20 = arith.constant 0 : i32
      %dma_start3A_21 = tpu.memref_slice %arg3[%mul3A_2, %dma_start3A_20] : memref<32x64xi32, #tpu.memory_space<hbm>> -> memref<1x64xi32, #tpu.memory_space<hbm>>
      tpu.enqueue_dma source(%dma_start3A_21 : memref<1x64xi32, #tpu.memory_space<hbm>>) target(%arg5 : memref<1x64xi32, #tpu.memory_space<vmem>>) target_semaphore(%run_scoped3A : memref<!tpu.dma_semaphore, #tpu.memory_space<semaphore_mem>>)
      %dma_wait3A_22 = arith.constant 0 : i32
      %dma_wait3A_23 = tpu.memref_slice %arg3[%mul3A_2, %dma_wait3A_22] : memref<32x64xi32, #tpu.memory_space<hbm>> -> memref<1x64xi32, #tpu.memory_space<hbm>>
      %dma_wait3A_24 = arith.constant 0 : i32
      %dma_wait3A_25 = tpu.memref_slice %arg3[%mul3A_2, %dma_wait3A_24] : memref<32x64xi32, #tpu.memory_space<hbm>> -> memref<1x64xi32, #tpu.memory_space<hbm>>
      tpu.wait_dma2 semaphore(%run_scoped3A : memref<!tpu.dma_semaphore, #tpu.memory_space<semaphore_mem>>) src(%dma_wait3A_25 : memref<1x64xi32, #tpu.memory_space<hbm>>) dst(%arg5 : memref<1x64xi32, #tpu.memory_space<vmem>>)
      tpu.yield
    }) : () -> ()
    %scan3A = arith.constant 0 : i32
    %scan3A_3 = arith.constant 0 : i32
    %dma_start3A = arith.constant 0 : i32
    %dma_start3A_4 = tpu.memref_slice %arg5[%scan3A_3, %dma_start3A] : memref<1x64xi32, #tpu.memory_space<vmem>> -> memref<1x64xi32, #tpu.memory_space<vmem>>
    %dma_start3A_5 = tpu.memref_squeeze %dma_start3A_4 : memref<1x64xi32, #tpu.memory_space<vmem>> -> memref<64xi32, #tpu.memory_space<vmem>>
    %dma_start3A_6 = arith.constant 0 : i32
    %dma_start3A_7 = arith.constant 0 : i32
    %dma_start3A_8 = tpu.memref_slice %arg2[%dma_start3A_6, %dma_start3A_7] : memref<256x272xf32, #tpu.memory_space<hbm>> -> memref<256x272xf32, #tpu.memory_space<hbm>>
    tpu.enqueue_indirect_dma source(%dma_start3A_8 : memref<256x272xf32, #tpu.memory_space<hbm>>) target(%arg6 : memref<64x272xf32, #tpu.memory_space<vmem>>) offsets(%dma_start3A_5 : memref<64xi32, #tpu.memory_space<vmem>>) semaphore(%arg7 : memref<!tpu.dma_semaphore, #tpu.memory_space<semaphore_mem>>)
    %dma_wait3A = arith.constant 0 : i32
    %dma_wait3A_9 = tpu.memref_slice %arg5[%scan3A_3, %dma_wait3A] : memref<1x64xi32, #tpu.memory_space<vmem>> -> memref<1x64xi32, #tpu.memory_space<vmem>>
    %dma_wait3A_10 = tpu.memref_squeeze %dma_wait3A_9 : memref<1x64xi32, #tpu.memory_space<vmem>> -> memref<64xi32, #tpu.memory_space<vmem>>
    %dma_wait3A_11 = arith.constant 0 : i32
    %dma_wait3A_12 = arith.constant 0 : i32
    %dma_wait3A_13 = tpu.memref_slice %arg2[%dma_wait3A_11, %dma_wait3A_12] : memref<256x272xf32, #tpu.memory_space<hbm>> -> memref<256x272xf32, #tpu.memory_space<hbm>>
    tpu.wait_indirect_dma semaphore(%arg7 : memref<!tpu.dma_semaphore, #tpu.memory_space<semaphore_mem>>) src(%dma_wait3A_13 : memref<256x272xf32, #tpu.memory_space<hbm>>) dst(%arg6 : memref<64x272xf32, #tpu.memory_space<vmem>>)
    %add3A_14 = arith.addi %mul3A_2, %scan3A_3 : i32
    %mul3A_15 = arith.constant 64 : i32
    %mul3A_16 = arith.muli %add3A_14, %mul3A_15 : i32
    "tpu.region"() ({
      %run_scoped3A = tpu.sem_alloc : memref<!tpu.dma_semaphore, #tpu.memory_space<semaphore_mem>>
      %dma_start3A_18 = arith.constant 0 : i32
      %dma_start3A_19 = tpu.memref_slice %arg4[%mul3A_16, %dma_start3A_18] : memref<2048x272xf32, #tpu.memory_space<hbm>> -> memref<64x272xf32, #tpu.memory_space<hbm>>
      %dma_start3A_20 = arith.constant 0 : i32
      %dma_start3A_21 = tpu.memref_slice %arg4[%mul3A_16, %dma_start3A_20] : memref<2048x272xf32, #tpu.memory_space<hbm>> -> memref<64x272xf32, #tpu.memory_space<hbm>>
      tpu.enqueue_dma source(%arg6 : memref<64x272xf32, #tpu.memory_space<vmem>>) target(%dma_start3A_21 : memref<64x272xf32, #tpu.memory_space<hbm>>) target_semaphore(%run_scoped3A : memref<!tpu.dma_semaphore, #tpu.memory_space<semaphore_mem>>)
      %dma_wait3A_22 = arith.constant 0 : i32
      %dma_wait3A_23 = tpu.memref_slice %arg4[%mul3A_16, %dma_wait3A_22] : memref<2048x272xf32, #tpu.memory_space<hbm>> -> memref<64x272xf32, #tpu.memory_space<hbm>>
      %dma_wait3A_24 = arith.constant 0 : i32
      %dma_wait3A_25 = tpu.memref_slice %arg4[%mul3A_16, %dma_wait3A_24] : memref<2048x272xf32, #tpu.memory_space<hbm>> -> memref<64x272xf32, #tpu.memory_space<hbm>>
      tpu.wait_dma2 semaphore(%run_scoped3A : memref<!tpu.dma_semaphore, #tpu.memory_space<semaphore_mem>>) src(%arg6 : memref<64x272xf32, #tpu.memory_space<vmem>>) dst(%dma_wait3A_25 : memref<64x272xf32, #tpu.memory_space<hbm>>)
      tpu.yield
    }) : () -> ()
    %scan3A_17 = arith.constant 1 : i32
    return
  }
}

module attributes {stable_mosaic.version = 14 : i64} {
  func.func @_knn_body(%arg0: i32, %arg1: i32, %arg2: memref<1x128x3xf32, #tpu.memory_space<vmem>>, %arg3: memref<1x3x8192xf32, #tpu.memory_space<vmem>>, %arg4: memref<1x128x32xi32, #tpu.memory_space<vmem>>) attributes {dimension_semantics = [#tpu.dimension_semantics<arbitrary>, #tpu.dimension_semantics<arbitrary>], iteration_bounds = array<i64: 4, 8>, scalar_prefetch = 0 : i64, scratch_operands = 0 : i64, tpu.core_type = #tpu.core_type<tc>, window_params = [{transform_indices = @transform_0, window_bounds = array<i64: 1, 128, 3>}, {transform_indices = @transform_1, window_bounds = array<i64: 1, 3, 8192>}, {transform_indices = @transform_2, window_bounds = array<i64: 1, 128, 32>}]} {
    %get3A = arith.constant 0 : index
    %get3A_0 = arith.constant 0 : index
    %get3A_1 = arith.constant 0 : index
    %get3A_2 = vector.load %arg2[%get3A, %get3A_0, %get3A_1] : memref<1x128x3xf32, #tpu.memory_space<vmem>>, vector<1x128x3xf32>
    %get3A_3 = vector.shape_cast %get3A_2 : vector<1x128x3xf32> to vector<128x3xf32>
    %iota3A = tpu.iota {dimensions = array<i32: 0>} : vector<3x3xi32>
    %iota3A_4 = tpu.iota {dimensions = array<i32: 1>} : vector<3x3xi32>
    %eq3A = arith.cmpi eq, %iota3A, %iota3A_4 : vector<3x3xi32>
    %convert_element_type3A = arith.extui %eq3A : vector<3x3xi1> to vector<3x3xi32>
    %convert_element_type3A_5 = arith.sitofp %convert_element_type3A : vector<3x3xi32> to vector<3x3xf32>
    %slice3A = vector.extract_strided_slice %convert_element_type3A_5 {offsets = [0, 0], sizes = [3, 1], strides = [1, 1]} : vector<3x3xf32> to vector<3x1xf32>
    %dot_general3A = arith.constant dense<0.000000e+00> : vector<128x1xf32>
    %dot_general3A_6 = tpu.matmul %get3A_3, %slice3A, %dot_general3A {dimension_numbers = #tpu.dot_dimension_numbers<[1], [0], [0], [1], [0, 0, 1, 1], [], []>, transpose_lhs_hint = false} : vector<128x3xf32>, vector<3x1xf32>, vector<128x1xf32> -> vector<128x1xf32>
    %slice3A_7 = vector.extract_strided_slice %convert_element_type3A_5 {offsets = [0, 1], sizes = [3, 1], strides = [1, 1]} : vector<3x3xf32> to vector<3x1xf32>
    %dot_general3A_8 = arith.constant dense<0.000000e+00> : vector<128x1xf32>
    %dot_general3A_9 = tpu.matmul %get3A_3, %slice3A_7, %dot_general3A_8 {dimension_numbers = #tpu.dot_dimension_numbers<[1], [0], [0], [1], [0, 0, 1, 1], [], []>, transpose_lhs_hint = false} : vector<128x3xf32>, vector<3x1xf32>, vector<128x1xf32> -> vector<128x1xf32>
    %slice3A_10 = vector.extract_strided_slice %convert_element_type3A_5 {offsets = [0, 2], sizes = [3, 1], strides = [1, 1]} : vector<3x3xf32> to vector<3x1xf32>
    %dot_general3A_11 = arith.constant dense<0.000000e+00> : vector<128x1xf32>
    %dot_general3A_12 = tpu.matmul %get3A_3, %slice3A_10, %dot_general3A_11 {dimension_numbers = #tpu.dot_dimension_numbers<[1], [0], [0], [1], [0, 0, 1, 1], [], []>, transpose_lhs_hint = false} : vector<128x3xf32>, vector<3x1xf32>, vector<128x1xf32> -> vector<128x1xf32>
    %get3A_13 = arith.constant 0 : index
    %get3A_14 = arith.constant 0 : index
    %get3A_15 = arith.constant 0 : index
    %get3A_16 = vector.load %arg3[%get3A_13, %get3A_14, %get3A_15] : memref<1x3x8192xf32, #tpu.memory_space<vmem>>, vector<1x1x8192xf32>
    %get3A_17 = vector.shape_cast %get3A_16 : vector<1x1x8192xf32> to vector<1x8192xf32>
    %get3A_18 = arith.constant 0 : index
    %get3A_19 = arith.constant 1 : index
    %get3A_20 = arith.constant 0 : index
    %get3A_21 = vector.load %arg3[%get3A_18, %get3A_19, %get3A_20] : memref<1x3x8192xf32, #tpu.memory_space<vmem>>, vector<1x1x8192xf32>
    %get3A_22 = vector.shape_cast %get3A_21 : vector<1x1x8192xf32> to vector<1x8192xf32>
    %get3A_23 = arith.constant 0 : index
    %get3A_24 = arith.constant 2 : index
    %get3A_25 = arith.constant 0 : index
    %get3A_26 = vector.load %arg3[%get3A_23, %get3A_24, %get3A_25] : memref<1x3x8192xf32, #tpu.memory_space<vmem>>, vector<1x1x8192xf32>
    %get3A_27 = vector.shape_cast %get3A_26 : vector<1x1x8192xf32> to vector<1x8192xf32>
    %sub3A = vector.broadcast %dot_general3A_6 : vector<128x1xf32> to vector<128x8192xf32>
    %sub3A_28 = vector.broadcast %get3A_17 : vector<1x8192xf32> to vector<128x8192xf32>
    %sub3A_29 = arith.subf %sub3A, %sub3A_28 : vector<128x8192xf32>
    %sub3A_30 = vector.broadcast %dot_general3A_9 : vector<128x1xf32> to vector<128x8192xf32>
    %sub3A_31 = vector.broadcast %get3A_22 : vector<1x8192xf32> to vector<128x8192xf32>
    %sub3A_32 = arith.subf %sub3A_30, %sub3A_31 : vector<128x8192xf32>
    %sub3A_33 = vector.broadcast %dot_general3A_12 : vector<128x1xf32> to vector<128x8192xf32>
    %sub3A_34 = vector.broadcast %get3A_27 : vector<1x8192xf32> to vector<128x8192xf32>
    %sub3A_35 = arith.subf %sub3A_33, %sub3A_34 : vector<128x8192xf32>
    %mul3A = arith.mulf %sub3A_29, %sub3A_29 : vector<128x8192xf32>
    %mul3A_36 = arith.mulf %sub3A_32, %sub3A_32 : vector<128x8192xf32>
    %add3A = arith.addf %mul3A, %mul3A_36 : vector<128x8192xf32>
    %mul3A_37 = arith.mulf %sub3A_35, %sub3A_35 : vector<128x8192xf32>
    %add3A_38 = arith.addf %add3A, %mul3A_37 : vector<128x8192xf32>
    %iota3A_39 = tpu.iota {dimensions = array<i32: 1>} : vector<128x8192xi32>
    %iota3A_40 = tpu.iota {dimensions = array<i32: 1>} : vector<128x32xi32>
    %scan3A = arith.constant 0 : i32
    %scan3A_41 = arith.constant 32 : i32
    %scan3A_42 = arith.addi %scan3A, %scan3A_41 : i32
    %scan3A_43 = arith.constant 1 : i32
    %scan3A_44 = scf.for %scan3A_46 = %scan3A to %scan3A_42 step %scan3A_43 iter_args(%scan3A_47 = %add3A_38) -> (vector<128x8192xf32>)  : i32 {
      %argmin3A = tpu.reduce_index %scan3A_47 {axis = 1 : i32, kind = #tpu.reduction_kind<arg_min>} : vector<128x8192xf32> -> vector<128xi32>
      %broadcast_in_dim3A = vector.shape_cast %argmin3A : vector<128xi32> to vector<128x1xi32>
      %eq3A_48 = vector.broadcast %scan3A_46 : i32 to vector<128x32xi32>
      %eq3A_49 = arith.cmpi eq, %iota3A_40, %eq3A_48 : vector<128x32xi32>
      %get3A_50 = arith.constant 0 : index
      %get3A_51 = arith.constant 0 : index
      %get3A_52 = arith.constant 0 : index
      %get3A_53 = vector.load %arg4[%get3A_50, %get3A_51, %get3A_52] : memref<1x128x32xi32, #tpu.memory_space<vmem>>, vector<1x128x32xi32>
      %get3A_54 = vector.shape_cast %get3A_53 : vector<1x128x32xi32> to vector<128x32xi32>
      %broadcast_in_dim3A_55 = vector.shape_cast %broadcast_in_dim3A : vector<128x1xi32> to vector<128x1xi32>
      %broadcast_in_dim3A_56 = vector.broadcast %broadcast_in_dim3A_55 : vector<128x1xi32> to vector<128x32xi32>
      %select_n3A = arith.select %eq3A_49, %broadcast_in_dim3A_56, %get3A_54 : vector<128x32xi1>, vector<128x32xi32>
      %swap3A = arith.constant 0 : index
      %swap3A_57 = arith.constant 0 : index
      %swap3A_58 = arith.constant 0 : index
      %swap3A_59 = vector.load %arg4[%swap3A, %swap3A_57, %swap3A_58] : memref<1x128x32xi32, #tpu.memory_space<vmem>>, vector<1x128x32xi32>
      %swap3A_60 = vector.shape_cast %swap3A_59 : vector<1x128x32xi32> to vector<128x32xi32>
      %swap3A_61 = vector.shape_cast %select_n3A : vector<128x32xi32> to vector<1x128x32xi32>
      tpu.vector_store %arg4[%swap3A, %swap3A_57, %swap3A_58], %swap3A_61 {strides = array<i32>} : memref<1x128x32xi32, #tpu.memory_space<vmem>>, vector<1x128x32xi32>,
      %eq3A_62 = vector.broadcast %broadcast_in_dim3A : vector<128x1xi32> to vector<128x8192xi32>
      %eq3A_63 = arith.cmpi eq, %iota3A_39, %eq3A_62 : vector<128x8192xi32>
      %jit3A = arith.constant 0x7F800000 : f32
      %broadcast_in_dim3A_64 = vector.broadcast %jit3A : f32 to vector<128x8192xf32>
      %select_n3A_65 = arith.select %eq3A_63, %broadcast_in_dim3A_64, %scan3A_47 : vector<128x8192xi1>, vector<128x8192xf32>
      scf.yield %select_n3A_65 : vector<128x8192xf32>
    }
    %scan3A_45 = arith.constant 32 : i32
    return
  }
  func.func @transform_0(%arg0: i32, %arg1: i32) -> (i32, i32, i32) {
    %c0_i32 = arith.constant 0 : i32
    %c0_i32_0 = arith.constant 0 : i32
    return %arg0, %arg1, %c0_i32 : i32, i32, i32
  }
  func.func @transform_1(%arg0: i32, %arg1: i32) -> (i32, i32, i32) {
    %c0_i32 = arith.constant 0 : i32
    %c0_i32_0 = arith.constant 0 : i32
    %c0_i32_1 = arith.constant 0 : i32
    return %arg0, %c0_i32, %c0_i32_0 : i32, i32, i32
  }
  func.func @transform_2(%arg0: i32, %arg1: i32) -> (i32, i32, i32) {
    %c0_i32 = arith.constant 0 : i32
    %c0_i32_0 = arith.constant 0 : i32
    return %arg0, %arg1, %c0_i32 : i32, i32, i32
  }
}

module attributes {stable_mosaic.version = 14 : i64} {
  func.func @_knn_body(%arg0: i32, %arg1: i32, %arg2: memref<1x128x3xf32, #tpu.memory_space<vmem>>, %arg3: memref<1x3x1024xf32, #tpu.memory_space<vmem>>, %arg4: memref<1x128x32xi32, #tpu.memory_space<vmem>>) attributes {dimension_semantics = [#tpu.dimension_semantics<arbitrary>, #tpu.dimension_semantics<arbitrary>], iteration_bounds = array<i64: 4, 2>, scalar_prefetch = 0 : i64, scratch_operands = 0 : i64, tpu.core_type = #tpu.core_type<tc>, window_params = [{transform_indices = @transform_0, window_bounds = array<i64: 1, 128, 3>}, {transform_indices = @transform_1, window_bounds = array<i64: 1, 3, 1024>}, {transform_indices = @transform_2, window_bounds = array<i64: 1, 128, 32>}]} {
    %get3A = arith.constant 0 : index
    %get3A_0 = arith.constant 0 : index
    %get3A_1 = arith.constant 0 : index
    %get3A_2 = vector.load %arg2[%get3A, %get3A_0, %get3A_1] : memref<1x128x3xf32, #tpu.memory_space<vmem>>, vector<1x128x3xf32>
    %get3A_3 = vector.shape_cast %get3A_2 : vector<1x128x3xf32> to vector<128x3xf32>
    %iota3A = tpu.iota {dimensions = array<i32: 0>} : vector<3x3xi32>
    %iota3A_4 = tpu.iota {dimensions = array<i32: 1>} : vector<3x3xi32>
    %eq3A = arith.cmpi eq, %iota3A, %iota3A_4 : vector<3x3xi32>
    %convert_element_type3A = arith.extui %eq3A : vector<3x3xi1> to vector<3x3xi32>
    %convert_element_type3A_5 = arith.sitofp %convert_element_type3A : vector<3x3xi32> to vector<3x3xf32>
    %slice3A = vector.extract_strided_slice %convert_element_type3A_5 {offsets = [0, 0], sizes = [3, 1], strides = [1, 1]} : vector<3x3xf32> to vector<3x1xf32>
    %dot_general3A = arith.constant dense<0.000000e+00> : vector<128x1xf32>
    %dot_general3A_6 = tpu.matmul %get3A_3, %slice3A, %dot_general3A {dimension_numbers = #tpu.dot_dimension_numbers<[1], [0], [0], [1], [0, 0, 1, 1], [], []>, transpose_lhs_hint = false} : vector<128x3xf32>, vector<3x1xf32>, vector<128x1xf32> -> vector<128x1xf32>
    %slice3A_7 = vector.extract_strided_slice %convert_element_type3A_5 {offsets = [0, 1], sizes = [3, 1], strides = [1, 1]} : vector<3x3xf32> to vector<3x1xf32>
    %dot_general3A_8 = arith.constant dense<0.000000e+00> : vector<128x1xf32>
    %dot_general3A_9 = tpu.matmul %get3A_3, %slice3A_7, %dot_general3A_8 {dimension_numbers = #tpu.dot_dimension_numbers<[1], [0], [0], [1], [0, 0, 1, 1], [], []>, transpose_lhs_hint = false} : vector<128x3xf32>, vector<3x1xf32>, vector<128x1xf32> -> vector<128x1xf32>
    %slice3A_10 = vector.extract_strided_slice %convert_element_type3A_5 {offsets = [0, 2], sizes = [3, 1], strides = [1, 1]} : vector<3x3xf32> to vector<3x1xf32>
    %dot_general3A_11 = arith.constant dense<0.000000e+00> : vector<128x1xf32>
    %dot_general3A_12 = tpu.matmul %get3A_3, %slice3A_10, %dot_general3A_11 {dimension_numbers = #tpu.dot_dimension_numbers<[1], [0], [0], [1], [0, 0, 1, 1], [], []>, transpose_lhs_hint = false} : vector<128x3xf32>, vector<3x1xf32>, vector<128x1xf32> -> vector<128x1xf32>
    %get3A_13 = arith.constant 0 : index
    %get3A_14 = arith.constant 0 : index
    %get3A_15 = arith.constant 0 : index
    %get3A_16 = vector.load %arg3[%get3A_13, %get3A_14, %get3A_15] : memref<1x3x1024xf32, #tpu.memory_space<vmem>>, vector<1x1x1024xf32>
    %get3A_17 = vector.shape_cast %get3A_16 : vector<1x1x1024xf32> to vector<1x1024xf32>
    %get3A_18 = arith.constant 0 : index
    %get3A_19 = arith.constant 1 : index
    %get3A_20 = arith.constant 0 : index
    %get3A_21 = vector.load %arg3[%get3A_18, %get3A_19, %get3A_20] : memref<1x3x1024xf32, #tpu.memory_space<vmem>>, vector<1x1x1024xf32>
    %get3A_22 = vector.shape_cast %get3A_21 : vector<1x1x1024xf32> to vector<1x1024xf32>
    %get3A_23 = arith.constant 0 : index
    %get3A_24 = arith.constant 2 : index
    %get3A_25 = arith.constant 0 : index
    %get3A_26 = vector.load %arg3[%get3A_23, %get3A_24, %get3A_25] : memref<1x3x1024xf32, #tpu.memory_space<vmem>>, vector<1x1x1024xf32>
    %get3A_27 = vector.shape_cast %get3A_26 : vector<1x1x1024xf32> to vector<1x1024xf32>
    %sub3A = vector.broadcast %dot_general3A_6 : vector<128x1xf32> to vector<128x1024xf32>
    %sub3A_28 = vector.broadcast %get3A_17 : vector<1x1024xf32> to vector<128x1024xf32>
    %sub3A_29 = arith.subf %sub3A, %sub3A_28 : vector<128x1024xf32>
    %sub3A_30 = vector.broadcast %dot_general3A_9 : vector<128x1xf32> to vector<128x1024xf32>
    %sub3A_31 = vector.broadcast %get3A_22 : vector<1x1024xf32> to vector<128x1024xf32>
    %sub3A_32 = arith.subf %sub3A_30, %sub3A_31 : vector<128x1024xf32>
    %sub3A_33 = vector.broadcast %dot_general3A_12 : vector<128x1xf32> to vector<128x1024xf32>
    %sub3A_34 = vector.broadcast %get3A_27 : vector<1x1024xf32> to vector<128x1024xf32>
    %sub3A_35 = arith.subf %sub3A_33, %sub3A_34 : vector<128x1024xf32>
    %mul3A = arith.mulf %sub3A_29, %sub3A_29 : vector<128x1024xf32>
    %mul3A_36 = arith.mulf %sub3A_32, %sub3A_32 : vector<128x1024xf32>
    %add3A = arith.addf %mul3A, %mul3A_36 : vector<128x1024xf32>
    %mul3A_37 = arith.mulf %sub3A_35, %sub3A_35 : vector<128x1024xf32>
    %add3A_38 = arith.addf %add3A, %mul3A_37 : vector<128x1024xf32>
    %iota3A_39 = tpu.iota {dimensions = array<i32: 1>} : vector<128x1024xi32>
    %iota3A_40 = tpu.iota {dimensions = array<i32: 1>} : vector<128x32xi32>
    %scan3A = arith.constant 0 : i32
    %scan3A_41 = arith.constant 32 : i32
    %scan3A_42 = arith.addi %scan3A, %scan3A_41 : i32
    %scan3A_43 = arith.constant 1 : i32
    %scan3A_44 = scf.for %scan3A_46 = %scan3A to %scan3A_42 step %scan3A_43 iter_args(%scan3A_47 = %add3A_38) -> (vector<128x1024xf32>)  : i32 {
      %argmin3A = tpu.reduce_index %scan3A_47 {axis = 1 : i32, kind = #tpu.reduction_kind<arg_min>} : vector<128x1024xf32> -> vector<128xi32>
      %broadcast_in_dim3A = vector.shape_cast %argmin3A : vector<128xi32> to vector<128x1xi32>
      %eq3A_48 = vector.broadcast %scan3A_46 : i32 to vector<128x32xi32>
      %eq3A_49 = arith.cmpi eq, %iota3A_40, %eq3A_48 : vector<128x32xi32>
      %get3A_50 = arith.constant 0 : index
      %get3A_51 = arith.constant 0 : index
      %get3A_52 = arith.constant 0 : index
      %get3A_53 = vector.load %arg4[%get3A_50, %get3A_51, %get3A_52] : memref<1x128x32xi32, #tpu.memory_space<vmem>>, vector<1x128x32xi32>
      %get3A_54 = vector.shape_cast %get3A_53 : vector<1x128x32xi32> to vector<128x32xi32>
      %broadcast_in_dim3A_55 = vector.shape_cast %broadcast_in_dim3A : vector<128x1xi32> to vector<128x1xi32>
      %broadcast_in_dim3A_56 = vector.broadcast %broadcast_in_dim3A_55 : vector<128x1xi32> to vector<128x32xi32>
      %select_n3A = arith.select %eq3A_49, %broadcast_in_dim3A_56, %get3A_54 : vector<128x32xi1>, vector<128x32xi32>
      %swap3A = arith.constant 0 : index
      %swap3A_57 = arith.constant 0 : index
      %swap3A_58 = arith.constant 0 : index
      %swap3A_59 = vector.load %arg4[%swap3A, %swap3A_57, %swap3A_58] : memref<1x128x32xi32, #tpu.memory_space<vmem>>, vector<1x128x32xi32>
      %swap3A_60 = vector.shape_cast %swap3A_59 : vector<1x128x32xi32> to vector<128x32xi32>
      %swap3A_61 = vector.shape_cast %select_n3A : vector<128x32xi32> to vector<1x128x32xi32>
      tpu.vector_store %arg4[%swap3A, %swap3A_57, %swap3A_58], %swap3A_61 {strides = array<i32>} : memref<1x128x32xi32, #tpu.memory_space<vmem>>, vector<1x128x32xi32>,
      %eq3A_62 = vector.broadcast %broadcast_in_dim3A : vector<128x1xi32> to vector<128x1024xi32>
      %eq3A_63 = arith.cmpi eq, %iota3A_39, %eq3A_62 : vector<128x1024xi32>
      %jit3A = arith.constant 0x7F800000 : f32
      %broadcast_in_dim3A_64 = vector.broadcast %jit3A : f32 to vector<128x1024xf32>
      %select_n3A_65 = arith.select %eq3A_63, %broadcast_in_dim3A_64, %scan3A_47 : vector<128x1024xi1>, vector<128x1024xf32>
      scf.yield %select_n3A_65 : vector<128x1024xf32>
    }
    %scan3A_45 = arith.constant 32 : i32
    return
  }
  func.func @transform_0(%arg0: i32, %arg1: i32) -> (i32, i32, i32) {
    %c0_i32 = arith.constant 0 : i32
    %c0_i32_0 = arith.constant 0 : i32
    return %arg0, %arg1, %c0_i32 : i32, i32, i32
  }
  func.func @transform_1(%arg0: i32, %arg1: i32) -> (i32, i32, i32) {
    %c0_i32 = arith.constant 0 : i32
    %c0_i32_0 = arith.constant 0 : i32
    %c0_i32_1 = arith.constant 0 : i32
    return %arg0, %c0_i32, %c0_i32_0 : i32, i32, i32
  }
  func.func @transform_2(%arg0: i32, %arg1: i32) -> (i32, i32, i32) {
    %c0_i32 = arith.constant 0 : i32
    %c0_i32_0 = arith.constant 0 : i32
    return %arg0, %arg1, %c0_i32 : i32, i32, i32
  }
}

module attributes {stable_mosaic.version = 14 : i64} {
  func.func @_sa_body(%arg0: i32, %arg1: memref<4096x16xf32, #tpu.memory_space<vmem>>, %arg2: memref<128x3xf32, #tpu.memory_space<vmem>>, %arg3: memref<16x32xf32, #tpu.memory_space<vmem>>, %arg4: memref<1x32xf32, #tpu.memory_space<vmem>>, %arg5: memref<32x32xf32, #tpu.memory_space<vmem>>, %arg6: memref<1x32xf32, #tpu.memory_space<vmem>>, %arg7: memref<32x64xf32, #tpu.memory_space<vmem>>, %arg8: memref<1x64xf32, #tpu.memory_space<vmem>>, %arg9: memref<128x64xf32, #tpu.memory_space<vmem>>) attributes {dimension_semantics = [#tpu.dimension_semantics<arbitrary>], iteration_bounds = array<i64: 32>, scalar_prefetch = 0 : i64, scratch_operands = 0 : i64, tpu.core_type = #tpu.core_type<tc>, window_params = [{transform_indices = @transform_0, window_bounds = array<i64: 4096, 16>}, {transform_indices = @transform_1, window_bounds = array<i64: 128, 3>}, {pipeline_mode = #tpu.pipeline_mode<synchronous>, transform_indices = @transform_2, window_bounds = array<i64: 16, 32>}, {pipeline_mode = #tpu.pipeline_mode<synchronous>, transform_indices = @transform_3, window_bounds = array<i64: 1, 32>}, {pipeline_mode = #tpu.pipeline_mode<synchronous>, transform_indices = @transform_4, window_bounds = array<i64: 32, 32>}, {pipeline_mode = #tpu.pipeline_mode<synchronous>, transform_indices = @transform_5, window_bounds = array<i64: 1, 32>}, {pipeline_mode = #tpu.pipeline_mode<synchronous>, transform_indices = @transform_6, window_bounds = array<i64: 32, 64>}, {pipeline_mode = #tpu.pipeline_mode<synchronous>, transform_indices = @transform_7, window_bounds = array<i64: 1, 64>}, {transform_indices = @transform_8, window_bounds = array<i64: 128, 64>}]} {
    %get3A = arith.constant 0 : index
    %get3A_0 = arith.constant 0 : index
    %get3A_1 = vector.load %arg3[%get3A, %get3A_0] : memref<16x32xf32, #tpu.memory_space<vmem>>, vector<16x32xf32>
    %get3A_2 = arith.constant 0 : index
    %get3A_3 = arith.constant 0 : index
    %get3A_4 = vector.load %arg4[%get3A_2, %get3A_3] : memref<1x32xf32, #tpu.memory_space<vmem>>, vector<1x32xf32>
    %get3A_5 = arith.constant 0 : index
    %get3A_6 = arith.constant 0 : index
    %get3A_7 = vector.load %arg1[%get3A_5, %get3A_6] : memref<4096x16xf32, #tpu.memory_space<vmem>>, vector<4096x16xf32>
    %dot_general3A = arith.constant dense<0.000000e+00> : vector<4096x32xf32>
    %dot_general3A_8 = tpu.matmul %get3A_7, %get3A_1, %dot_general3A {dimension_numbers = #tpu.dot_dimension_numbers<[1], [0], [0], [1], [0, 0, 1, 1], [], []>, transpose_lhs_hint = false} : vector<4096x16xf32>, vector<16x32xf32>, vector<4096x32xf32> -> vector<4096x32xf32>
    %add3A = vector.broadcast %get3A_4 : vector<1x32xf32> to vector<4096x32xf32>
    %add3A_9 = arith.addf %dot_general3A_8, %add3A : vector<4096x32xf32>
    %get3A_10 = arith.constant 0 : index
    %get3A_11 = arith.constant 0 : index
    %get3A_12 = vector.load %arg2[%get3A_10, %get3A_11] : memref<128x3xf32, #tpu.memory_space<vmem>>, vector<128x3xf32>
    %slice3A = vector.extract_strided_slice %get3A_1 {offsets = [0, 0], sizes = [3, 32], strides = [1, 1]} : vector<16x32xf32> to vector<3x32xf32>
    %dot_general3A_13 = arith.constant dense<0.000000e+00> : vector<128x32xf32>
    %dot_general3A_14 = tpu.matmul %get3A_12, %slice3A, %dot_general3A_13 {dimension_numbers = #tpu.dot_dimension_numbers<[1], [0], [0], [1], [0, 0, 1, 1], [], []>, transpose_lhs_hint = false} : vector<128x3xf32>, vector<3x32xf32>, vector<128x32xf32> -> vector<128x32xf32>
    %reshape3A = vector.shape_cast %add3A_9 : vector<4096x32xf32> to vector<128x32x32xf32>
    %broadcast_in_dim3A = vector.shape_cast %dot_general3A_14 : vector<128x32xf32> to vector<128x1x32xf32>
    %sub3A = vector.broadcast %broadcast_in_dim3A : vector<128x1x32xf32> to vector<128x32x32xf32>
    %sub3A_15 = arith.subf %reshape3A, %sub3A : vector<128x32x32xf32>
    %max3A = arith.constant 0.000000e+00 : f32
    %max3A_16 = vector.broadcast %max3A : f32 to vector<128x32x32xf32>
    %max3A_17 = arith.maximumf %sub3A_15, %max3A_16 : vector<128x32x32xf32>
    %reshape3A_18 = vector.shape_cast %max3A_17 : vector<128x32x32xf32> to vector<4096x32xf32>
    %get3A_19 = arith.constant 0 : index
    %get3A_20 = arith.constant 0 : index
    %get3A_21 = vector.load %arg5[%get3A_19, %get3A_20] : memref<32x32xf32, #tpu.memory_space<vmem>>, vector<32x32xf32>
    %get3A_22 = arith.constant 0 : index
    %get3A_23 = arith.constant 0 : index
    %get3A_24 = vector.load %arg6[%get3A_22, %get3A_23] : memref<1x32xf32, #tpu.memory_space<vmem>>, vector<1x32xf32>
    %dot_general3A_25 = arith.constant dense<0.000000e+00> : vector<4096x32xf32>
    %dot_general3A_26 = tpu.matmul %reshape3A_18, %get3A_21, %dot_general3A_25 {dimension_numbers = #tpu.dot_dimension_numbers<[1], [0], [0], [1], [0, 0, 1, 1], [], []>, transpose_lhs_hint = false} : vector<4096x32xf32>, vector<32x32xf32>, vector<4096x32xf32> -> vector<4096x32xf32>
    %add3A_27 = vector.broadcast %get3A_24 : vector<1x32xf32> to vector<4096x32xf32>
    %add3A_28 = arith.addf %dot_general3A_26, %add3A_27 : vector<4096x32xf32>
    %max3A_29 = arith.constant 0.000000e+00 : f32
    %max3A_30 = vector.broadcast %max3A_29 : f32 to vector<4096x32xf32>
    %max3A_31 = arith.maximumf %add3A_28, %max3A_30 : vector<4096x32xf32>
    %get3A_32 = arith.constant 0 : index
    %get3A_33 = arith.constant 0 : index
    %get3A_34 = vector.load %arg7[%get3A_32, %get3A_33] : memref<32x64xf32, #tpu.memory_space<vmem>>, vector<32x64xf32>
    %get3A_35 = arith.constant 0 : index
    %get3A_36 = arith.constant 0 : index
    %get3A_37 = vector.load %arg8[%get3A_35, %get3A_36] : memref<1x64xf32, #tpu.memory_space<vmem>>, vector<1x64xf32>
    %dot_general3A_38 = arith.constant dense<0.000000e+00> : vector<4096x64xf32>
    %dot_general3A_39 = tpu.matmul %max3A_31, %get3A_34, %dot_general3A_38 {dimension_numbers = #tpu.dot_dimension_numbers<[1], [0], [0], [1], [0, 0, 1, 1], [], []>, transpose_lhs_hint = false} : vector<4096x32xf32>, vector<32x64xf32>, vector<4096x64xf32> -> vector<4096x64xf32>
    %add3A_40 = vector.broadcast %get3A_37 : vector<1x64xf32> to vector<4096x64xf32>
    %add3A_41 = arith.addf %dot_general3A_39, %add3A_40 : vector<4096x64xf32>
    %max3A_42 = arith.constant 0.000000e+00 : f32
    %max3A_43 = vector.broadcast %max3A_42 : f32 to vector<4096x64xf32>
    %max3A_44 = arith.maximumf %add3A_41, %max3A_43 : vector<4096x64xf32>
    %reshape3A_45 = vector.shape_cast %max3A_44 : vector<4096x64xf32> to vector<128x32x64xf32>
    %reduce_max3A = arith.constant dense<0xFF800000> : vector<128x64xf32>
    %reduce_max3A_46 = vector.multi_reduction <maximumf>, %reshape3A_45, %reduce_max3A [1] : vector<128x32x64xf32> to vector<128x64xf32>
    %swap3A = arith.constant 0 : index
    %swap3A_47 = arith.constant 0 : index
    %swap3A_48 = vector.load %arg9[%swap3A, %swap3A_47] : memref<128x64xf32, #tpu.memory_space<vmem>>, vector<128x64xf32>
    tpu.vector_store %arg9[%swap3A, %swap3A_47], %reduce_max3A_46 {strides = array<i32>} : memref<128x64xf32, #tpu.memory_space<vmem>>, vector<128x64xf32>,
    return
  }
  func.func @transform_0(%arg0: i32) -> (i32, i32) {
    %c0_i32 = arith.constant 0 : i32
    %c0_i32_0 = arith.constant 0 : i32
    return %arg0, %c0_i32 : i32, i32
  }
  func.func @transform_1(%arg0: i32) -> (i32, i32) {
    %c0_i32 = arith.constant 0 : i32
    %c0_i32_0 = arith.constant 0 : i32
    return %arg0, %c0_i32 : i32, i32
  }
  func.func @transform_2(%arg0: i32) -> (i32, i32) {
    %c0_i32 = arith.constant 0 : i32
    %c0_i32_0 = arith.constant 0 : i32
    %c0_i32_1 = arith.constant 0 : i32
    return %c0_i32, %c0_i32_0 : i32, i32
  }
  func.func @transform_3(%arg0: i32) -> (i32, i32) {
    %c0_i32 = arith.constant 0 : i32
    %c0_i32_0 = arith.constant 0 : i32
    %c0_i32_1 = arith.constant 0 : i32
    return %c0_i32, %c0_i32_0 : i32, i32
  }
  func.func @transform_4(%arg0: i32) -> (i32, i32) {
    %c0_i32 = arith.constant 0 : i32
    %c0_i32_0 = arith.constant 0 : i32
    %c0_i32_1 = arith.constant 0 : i32
    return %c0_i32, %c0_i32_0 : i32, i32
  }
  func.func @transform_5(%arg0: i32) -> (i32, i32) {
    %c0_i32 = arith.constant 0 : i32
    %c0_i32_0 = arith.constant 0 : i32
    %c0_i32_1 = arith.constant 0 : i32
    return %c0_i32, %c0_i32_0 : i32, i32
  }
  func.func @transform_6(%arg0: i32) -> (i32, i32) {
    %c0_i32 = arith.constant 0 : i32
    %c0_i32_0 = arith.constant 0 : i32
    %c0_i32_1 = arith.constant 0 : i32
    return %c0_i32, %c0_i32_0 : i32, i32
  }
  func.func @transform_7(%arg0: i32) -> (i32, i32) {
    %c0_i32 = arith.constant 0 : i32
    %c0_i32_0 = arith.constant 0 : i32
    %c0_i32_1 = arith.constant 0 : i32
    return %c0_i32, %c0_i32_0 : i32, i32
  }
  func.func @transform_8(%arg0: i32) -> (i32, i32) {
    %c0_i32 = arith.constant 0 : i32
    %c0_i32_0 = arith.constant 0 : i32
    return %arg0, %c0_i32 : i32, i32
  }
}

module attributes {stable_mosaic.version = 14 : i64} {
  func.func @_knn_body(%arg0: i32, %arg1: i32, %arg2: memref<1x64x3xf32, #tpu.memory_space<vmem>>, %arg3: memref<1x3x256xf32, #tpu.memory_space<vmem>>, %arg4: memref<1x64x32xi32, #tpu.memory_space<vmem>>) attributes {dimension_semantics = [#tpu.dimension_semantics<arbitrary>, #tpu.dimension_semantics<arbitrary>], iteration_bounds = array<i64: 4, 1>, scalar_prefetch = 0 : i64, scratch_operands = 0 : i64, tpu.core_type = #tpu.core_type<tc>, window_params = [{transform_indices = @transform_0, window_bounds = array<i64: 1, 64, 3>}, {transform_indices = @transform_1, window_bounds = array<i64: 1, 3, 256>}, {transform_indices = @transform_2, window_bounds = array<i64: 1, 64, 32>}]} {
    %get3A = arith.constant 0 : index
    %get3A_0 = arith.constant 0 : index
    %get3A_1 = arith.constant 0 : index
    %get3A_2 = vector.load %arg2[%get3A, %get3A_0, %get3A_1] : memref<1x64x3xf32, #tpu.memory_space<vmem>>, vector<1x64x3xf32>
    %get3A_3 = vector.shape_cast %get3A_2 : vector<1x64x3xf32> to vector<64x3xf32>
    %iota3A = tpu.iota {dimensions = array<i32: 0>} : vector<3x3xi32>
    %iota3A_4 = tpu.iota {dimensions = array<i32: 1>} : vector<3x3xi32>
    %eq3A = arith.cmpi eq, %iota3A, %iota3A_4 : vector<3x3xi32>
    %convert_element_type3A = arith.extui %eq3A : vector<3x3xi1> to vector<3x3xi32>
    %convert_element_type3A_5 = arith.sitofp %convert_element_type3A : vector<3x3xi32> to vector<3x3xf32>
    %slice3A = vector.extract_strided_slice %convert_element_type3A_5 {offsets = [0, 0], sizes = [3, 1], strides = [1, 1]} : vector<3x3xf32> to vector<3x1xf32>
    %dot_general3A = arith.constant dense<0.000000e+00> : vector<64x1xf32>
    %dot_general3A_6 = tpu.matmul %get3A_3, %slice3A, %dot_general3A {dimension_numbers = #tpu.dot_dimension_numbers<[1], [0], [0], [1], [0, 0, 1, 1], [], []>, transpose_lhs_hint = false} : vector<64x3xf32>, vector<3x1xf32>, vector<64x1xf32> -> vector<64x1xf32>
    %slice3A_7 = vector.extract_strided_slice %convert_element_type3A_5 {offsets = [0, 1], sizes = [3, 1], strides = [1, 1]} : vector<3x3xf32> to vector<3x1xf32>
    %dot_general3A_8 = arith.constant dense<0.000000e+00> : vector<64x1xf32>
    %dot_general3A_9 = tpu.matmul %get3A_3, %slice3A_7, %dot_general3A_8 {dimension_numbers = #tpu.dot_dimension_numbers<[1], [0], [0], [1], [0, 0, 1, 1], [], []>, transpose_lhs_hint = false} : vector<64x3xf32>, vector<3x1xf32>, vector<64x1xf32> -> vector<64x1xf32>
    %slice3A_10 = vector.extract_strided_slice %convert_element_type3A_5 {offsets = [0, 2], sizes = [3, 1], strides = [1, 1]} : vector<3x3xf32> to vector<3x1xf32>
    %dot_general3A_11 = arith.constant dense<0.000000e+00> : vector<64x1xf32>
    %dot_general3A_12 = tpu.matmul %get3A_3, %slice3A_10, %dot_general3A_11 {dimension_numbers = #tpu.dot_dimension_numbers<[1], [0], [0], [1], [0, 0, 1, 1], [], []>, transpose_lhs_hint = false} : vector<64x3xf32>, vector<3x1xf32>, vector<64x1xf32> -> vector<64x1xf32>
    %get3A_13 = arith.constant 0 : index
    %get3A_14 = arith.constant 0 : index
    %get3A_15 = arith.constant 0 : index
    %get3A_16 = vector.load %arg3[%get3A_13, %get3A_14, %get3A_15] : memref<1x3x256xf32, #tpu.memory_space<vmem>>, vector<1x1x256xf32>
    %get3A_17 = vector.shape_cast %get3A_16 : vector<1x1x256xf32> to vector<1x256xf32>
    %get3A_18 = arith.constant 0 : index
    %get3A_19 = arith.constant 1 : index
    %get3A_20 = arith.constant 0 : index
    %get3A_21 = vector.load %arg3[%get3A_18, %get3A_19, %get3A_20] : memref<1x3x256xf32, #tpu.memory_space<vmem>>, vector<1x1x256xf32>
    %get3A_22 = vector.shape_cast %get3A_21 : vector<1x1x256xf32> to vector<1x256xf32>
    %get3A_23 = arith.constant 0 : index
    %get3A_24 = arith.constant 2 : index
    %get3A_25 = arith.constant 0 : index
    %get3A_26 = vector.load %arg3[%get3A_23, %get3A_24, %get3A_25] : memref<1x3x256xf32, #tpu.memory_space<vmem>>, vector<1x1x256xf32>
    %get3A_27 = vector.shape_cast %get3A_26 : vector<1x1x256xf32> to vector<1x256xf32>
    %sub3A = vector.broadcast %dot_general3A_6 : vector<64x1xf32> to vector<64x256xf32>
    %sub3A_28 = vector.broadcast %get3A_17 : vector<1x256xf32> to vector<64x256xf32>
    %sub3A_29 = arith.subf %sub3A, %sub3A_28 : vector<64x256xf32>
    %sub3A_30 = vector.broadcast %dot_general3A_9 : vector<64x1xf32> to vector<64x256xf32>
    %sub3A_31 = vector.broadcast %get3A_22 : vector<1x256xf32> to vector<64x256xf32>
    %sub3A_32 = arith.subf %sub3A_30, %sub3A_31 : vector<64x256xf32>
    %sub3A_33 = vector.broadcast %dot_general3A_12 : vector<64x1xf32> to vector<64x256xf32>
    %sub3A_34 = vector.broadcast %get3A_27 : vector<1x256xf32> to vector<64x256xf32>
    %sub3A_35 = arith.subf %sub3A_33, %sub3A_34 : vector<64x256xf32>
    %mul3A = arith.mulf %sub3A_29, %sub3A_29 : vector<64x256xf32>
    %mul3A_36 = arith.mulf %sub3A_32, %sub3A_32 : vector<64x256xf32>
    %add3A = arith.addf %mul3A, %mul3A_36 : vector<64x256xf32>
    %mul3A_37 = arith.mulf %sub3A_35, %sub3A_35 : vector<64x256xf32>
    %add3A_38 = arith.addf %add3A, %mul3A_37 : vector<64x256xf32>
    %iota3A_39 = tpu.iota {dimensions = array<i32: 1>} : vector<64x256xi32>
    %iota3A_40 = tpu.iota {dimensions = array<i32: 1>} : vector<64x32xi32>
    %scan3A = arith.constant 0 : i32
    %scan3A_41 = arith.constant 32 : i32
    %scan3A_42 = arith.addi %scan3A, %scan3A_41 : i32
    %scan3A_43 = arith.constant 1 : i32
    %scan3A_44 = scf.for %scan3A_46 = %scan3A to %scan3A_42 step %scan3A_43 iter_args(%scan3A_47 = %add3A_38) -> (vector<64x256xf32>)  : i32 {
      %argmin3A = tpu.reduce_index %scan3A_47 {axis = 1 : i32, kind = #tpu.reduction_kind<arg_min>} : vector<64x256xf32> -> vector<64xi32>
      %broadcast_in_dim3A = vector.shape_cast %argmin3A : vector<64xi32> to vector<64x1xi32>
      %eq3A_48 = vector.broadcast %scan3A_46 : i32 to vector<64x32xi32>
      %eq3A_49 = arith.cmpi eq, %iota3A_40, %eq3A_48 : vector<64x32xi32>
      %get3A_50 = arith.constant 0 : index
      %get3A_51 = arith.constant 0 : index
      %get3A_52 = arith.constant 0 : index
      %get3A_53 = vector.load %arg4[%get3A_50, %get3A_51, %get3A_52] : memref<1x64x32xi32, #tpu.memory_space<vmem>>, vector<1x64x32xi32>
      %get3A_54 = vector.shape_cast %get3A_53 : vector<1x64x32xi32> to vector<64x32xi32>
      %broadcast_in_dim3A_55 = vector.shape_cast %broadcast_in_dim3A : vector<64x1xi32> to vector<64x1xi32>
      %broadcast_in_dim3A_56 = vector.broadcast %broadcast_in_dim3A_55 : vector<64x1xi32> to vector<64x32xi32>
      %select_n3A = arith.select %eq3A_49, %broadcast_in_dim3A_56, %get3A_54 : vector<64x32xi1>, vector<64x32xi32>
      %swap3A = arith.constant 0 : index
      %swap3A_57 = arith.constant 0 : index
      %swap3A_58 = arith.constant 0 : index
      %swap3A_59 = vector.load %arg4[%swap3A, %swap3A_57, %swap3A_58] : memref<1x64x32xi32, #tpu.memory_space<vmem>>, vector<1x64x32xi32>
      %swap3A_60 = vector.shape_cast %swap3A_59 : vector<1x64x32xi32> to vector<64x32xi32>
      %swap3A_61 = vector.shape_cast %select_n3A : vector<64x32xi32> to vector<1x64x32xi32>
      tpu.vector_store %arg4[%swap3A, %swap3A_57, %swap3A_58], %swap3A_61 {strides = array<i32>} : memref<1x64x32xi32, #tpu.memory_space<vmem>>, vector<1x64x32xi32>,
      %eq3A_62 = vector.broadcast %broadcast_in_dim3A : vector<64x1xi32> to vector<64x256xi32>
      %eq3A_63 = arith.cmpi eq, %iota3A_39, %eq3A_62 : vector<64x256xi32>
      %jit3A = arith.constant 0x7F800000 : f32
      %broadcast_in_dim3A_64 = vector.broadcast %jit3A : f32 to vector<64x256xf32>
      %select_n3A_65 = arith.select %eq3A_63, %broadcast_in_dim3A_64, %scan3A_47 : vector<64x256xi1>, vector<64x256xf32>
      scf.yield %select_n3A_65 : vector<64x256xf32>
    }
    %scan3A_45 = arith.constant 32 : i32
    return
  }
  func.func @transform_0(%arg0: i32, %arg1: i32) -> (i32, i32, i32) {
    %c0_i32 = arith.constant 0 : i32
    %c0_i32_0 = arith.constant 0 : i32
    return %arg0, %arg1, %c0_i32 : i32, i32, i32
  }
  func.func @transform_1(%arg0: i32, %arg1: i32) -> (i32, i32, i32) {
    %c0_i32 = arith.constant 0 : i32
    %c0_i32_0 = arith.constant 0 : i32
    %c0_i32_1 = arith.constant 0 : i32
    return %arg0, %c0_i32, %c0_i32_0 : i32, i32, i32
  }
  func.func @transform_2(%arg0: i32, %arg1: i32) -> (i32, i32, i32) {
    %c0_i32 = arith.constant 0 : i32
    %c0_i32_0 = arith.constant 0 : i32
    return %arg0, %arg1, %c0_i32 : i32, i32, i32
  }
}

module attributes {stable_mosaic.version = 14 : i64} {
  func.func @_sa_body(%arg0: i32, %arg1: memref<2048x80xf32, #tpu.memory_space<vmem>>, %arg2: memref<64x3xf32, #tpu.memory_space<vmem>>, %arg3: memref<80x64xf32, #tpu.memory_space<vmem>>, %arg4: memref<1x64xf32, #tpu.memory_space<vmem>>, %arg5: memref<64x64xf32, #tpu.memory_space<vmem>>, %arg6: memref<1x64xf32, #tpu.memory_space<vmem>>, %arg7: memref<64x128xf32, #tpu.memory_space<vmem>>, %arg8: memref<1x128xf32, #tpu.memory_space<vmem>>, %arg9: memref<64x128xf32, #tpu.memory_space<vmem>>) attributes {dimension_semantics = [#tpu.dimension_semantics<arbitrary>], iteration_bounds = array<i64: 16>, scalar_prefetch = 0 : i64, scratch_operands = 0 : i64, tpu.core_type = #tpu.core_type<tc>, window_params = [{transform_indices = @transform_0, window_bounds = array<i64: 2048, 80>}, {transform_indices = @transform_1, window_bounds = array<i64: 64, 3>}, {pipeline_mode = #tpu.pipeline_mode<synchronous>, transform_indices = @transform_2, window_bounds = array<i64: 80, 64>}, {pipeline_mode = #tpu.pipeline_mode<synchronous>, transform_indices = @transform_3, window_bounds = array<i64: 1, 64>}, {pipeline_mode = #tpu.pipeline_mode<synchronous>, transform_indices = @transform_4, window_bounds = array<i64: 64, 64>}, {pipeline_mode = #tpu.pipeline_mode<synchronous>, transform_indices = @transform_5, window_bounds = array<i64: 1, 64>}, {pipeline_mode = #tpu.pipeline_mode<synchronous>, transform_indices = @transform_6, window_bounds = array<i64: 64, 128>}, {pipeline_mode = #tpu.pipeline_mode<synchronous>, transform_indices = @transform_7, window_bounds = array<i64: 1, 128>}, {transform_indices = @transform_8, window_bounds = array<i64: 64, 128>}]} {
    %get3A = arith.constant 0 : index
    %get3A_0 = arith.constant 0 : index
    %get3A_1 = vector.load %arg3[%get3A, %get3A_0] : memref<80x64xf32, #tpu.memory_space<vmem>>, vector<80x64xf32>
    %get3A_2 = arith.constant 0 : index
    %get3A_3 = arith.constant 0 : index
    %get3A_4 = vector.load %arg4[%get3A_2, %get3A_3] : memref<1x64xf32, #tpu.memory_space<vmem>>, vector<1x64xf32>
    %get3A_5 = arith.constant 0 : index
    %get3A_6 = arith.constant 0 : index
    %get3A_7 = vector.load %arg1[%get3A_5, %get3A_6] : memref<2048x80xf32, #tpu.memory_space<vmem>>, vector<2048x80xf32>
    %dot_general3A = arith.constant dense<0.000000e+00> : vector<2048x64xf32>
    %dot_general3A_8 = tpu.matmul %get3A_7, %get3A_1, %dot_general3A {dimension_numbers = #tpu.dot_dimension_numbers<[1], [0], [0], [1], [0, 0, 1, 1], [], []>, transpose_lhs_hint = false} : vector<2048x80xf32>, vector<80x64xf32>, vector<2048x64xf32> -> vector<2048x64xf32>
    %add3A = vector.broadcast %get3A_4 : vector<1x64xf32> to vector<2048x64xf32>
    %add3A_9 = arith.addf %dot_general3A_8, %add3A : vector<2048x64xf32>
    %get3A_10 = arith.constant 0 : index
    %get3A_11 = arith.constant 0 : index
    %get3A_12 = vector.load %arg2[%get3A_10, %get3A_11] : memref<64x3xf32, #tpu.memory_space<vmem>>, vector<64x3xf32>
    %slice3A = vector.extract_strided_slice %get3A_1 {offsets = [0, 0], sizes = [3, 64], strides = [1, 1]} : vector<80x64xf32> to vector<3x64xf32>
    %dot_general3A_13 = arith.constant dense<0.000000e+00> : vector<64x64xf32>
    %dot_general3A_14 = tpu.matmul %get3A_12, %slice3A, %dot_general3A_13 {dimension_numbers = #tpu.dot_dimension_numbers<[1], [0], [0], [1], [0, 0, 1, 1], [], []>, transpose_lhs_hint = false} : vector<64x3xf32>, vector<3x64xf32>, vector<64x64xf32> -> vector<64x64xf32>
    %reshape3A = vector.shape_cast %add3A_9 : vector<2048x64xf32> to vector<64x32x64xf32>
    %broadcast_in_dim3A = vector.shape_cast %dot_general3A_14 : vector<64x64xf32> to vector<64x1x64xf32>
    %sub3A = vector.broadcast %broadcast_in_dim3A : vector<64x1x64xf32> to vector<64x32x64xf32>
    %sub3A_15 = arith.subf %reshape3A, %sub3A : vector<64x32x64xf32>
    %max3A = arith.constant 0.000000e+00 : f32
    %max3A_16 = vector.broadcast %max3A : f32 to vector<64x32x64xf32>
    %max3A_17 = arith.maximumf %sub3A_15, %max3A_16 : vector<64x32x64xf32>
    %reshape3A_18 = vector.shape_cast %max3A_17 : vector<64x32x64xf32> to vector<2048x64xf32>
    %get3A_19 = arith.constant 0 : index
    %get3A_20 = arith.constant 0 : index
    %get3A_21 = vector.load %arg5[%get3A_19, %get3A_20] : memref<64x64xf32, #tpu.memory_space<vmem>>, vector<64x64xf32>
    %get3A_22 = arith.constant 0 : index
    %get3A_23 = arith.constant 0 : index
    %get3A_24 = vector.load %arg6[%get3A_22, %get3A_23] : memref<1x64xf32, #tpu.memory_space<vmem>>, vector<1x64xf32>
    %dot_general3A_25 = arith.constant dense<0.000000e+00> : vector<2048x64xf32>
    %dot_general3A_26 = tpu.matmul %reshape3A_18, %get3A_21, %dot_general3A_25 {dimension_numbers = #tpu.dot_dimension_numbers<[1], [0], [0], [1], [0, 0, 1, 1], [], []>, transpose_lhs_hint = false} : vector<2048x64xf32>, vector<64x64xf32>, vector<2048x64xf32> -> vector<2048x64xf32>
    %add3A_27 = vector.broadcast %get3A_24 : vector<1x64xf32> to vector<2048x64xf32>
    %add3A_28 = arith.addf %dot_general3A_26, %add3A_27 : vector<2048x64xf32>
    %max3A_29 = arith.constant 0.000000e+00 : f32
    %max3A_30 = vector.broadcast %max3A_29 : f32 to vector<2048x64xf32>
    %max3A_31 = arith.maximumf %add3A_28, %max3A_30 : vector<2048x64xf32>
    %get3A_32 = arith.constant 0 : index
    %get3A_33 = arith.constant 0 : index
    %get3A_34 = vector.load %arg7[%get3A_32, %get3A_33] : memref<64x128xf32, #tpu.memory_space<vmem>>, vector<64x128xf32>
    %get3A_35 = arith.constant 0 : index
    %get3A_36 = arith.constant 0 : index
    %get3A_37 = vector.load %arg8[%get3A_35, %get3A_36] : memref<1x128xf32, #tpu.memory_space<vmem>>, vector<1x128xf32>
    %dot_general3A_38 = arith.constant dense<0.000000e+00> : vector<2048x128xf32>
    %dot_general3A_39 = tpu.matmul %max3A_31, %get3A_34, %dot_general3A_38 {dimension_numbers = #tpu.dot_dimension_numbers<[1], [0], [0], [1], [0, 0, 1, 1], [], []>, transpose_lhs_hint = false} : vector<2048x64xf32>, vector<64x128xf32>, vector<2048x128xf32> -> vector<2048x128xf32>
    %add3A_40 = vector.broadcast %get3A_37 : vector<1x128xf32> to vector<2048x128xf32>
    %add3A_41 = arith.addf %dot_general3A_39, %add3A_40 : vector<2048x128xf32>
    %max3A_42 = arith.constant 0.000000e+00 : f32
    %max3A_43 = vector.broadcast %max3A_42 : f32 to vector<2048x128xf32>
    %max3A_44 = arith.maximumf %add3A_41, %max3A_43 : vector<2048x128xf32>
    %reshape3A_45 = vector.shape_cast %max3A_44 : vector<2048x128xf32> to vector<64x32x128xf32>
    %reduce_max3A = arith.constant dense<0xFF800000> : vector<64x128xf32>
    %reduce_max3A_46 = vector.multi_reduction <maximumf>, %reshape3A_45, %reduce_max3A [1] : vector<64x32x128xf32> to vector<64x128xf32>
    %swap3A = arith.constant 0 : index
    %swap3A_47 = arith.constant 0 : index
    %swap3A_48 = vector.load %arg9[%swap3A, %swap3A_47] : memref<64x128xf32, #tpu.memory_space<vmem>>, vector<64x128xf32>
    tpu.vector_store %arg9[%swap3A, %swap3A_47], %reduce_max3A_46 {strides = array<i32>} : memref<64x128xf32, #tpu.memory_space<vmem>>, vector<64x128xf32>,
    return
  }
  func.func @transform_0(%arg0: i32) -> (i32, i32) {
    %c0_i32 = arith.constant 0 : i32
    %c0_i32_0 = arith.constant 0 : i32
    return %arg0, %c0_i32 : i32, i32
  }
  func.func @transform_1(%arg0: i32) -> (i32, i32) {
    %c0_i32 = arith.constant 0 : i32
    %c0_i32_0 = arith.constant 0 : i32
    return %arg0, %c0_i32 : i32, i32
  }
  func.func @transform_2(%arg0: i32) -> (i32, i32) {
    %c0_i32 = arith.constant 0 : i32
    %c0_i32_0 = arith.constant 0 : i32
    %c0_i32_1 = arith.constant 0 : i32
    return %c0_i32, %c0_i32_0 : i32, i32
  }
  func.func @transform_3(%arg0: i32) -> (i32, i32) {
    %c0_i32 = arith.constant 0 : i32
    %c0_i32_0 = arith.constant 0 : i32
    %c0_i32_1 = arith.constant 0 : i32
    return %c0_i32, %c0_i32_0 : i32, i32
  }
  func.func @transform_4(%arg0: i32) -> (i32, i32) {
    %c0_i32 = arith.constant 0 : i32
    %c0_i32_0 = arith.constant 0 : i32
    %c0_i32_1 = arith.constant 0 : i32
    return %c0_i32, %c0_i32_0 : i32, i32
  }
  func.func @transform_5(%arg0: i32) -> (i32, i32) {
    %c0_i32 = arith.constant 0 : i32
    %c0_i32_0 = arith.constant 0 : i32
    %c0_i32_1 = arith.constant 0 : i32
    return %c0_i32, %c0_i32_0 : i32, i32
  }
  func.func @transform_6(%arg0: i32) -> (i32, i32) {
    %c0_i32 = arith.constant 0 : i32
    %c0_i32_0 = arith.constant 0 : i32
    %c0_i32_1 = arith.constant 0 : i32
    return %c0_i32, %c0_i32_0 : i32, i32
  }
  func.func @transform_7(%arg0: i32) -> (i32, i32) {
    %c0_i32 = arith.constant 0 : i32
    %c0_i32_0 = arith.constant 0 : i32
    %c0_i32_1 = arith.constant 0 : i32
    return %c0_i32, %c0_i32_0 : i32, i32
  }
  func.func @transform_8(%arg0: i32) -> (i32, i32) {
    %c0_i32 = arith.constant 0 : i32
    %c0_i32_0 = arith.constant 0 : i32
    return %arg0, %c0_i32 : i32, i32
  }
}

module attributes {stable_mosaic.version = 14 : i64} {
  func.func @_knn_body(%arg0: i32, %arg1: i32, %arg2: memref<1x16x3xf32, #tpu.memory_space<vmem>>, %arg3: memref<1x3x64xf32, #tpu.memory_space<vmem>>, %arg4: memref<1x16x32xi32, #tpu.memory_space<vmem>>) attributes {dimension_semantics = [#tpu.dimension_semantics<arbitrary>, #tpu.dimension_semantics<arbitrary>], iteration_bounds = array<i64: 4, 1>, scalar_prefetch = 0 : i64, scratch_operands = 0 : i64, tpu.core_type = #tpu.core_type<tc>, window_params = [{transform_indices = @transform_0, window_bounds = array<i64: 1, 16, 3>}, {transform_indices = @transform_1, window_bounds = array<i64: 1, 3, 64>}, {transform_indices = @transform_2, window_bounds = array<i64: 1, 16, 32>}]} {
    %get3A = arith.constant 0 : index
    %get3A_0 = arith.constant 0 : index
    %get3A_1 = arith.constant 0 : index
    %get3A_2 = vector.load %arg2[%get3A, %get3A_0, %get3A_1] : memref<1x16x3xf32, #tpu.memory_space<vmem>>, vector<1x16x3xf32>
    %get3A_3 = vector.shape_cast %get3A_2 : vector<1x16x3xf32> to vector<16x3xf32>
    %iota3A = tpu.iota {dimensions = array<i32: 0>} : vector<3x3xi32>
    %iota3A_4 = tpu.iota {dimensions = array<i32: 1>} : vector<3x3xi32>
    %eq3A = arith.cmpi eq, %iota3A, %iota3A_4 : vector<3x3xi32>
    %convert_element_type3A = arith.extui %eq3A : vector<3x3xi1> to vector<3x3xi32>
    %convert_element_type3A_5 = arith.sitofp %convert_element_type3A : vector<3x3xi32> to vector<3x3xf32>
    %slice3A = vector.extract_strided_slice %convert_element_type3A_5 {offsets = [0, 0], sizes = [3, 1], strides = [1, 1]} : vector<3x3xf32> to vector<3x1xf32>
    %dot_general3A = arith.constant dense<0.000000e+00> : vector<16x1xf32>
    %dot_general3A_6 = tpu.matmul %get3A_3, %slice3A, %dot_general3A {dimension_numbers = #tpu.dot_dimension_numbers<[1], [0], [0], [1], [0, 0, 1, 1], [], []>, transpose_lhs_hint = false} : vector<16x3xf32>, vector<3x1xf32>, vector<16x1xf32> -> vector<16x1xf32>
    %slice3A_7 = vector.extract_strided_slice %convert_element_type3A_5 {offsets = [0, 1], sizes = [3, 1], strides = [1, 1]} : vector<3x3xf32> to vector<3x1xf32>
    %dot_general3A_8 = arith.constant dense<0.000000e+00> : vector<16x1xf32>
    %dot_general3A_9 = tpu.matmul %get3A_3, %slice3A_7, %dot_general3A_8 {dimension_numbers = #tpu.dot_dimension_numbers<[1], [0], [0], [1], [0, 0, 1, 1], [], []>, transpose_lhs_hint = false} : vector<16x3xf32>, vector<3x1xf32>, vector<16x1xf32> -> vector<16x1xf32>
    %slice3A_10 = vector.extract_strided_slice %convert_element_type3A_5 {offsets = [0, 2], sizes = [3, 1], strides = [1, 1]} : vector<3x3xf32> to vector<3x1xf32>
    %dot_general3A_11 = arith.constant dense<0.000000e+00> : vector<16x1xf32>
    %dot_general3A_12 = tpu.matmul %get3A_3, %slice3A_10, %dot_general3A_11 {dimension_numbers = #tpu.dot_dimension_numbers<[1], [0], [0], [1], [0, 0, 1, 1], [], []>, transpose_lhs_hint = false} : vector<16x3xf32>, vector<3x1xf32>, vector<16x1xf32> -> vector<16x1xf32>
    %get3A_13 = arith.constant 0 : index
    %get3A_14 = arith.constant 0 : index
    %get3A_15 = arith.constant 0 : index
    %get3A_16 = vector.load %arg3[%get3A_13, %get3A_14, %get3A_15] : memref<1x3x64xf32, #tpu.memory_space<vmem>>, vector<1x1x64xf32>
    %get3A_17 = vector.shape_cast %get3A_16 : vector<1x1x64xf32> to vector<1x64xf32>
    %get3A_18 = arith.constant 0 : index
    %get3A_19 = arith.constant 1 : index
    %get3A_20 = arith.constant 0 : index
    %get3A_21 = vector.load %arg3[%get3A_18, %get3A_19, %get3A_20] : memref<1x3x64xf32, #tpu.memory_space<vmem>>, vector<1x1x64xf32>
    %get3A_22 = vector.shape_cast %get3A_21 : vector<1x1x64xf32> to vector<1x64xf32>
    %get3A_23 = arith.constant 0 : index
    %get3A_24 = arith.constant 2 : index
    %get3A_25 = arith.constant 0 : index
    %get3A_26 = vector.load %arg3[%get3A_23, %get3A_24, %get3A_25] : memref<1x3x64xf32, #tpu.memory_space<vmem>>, vector<1x1x64xf32>
    %get3A_27 = vector.shape_cast %get3A_26 : vector<1x1x64xf32> to vector<1x64xf32>
    %sub3A = vector.broadcast %dot_general3A_6 : vector<16x1xf32> to vector<16x64xf32>
    %sub3A_28 = vector.broadcast %get3A_17 : vector<1x64xf32> to vector<16x64xf32>
    %sub3A_29 = arith.subf %sub3A, %sub3A_28 : vector<16x64xf32>
    %sub3A_30 = vector.broadcast %dot_general3A_9 : vector<16x1xf32> to vector<16x64xf32>
    %sub3A_31 = vector.broadcast %get3A_22 : vector<1x64xf32> to vector<16x64xf32>
    %sub3A_32 = arith.subf %sub3A_30, %sub3A_31 : vector<16x64xf32>
    %sub3A_33 = vector.broadcast %dot_general3A_12 : vector<16x1xf32> to vector<16x64xf32>
    %sub3A_34 = vector.broadcast %get3A_27 : vector<1x64xf32> to vector<16x64xf32>
    %sub3A_35 = arith.subf %sub3A_33, %sub3A_34 : vector<16x64xf32>
    %mul3A = arith.mulf %sub3A_29, %sub3A_29 : vector<16x64xf32>
    %mul3A_36 = arith.mulf %sub3A_32, %sub3A_32 : vector<16x64xf32>
    %add3A = arith.addf %mul3A, %mul3A_36 : vector<16x64xf32>
    %mul3A_37 = arith.mulf %sub3A_35, %sub3A_35 : vector<16x64xf32>
    %add3A_38 = arith.addf %add3A, %mul3A_37 : vector<16x64xf32>
    %iota3A_39 = tpu.iota {dimensions = array<i32: 1>} : vector<16x64xi32>
    %iota3A_40 = tpu.iota {dimensions = array<i32: 1>} : vector<16x32xi32>
    %scan3A = arith.constant 0 : i32
    %scan3A_41 = arith.constant 32 : i32
    %scan3A_42 = arith.addi %scan3A, %scan3A_41 : i32
    %scan3A_43 = arith.constant 1 : i32
    %scan3A_44 = scf.for %scan3A_46 = %scan3A to %scan3A_42 step %scan3A_43 iter_args(%scan3A_47 = %add3A_38) -> (vector<16x64xf32>)  : i32 {
      %argmin3A = tpu.reduce_index %scan3A_47 {axis = 1 : i32, kind = #tpu.reduction_kind<arg_min>} : vector<16x64xf32> -> vector<16xi32>
      %broadcast_in_dim3A = vector.shape_cast %argmin3A : vector<16xi32> to vector<16x1xi32>
      %eq3A_48 = vector.broadcast %scan3A_46 : i32 to vector<16x32xi32>
      %eq3A_49 = arith.cmpi eq, %iota3A_40, %eq3A_48 : vector<16x32xi32>
      %get3A_50 = arith.constant 0 : index
      %get3A_51 = arith.constant 0 : index
      %get3A_52 = arith.constant 0 : index
      %get3A_53 = vector.load %arg4[%get3A_50, %get3A_51, %get3A_52] : memref<1x16x32xi32, #tpu.memory_space<vmem>>, vector<1x16x32xi32>
      %get3A_54 = vector.shape_cast %get3A_53 : vector<1x16x32xi32> to vector<16x32xi32>
      %broadcast_in_dim3A_55 = vector.shape_cast %broadcast_in_dim3A : vector<16x1xi32> to vector<16x1xi32>
      %broadcast_in_dim3A_56 = vector.broadcast %broadcast_in_dim3A_55 : vector<16x1xi32> to vector<16x32xi32>
      %select_n3A = arith.select %eq3A_49, %broadcast_in_dim3A_56, %get3A_54 : vector<16x32xi1>, vector<16x32xi32>
      %swap3A = arith.constant 0 : index
      %swap3A_57 = arith.constant 0 : index
      %swap3A_58 = arith.constant 0 : index
      %swap3A_59 = vector.load %arg4[%swap3A, %swap3A_57, %swap3A_58] : memref<1x16x32xi32, #tpu.memory_space<vmem>>, vector<1x16x32xi32>
      %swap3A_60 = vector.shape_cast %swap3A_59 : vector<1x16x32xi32> to vector<16x32xi32>
      %swap3A_61 = vector.shape_cast %select_n3A : vector<16x32xi32> to vector<1x16x32xi32>
      tpu.vector_store %arg4[%swap3A, %swap3A_57, %swap3A_58], %swap3A_61 {strides = array<i32>} : memref<1x16x32xi32, #tpu.memory_space<vmem>>, vector<1x16x32xi32>,
      %eq3A_62 = vector.broadcast %broadcast_in_dim3A : vector<16x1xi32> to vector<16x64xi32>
      %eq3A_63 = arith.cmpi eq, %iota3A_39, %eq3A_62 : vector<16x64xi32>
      %jit3A = arith.constant 0x7F800000 : f32
      %broadcast_in_dim3A_64 = vector.broadcast %jit3A : f32 to vector<16x64xf32>
      %select_n3A_65 = arith.select %eq3A_63, %broadcast_in_dim3A_64, %scan3A_47 : vector<16x64xi1>, vector<16x64xf32>
      scf.yield %select_n3A_65 : vector<16x64xf32>
    }
    %scan3A_45 = arith.constant 32 : i32
    return
  }
  func.func @transform_0(%arg0: i32, %arg1: i32) -> (i32, i32, i32) {
    %c0_i32 = arith.constant 0 : i32
    %c0_i32_0 = arith.constant 0 : i32
    return %arg0, %arg1, %c0_i32 : i32, i32, i32
  }
  func.func @transform_1(%arg0: i32, %arg1: i32) -> (i32, i32, i32) {
    %c0_i32 = arith.constant 0 : i32
    %c0_i32_0 = arith.constant 0 : i32
    %c0_i32_1 = arith.constant 0 : i32
    return %arg0, %c0_i32, %c0_i32_0 : i32, i32, i32
  }
  func.func @transform_2(%arg0: i32, %arg1: i32) -> (i32, i32, i32) {
    %c0_i32 = arith.constant 0 : i32
    %c0_i32_0 = arith.constant 0 : i32
    return %arg0, %arg1, %c0_i32 : i32, i32, i32
  }
}

module attributes {stable_mosaic.version = 14 : i64} {
  func.func @_sa_body(%arg0: i32, %arg1: memref<1024x144xf32, #tpu.memory_space<vmem>>, %arg2: memref<32x3xf32, #tpu.memory_space<vmem>>, %arg3: memref<144x128xf32, #tpu.memory_space<vmem>>, %arg4: memref<1x128xf32, #tpu.memory_space<vmem>>, %arg5: memref<128x128xf32, #tpu.memory_space<vmem>>, %arg6: memref<1x128xf32, #tpu.memory_space<vmem>>, %arg7: memref<128x256xf32, #tpu.memory_space<vmem>>, %arg8: memref<1x256xf32, #tpu.memory_space<vmem>>, %arg9: memref<32x256xf32, #tpu.memory_space<vmem>>) attributes {dimension_semantics = [#tpu.dimension_semantics<arbitrary>], iteration_bounds = array<i64: 8>, scalar_prefetch = 0 : i64, scratch_operands = 0 : i64, tpu.core_type = #tpu.core_type<tc>, window_params = [{transform_indices = @transform_0, window_bounds = array<i64: 1024, 144>}, {transform_indices = @transform_1, window_bounds = array<i64: 32, 3>}, {pipeline_mode = #tpu.pipeline_mode<synchronous>, transform_indices = @transform_2, window_bounds = array<i64: 144, 128>}, {pipeline_mode = #tpu.pipeline_mode<synchronous>, transform_indices = @transform_3, window_bounds = array<i64: 1, 128>}, {pipeline_mode = #tpu.pipeline_mode<synchronous>, transform_indices = @transform_4, window_bounds = array<i64: 128, 128>}, {pipeline_mode = #tpu.pipeline_mode<synchronous>, transform_indices = @transform_5, window_bounds = array<i64: 1, 128>}, {pipeline_mode = #tpu.pipeline_mode<synchronous>, transform_indices = @transform_6, window_bounds = array<i64: 128, 256>}, {pipeline_mode = #tpu.pipeline_mode<synchronous>, transform_indices = @transform_7, window_bounds = array<i64: 1, 256>}, {transform_indices = @transform_8, window_bounds = array<i64: 32, 256>}]} {
    %get3A = arith.constant 0 : index
    %get3A_0 = arith.constant 0 : index
    %get3A_1 = vector.load %arg3[%get3A, %get3A_0] : memref<144x128xf32, #tpu.memory_space<vmem>>, vector<144x128xf32>
    %get3A_2 = arith.constant 0 : index
    %get3A_3 = arith.constant 0 : index
    %get3A_4 = vector.load %arg4[%get3A_2, %get3A_3] : memref<1x128xf32, #tpu.memory_space<vmem>>, vector<1x128xf32>
    %get3A_5 = arith.constant 0 : index
    %get3A_6 = arith.constant 0 : index
    %get3A_7 = vector.load %arg1[%get3A_5, %get3A_6] : memref<1024x144xf32, #tpu.memory_space<vmem>>, vector<1024x144xf32>
    %dot_general3A = arith.constant dense<0.000000e+00> : vector<1024x128xf32>
    %dot_general3A_8 = tpu.matmul %get3A_7, %get3A_1, %dot_general3A {dimension_numbers = #tpu.dot_dimension_numbers<[1], [0], [0], [1], [0, 0, 1, 1], [], []>, transpose_lhs_hint = false} : vector<1024x144xf32>, vector<144x128xf32>, vector<1024x128xf32> -> vector<1024x128xf32>
    %add3A = vector.broadcast %get3A_4 : vector<1x128xf32> to vector<1024x128xf32>
    %add3A_9 = arith.addf %dot_general3A_8, %add3A : vector<1024x128xf32>
    %get3A_10 = arith.constant 0 : index
    %get3A_11 = arith.constant 0 : index
    %get3A_12 = vector.load %arg2[%get3A_10, %get3A_11] : memref<32x3xf32, #tpu.memory_space<vmem>>, vector<32x3xf32>
    %slice3A = vector.extract_strided_slice %get3A_1 {offsets = [0, 0], sizes = [3, 128], strides = [1, 1]} : vector<144x128xf32> to vector<3x128xf32>
    %dot_general3A_13 = arith.constant dense<0.000000e+00> : vector<32x128xf32>
    %dot_general3A_14 = tpu.matmul %get3A_12, %slice3A, %dot_general3A_13 {dimension_numbers = #tpu.dot_dimension_numbers<[1], [0], [0], [1], [0, 0, 1, 1], [], []>, transpose_lhs_hint = false} : vector<32x3xf32>, vector<3x128xf32>, vector<32x128xf32> -> vector<32x128xf32>
    %reshape3A = vector.shape_cast %add3A_9 : vector<1024x128xf32> to vector<32x32x128xf32>
    %broadcast_in_dim3A = vector.shape_cast %dot_general3A_14 : vector<32x128xf32> to vector<32x1x128xf32>
    %sub3A = vector.broadcast %broadcast_in_dim3A : vector<32x1x128xf32> to vector<32x32x128xf32>
    %sub3A_15 = arith.subf %reshape3A, %sub3A : vector<32x32x128xf32>
    %max3A = arith.constant 0.000000e+00 : f32
    %max3A_16 = vector.broadcast %max3A : f32 to vector<32x32x128xf32>
    %max3A_17 = arith.maximumf %sub3A_15, %max3A_16 : vector<32x32x128xf32>
    %reshape3A_18 = vector.shape_cast %max3A_17 : vector<32x32x128xf32> to vector<1024x128xf32>
    %get3A_19 = arith.constant 0 : index
    %get3A_20 = arith.constant 0 : index
    %get3A_21 = vector.load %arg5[%get3A_19, %get3A_20] : memref<128x128xf32, #tpu.memory_space<vmem>>, vector<128x128xf32>
    %get3A_22 = arith.constant 0 : index
    %get3A_23 = arith.constant 0 : index
    %get3A_24 = vector.load %arg6[%get3A_22, %get3A_23] : memref<1x128xf32, #tpu.memory_space<vmem>>, vector<1x128xf32>
    %dot_general3A_25 = arith.constant dense<0.000000e+00> : vector<1024x128xf32>
    %dot_general3A_26 = tpu.matmul %reshape3A_18, %get3A_21, %dot_general3A_25 {dimension_numbers = #tpu.dot_dimension_numbers<[1], [0], [0], [1], [0, 0, 1, 1], [], []>, transpose_lhs_hint = false} : vector<1024x128xf32>, vector<128x128xf32>, vector<1024x128xf32> -> vector<1024x128xf32>
    %add3A_27 = vector.broadcast %get3A_24 : vector<1x128xf32> to vector<1024x128xf32>
    %add3A_28 = arith.addf %dot_general3A_26, %add3A_27 : vector<1024x128xf32>
    %max3A_29 = arith.constant 0.000000e+00 : f32
    %max3A_30 = vector.broadcast %max3A_29 : f32 to vector<1024x128xf32>
    %max3A_31 = arith.maximumf %add3A_28, %max3A_30 : vector<1024x128xf32>
    %get3A_32 = arith.constant 0 : index
    %get3A_33 = arith.constant 0 : index
    %get3A_34 = vector.load %arg7[%get3A_32, %get3A_33] : memref<128x256xf32, #tpu.memory_space<vmem>>, vector<128x256xf32>
    %get3A_35 = arith.constant 0 : index
    %get3A_36 = arith.constant 0 : index
    %get3A_37 = vector.load %arg8[%get3A_35, %get3A_36] : memref<1x256xf32, #tpu.memory_space<vmem>>, vector<1x256xf32>
    %dot_general3A_38 = arith.constant dense<0.000000e+00> : vector<1024x256xf32>
    %dot_general3A_39 = tpu.matmul %max3A_31, %get3A_34, %dot_general3A_38 {dimension_numbers = #tpu.dot_dimension_numbers<[1], [0], [0], [1], [0, 0, 1, 1], [], []>, transpose_lhs_hint = false} : vector<1024x128xf32>, vector<128x256xf32>, vector<1024x256xf32> -> vector<1024x256xf32>
    %add3A_40 = vector.broadcast %get3A_37 : vector<1x256xf32> to vector<1024x256xf32>
    %add3A_41 = arith.addf %dot_general3A_39, %add3A_40 : vector<1024x256xf32>
    %max3A_42 = arith.constant 0.000000e+00 : f32
    %max3A_43 = vector.broadcast %max3A_42 : f32 to vector<1024x256xf32>
    %max3A_44 = arith.maximumf %add3A_41, %max3A_43 : vector<1024x256xf32>
    %reshape3A_45 = vector.shape_cast %max3A_44 : vector<1024x256xf32> to vector<32x32x256xf32>
    %reduce_max3A = arith.constant dense<0xFF800000> : vector<32x256xf32>
    %reduce_max3A_46 = vector.multi_reduction <maximumf>, %reshape3A_45, %reduce_max3A [1] : vector<32x32x256xf32> to vector<32x256xf32>
    %swap3A = arith.constant 0 : index
    %swap3A_47 = arith.constant 0 : index
    %swap3A_48 = vector.load %arg9[%swap3A, %swap3A_47] : memref<32x256xf32, #tpu.memory_space<vmem>>, vector<32x256xf32>
    tpu.vector_store %arg9[%swap3A, %swap3A_47], %reduce_max3A_46 {strides = array<i32>} : memref<32x256xf32, #tpu.memory_space<vmem>>, vector<32x256xf32>,
    return
  }
  func.func @transform_0(%arg0: i32) -> (i32, i32) {
    %c0_i32 = arith.constant 0 : i32
    %c0_i32_0 = arith.constant 0 : i32
    return %arg0, %c0_i32 : i32, i32
  }
  func.func @transform_1(%arg0: i32) -> (i32, i32) {
    %c0_i32 = arith.constant 0 : i32
    %c0_i32_0 = arith.constant 0 : i32
    return %arg0, %c0_i32 : i32, i32
  }
  func.func @transform_2(%arg0: i32) -> (i32, i32) {
    %c0_i32 = arith.constant 0 : i32
    %c0_i32_0 = arith.constant 0 : i32
    %c0_i32_1 = arith.constant 0 : i32
    return %c0_i32, %c0_i32_0 : i32, i32
  }
  func.func @transform_3(%arg0: i32) -> (i32, i32) {
    %c0_i32 = arith.constant 0 : i32
    %c0_i32_0 = arith.constant 0 : i32
    %c0_i32_1 = arith.constant 0 : i32
    return %c0_i32, %c0_i32_0 : i32, i32
  }
  func.func @transform_4(%arg0: i32) -> (i32, i32) {
    %c0_i32 = arith.constant 0 : i32
    %c0_i32_0 = arith.constant 0 : i32
    %c0_i32_1 = arith.constant 0 : i32
    return %c0_i32, %c0_i32_0 : i32, i32
  }
  func.func @transform_5(%arg0: i32) -> (i32, i32) {
    %c0_i32 = arith.constant 0 : i32
    %c0_i32_0 = arith.constant 0 : i32
    %c0_i32_1 = arith.constant 0 : i32
    return %c0_i32, %c0_i32_0 : i32, i32
  }
  func.func @transform_6(%arg0: i32) -> (i32, i32) {
    %c0_i32 = arith.constant 0 : i32
    %c0_i32_0 = arith.constant 0 : i32
    %c0_i32_1 = arith.constant 0 : i32
    return %c0_i32, %c0_i32_0 : i32, i32
  }
  func.func @transform_7(%arg0: i32) -> (i32, i32) {
    %c0_i32 = arith.constant 0 : i32
    %c0_i32_0 = arith.constant 0 : i32
    %c0_i32_1 = arith.constant 0 : i32
    return %c0_i32, %c0_i32_0 : i32, i32
  }
  func.func @transform_8(%arg0: i32) -> (i32, i32) {
    %c0_i32 = arith.constant 0 : i32
    %c0_i32_0 = arith.constant 0 : i32
    return %arg0, %c0_i32 : i32, i32
  }
}

module attributes {stable_mosaic.version = 14 : i64} {
  func.func @_sa_body(%arg0: i32, %arg1: memref<512x272xf32, #tpu.memory_space<vmem>>, %arg2: memref<16x3xf32, #tpu.memory_space<vmem>>, %arg3: memref<272x256xf32, #tpu.memory_space<vmem>>, %arg4: memref<1x256xf32, #tpu.memory_space<vmem>>, %arg5: memref<256x256xf32, #tpu.memory_space<vmem>>, %arg6: memref<1x256xf32, #tpu.memory_space<vmem>>, %arg7: memref<256x512xf32, #tpu.memory_space<vmem>>, %arg8: memref<1x512xf32, #tpu.memory_space<vmem>>, %arg9: memref<16x512xf32, #tpu.memory_space<vmem>>) attributes {dimension_semantics = [#tpu.dimension_semantics<arbitrary>], iteration_bounds = array<i64: 4>, scalar_prefetch = 0 : i64, scratch_operands = 0 : i64, tpu.core_type = #tpu.core_type<tc>, window_params = [{transform_indices = @transform_0, window_bounds = array<i64: 512, 272>}, {transform_indices = @transform_1, window_bounds = array<i64: 16, 3>}, {pipeline_mode = #tpu.pipeline_mode<synchronous>, transform_indices = @transform_2, window_bounds = array<i64: 272, 256>}, {pipeline_mode = #tpu.pipeline_mode<synchronous>, transform_indices = @transform_3, window_bounds = array<i64: 1, 256>}, {pipeline_mode = #tpu.pipeline_mode<synchronous>, transform_indices = @transform_4, window_bounds = array<i64: 256, 256>}, {pipeline_mode = #tpu.pipeline_mode<synchronous>, transform_indices = @transform_5, window_bounds = array<i64: 1, 256>}, {pipeline_mode = #tpu.pipeline_mode<synchronous>, transform_indices = @transform_6, window_bounds = array<i64: 256, 512>}, {pipeline_mode = #tpu.pipeline_mode<synchronous>, transform_indices = @transform_7, window_bounds = array<i64: 1, 512>}, {transform_indices = @transform_8, window_bounds = array<i64: 16, 512>}]} {
    %get3A = arith.constant 0 : index
    %get3A_0 = arith.constant 0 : index
    %get3A_1 = vector.load %arg3[%get3A, %get3A_0] : memref<272x256xf32, #tpu.memory_space<vmem>>, vector<272x256xf32>
    %get3A_2 = arith.constant 0 : index
    %get3A_3 = arith.constant 0 : index
    %get3A_4 = vector.load %arg4[%get3A_2, %get3A_3] : memref<1x256xf32, #tpu.memory_space<vmem>>, vector<1x256xf32>
    %get3A_5 = arith.constant 0 : index
    %get3A_6 = arith.constant 0 : index
    %get3A_7 = vector.load %arg1[%get3A_5, %get3A_6] : memref<512x272xf32, #tpu.memory_space<vmem>>, vector<512x272xf32>
    %dot_general3A = arith.constant dense<0.000000e+00> : vector<512x256xf32>
    %dot_general3A_8 = tpu.matmul %get3A_7, %get3A_1, %dot_general3A {dimension_numbers = #tpu.dot_dimension_numbers<[1], [0], [0], [1], [0, 0, 1, 1], [], []>, transpose_lhs_hint = false} : vector<512x272xf32>, vector<272x256xf32>, vector<512x256xf32> -> vector<512x256xf32>
    %add3A = vector.broadcast %get3A_4 : vector<1x256xf32> to vector<512x256xf32>
    %add3A_9 = arith.addf %dot_general3A_8, %add3A : vector<512x256xf32>
    %get3A_10 = arith.constant 0 : index
    %get3A_11 = arith.constant 0 : index
    %get3A_12 = vector.load %arg2[%get3A_10, %get3A_11] : memref<16x3xf32, #tpu.memory_space<vmem>>, vector<16x3xf32>
    %slice3A = vector.extract_strided_slice %get3A_1 {offsets = [0, 0], sizes = [3, 256], strides = [1, 1]} : vector<272x256xf32> to vector<3x256xf32>
    %dot_general3A_13 = arith.constant dense<0.000000e+00> : vector<16x256xf32>
    %dot_general3A_14 = tpu.matmul %get3A_12, %slice3A, %dot_general3A_13 {dimension_numbers = #tpu.dot_dimension_numbers<[1], [0], [0], [1], [0, 0, 1, 1], [], []>, transpose_lhs_hint = false} : vector<16x3xf32>, vector<3x256xf32>, vector<16x256xf32> -> vector<16x256xf32>
    %reshape3A = vector.shape_cast %add3A_9 : vector<512x256xf32> to vector<16x32x256xf32>
    %broadcast_in_dim3A = vector.shape_cast %dot_general3A_14 : vector<16x256xf32> to vector<16x1x256xf32>
    %sub3A = vector.broadcast %broadcast_in_dim3A : vector<16x1x256xf32> to vector<16x32x256xf32>
    %sub3A_15 = arith.subf %reshape3A, %sub3A : vector<16x32x256xf32>
    %max3A = arith.constant 0.000000e+00 : f32
    %max3A_16 = vector.broadcast %max3A : f32 to vector<16x32x256xf32>
    %max3A_17 = arith.maximumf %sub3A_15, %max3A_16 : vector<16x32x256xf32>
    %reshape3A_18 = vector.shape_cast %max3A_17 : vector<16x32x256xf32> to vector<512x256xf32>
    %get3A_19 = arith.constant 0 : index
    %get3A_20 = arith.constant 0 : index
    %get3A_21 = vector.load %arg5[%get3A_19, %get3A_20] : memref<256x256xf32, #tpu.memory_space<vmem>>, vector<256x256xf32>
    %get3A_22 = arith.constant 0 : index
    %get3A_23 = arith.constant 0 : index
    %get3A_24 = vector.load %arg6[%get3A_22, %get3A_23] : memref<1x256xf32, #tpu.memory_space<vmem>>, vector<1x256xf32>
    %dot_general3A_25 = arith.constant dense<0.000000e+00> : vector<512x256xf32>
    %dot_general3A_26 = tpu.matmul %reshape3A_18, %get3A_21, %dot_general3A_25 {dimension_numbers = #tpu.dot_dimension_numbers<[1], [0], [0], [1], [0, 0, 1, 1], [], []>, transpose_lhs_hint = false} : vector<512x256xf32>, vector<256x256xf32>, vector<512x256xf32> -> vector<512x256xf32>
    %add3A_27 = vector.broadcast %get3A_24 : vector<1x256xf32> to vector<512x256xf32>
    %add3A_28 = arith.addf %dot_general3A_26, %add3A_27 : vector<512x256xf32>
    %max3A_29 = arith.constant 0.000000e+00 : f32
    %max3A_30 = vector.broadcast %max3A_29 : f32 to vector<512x256xf32>
    %max3A_31 = arith.maximumf %add3A_28, %max3A_30 : vector<512x256xf32>
    %get3A_32 = arith.constant 0 : index
    %get3A_33 = arith.constant 0 : index
    %get3A_34 = vector.load %arg7[%get3A_32, %get3A_33] : memref<256x512xf32, #tpu.memory_space<vmem>>, vector<256x512xf32>
    %get3A_35 = arith.constant 0 : index
    %get3A_36 = arith.constant 0 : index
    %get3A_37 = vector.load %arg8[%get3A_35, %get3A_36] : memref<1x512xf32, #tpu.memory_space<vmem>>, vector<1x512xf32>
    %dot_general3A_38 = arith.constant dense<0.000000e+00> : vector<512x512xf32>
    %dot_general3A_39 = tpu.matmul %max3A_31, %get3A_34, %dot_general3A_38 {dimension_numbers = #tpu.dot_dimension_numbers<[1], [0], [0], [1], [0, 0, 1, 1], [], []>, transpose_lhs_hint = false} : vector<512x256xf32>, vector<256x512xf32>, vector<512x512xf32> -> vector<512x512xf32>
    %add3A_40 = vector.broadcast %get3A_37 : vector<1x512xf32> to vector<512x512xf32>
    %add3A_41 = arith.addf %dot_general3A_39, %add3A_40 : vector<512x512xf32>
    %max3A_42 = arith.constant 0.000000e+00 : f32
    %max3A_43 = vector.broadcast %max3A_42 : f32 to vector<512x512xf32>
    %max3A_44 = arith.maximumf %add3A_41, %max3A_43 : vector<512x512xf32>
    %reshape3A_45 = vector.shape_cast %max3A_44 : vector<512x512xf32> to vector<16x32x512xf32>
    %reduce_max3A = arith.constant dense<0xFF800000> : vector<16x512xf32>
    %reduce_max3A_46 = vector.multi_reduction <maximumf>, %reshape3A_45, %reduce_max3A [1] : vector<16x32x512xf32> to vector<16x512xf32>
    %swap3A = arith.constant 0 : index
    %swap3A_47 = arith.constant 0 : index
    %swap3A_48 = vector.load %arg9[%swap3A, %swap3A_47] : memref<16x512xf32, #tpu.memory_space<vmem>>, vector<16x512xf32>
    tpu.vector_store %arg9[%swap3A, %swap3A_47], %reduce_max3A_46 {strides = array<i32>} : memref<16x512xf32, #tpu.memory_space<vmem>>, vector<16x512xf32>,
    return
  }
  func.func @transform_0(%arg0: i32) -> (i32, i32) {
    %c0_i32 = arith.constant 0 : i32
    %c0_i32_0 = arith.constant 0 : i32
    return %arg0, %c0_i32 : i32, i32
  }
  func.func @transform_1(%arg0: i32) -> (i32, i32) {
    %c0_i32 = arith.constant 0 : i32
    %c0_i32_0 = arith.constant 0 : i32
    return %arg0, %c0_i32 : i32, i32
  }
  func.func @transform_2(%arg0: i32) -> (i32, i32) {
    %c0_i32 = arith.constant 0 : i32
    %c0_i32_0 = arith.constant 0 : i32
    %c0_i32_1 = arith.constant 0 : i32
    return %c0_i32, %c0_i32_0 : i32, i32
  }
  func.func @transform_3(%arg0: i32) -> (i32, i32) {
    %c0_i32 = arith.constant 0 : i32
    %c0_i32_0 = arith.constant 0 : i32
    %c0_i32_1 = arith.constant 0 : i32
    return %c0_i32, %c0_i32_0 : i32, i32
  }
  func.func @transform_4(%arg0: i32) -> (i32, i32) {
    %c0_i32 = arith.constant 0 : i32
    %c0_i32_0 = arith.constant 0 : i32
    %c0_i32_1 = arith.constant 0 : i32
    return %c0_i32, %c0_i32_0 : i32, i32
  }
  func.func @transform_5(%arg0: i32) -> (i32, i32) {
    %c0_i32 = arith.constant 0 : i32
    %c0_i32_0 = arith.constant 0 : i32
    %c0_i32_1 = arith.constant 0 : i32
    return %c0_i32, %c0_i32_0 : i32, i32
  }
  func.func @transform_6(%arg0: i32) -> (i32, i32) {
    %c0_i32 = arith.constant 0 : i32
    %c0_i32_0 = arith.constant 0 : i32
    %c0_i32_1 = arith.constant 0 : i32
    return %c0_i32, %c0_i32_0 : i32, i32
  }
  func.func @transform_7(%arg0: i32) -> (i32, i32) {
    %c0_i32 = arith.constant 0 : i32
    %c0_i32_0 = arith.constant 0 : i32
    %c0_i32_1 = arith.constant 0 : i32
    return %c0_i32, %c0_i32_0 : i32, i32
  }
  func.func @transform_8(%arg0: i32) -> (i32, i32) {
    %c0_i32 = arith.constant 0 : i32
    %c0_i32_0 = arith.constant 0 : i32
    return %arg0, %c0_i32 : i32, i32
  }
}

module attributes {stable_mosaic.version = 14 : i64} {
  func.func @_fp_body(%arg0: i32, %arg1: i32, %arg2: memref<1x64x3xf32, #tpu.memory_space<vmem>>, %arg3: memref<1x3x16xf32, #tpu.memory_space<vmem>>, %arg4: memref<1x16x512xf32, #tpu.memory_space<vmem>>, %arg5: memref<1x64x256xf32, #tpu.memory_space<vmem>>, %arg6: memref<768x256xf32, #tpu.memory_space<vmem>>, %arg7: memref<1x256xf32, #tpu.memory_space<vmem>>, %arg8: memref<256x256xf32, #tpu.memory_space<vmem>>, %arg9: memref<1x256xf32, #tpu.memory_space<vmem>>, %arg10: memref<1x64x256xf32, #tpu.memory_space<vmem>>) attributes {dimension_semantics = [#tpu.dimension_semantics<arbitrary>, #tpu.dimension_semantics<arbitrary>], iteration_bounds = array<i64: 4, 1>, scalar_prefetch = 0 : i64, scratch_operands = 0 : i64, tpu.core_type = #tpu.core_type<tc>, window_params = [{transform_indices = @transform_0, window_bounds = array<i64: 1, 64, 3>}, {transform_indices = @transform_1, window_bounds = array<i64: 1, 3, 16>}, {transform_indices = @transform_2, window_bounds = array<i64: 1, 16, 512>}, {transform_indices = @transform_3, window_bounds = array<i64: 1, 64, 256>}, {pipeline_mode = #tpu.pipeline_mode<synchronous>, transform_indices = @transform_4, window_bounds = array<i64: 768, 256>}, {pipeline_mode = #tpu.pipeline_mode<synchronous>, transform_indices = @transform_5, window_bounds = array<i64: 1, 256>}, {pipeline_mode = #tpu.pipeline_mode<synchronous>, transform_indices = @transform_6, window_bounds = array<i64: 256, 256>}, {pipeline_mode = #tpu.pipeline_mode<synchronous>, transform_indices = @transform_7, window_bounds = array<i64: 1, 256>}, {transform_indices = @transform_8, window_bounds = array<i64: 1, 64, 256>}]} {
    %get3A = arith.constant 0 : index
    %get3A_0 = arith.constant 0 : index
    %get3A_1 = arith.constant 0 : index
    %get3A_2 = vector.load %arg2[%get3A, %get3A_0, %get3A_1] : memref<1x64x3xf32, #tpu.memory_space<vmem>>, vector<1x64x3xf32>
    %get3A_3 = vector.shape_cast %get3A_2 : vector<1x64x3xf32> to vector<64x3xf32>
    %iota3A = tpu.iota {dimensions = array<i32: 0>} : vector<3x3xi32>
    %iota3A_4 = tpu.iota {dimensions = array<i32: 1>} : vector<3x3xi32>
    %eq3A = arith.cmpi eq, %iota3A, %iota3A_4 : vector<3x3xi32>
    %convert_element_type3A = arith.extui %eq3A : vector<3x3xi1> to vector<3x3xi32>
    %convert_element_type3A_5 = arith.sitofp %convert_element_type3A : vector<3x3xi32> to vector<3x3xf32>
    %slice3A = vector.extract_strided_slice %convert_element_type3A_5 {offsets = [0, 0], sizes = [3, 1], strides = [1, 1]} : vector<3x3xf32> to vector<3x1xf32>
    %dot_general3A = arith.constant dense<0.000000e+00> : vector<64x1xf32>
    %dot_general3A_6 = tpu.matmul %get3A_3, %slice3A, %dot_general3A {dimension_numbers = #tpu.dot_dimension_numbers<[1], [0], [0], [1], [0, 0, 1, 1], [], []>, transpose_lhs_hint = false} : vector<64x3xf32>, vector<3x1xf32>, vector<64x1xf32> -> vector<64x1xf32>
    %slice3A_7 = vector.extract_strided_slice %convert_element_type3A_5 {offsets = [0, 1], sizes = [3, 1], strides = [1, 1]} : vector<3x3xf32> to vector<3x1xf32>
    %dot_general3A_8 = arith.constant dense<0.000000e+00> : vector<64x1xf32>
    %dot_general3A_9 = tpu.matmul %get3A_3, %slice3A_7, %dot_general3A_8 {dimension_numbers = #tpu.dot_dimension_numbers<[1], [0], [0], [1], [0, 0, 1, 1], [], []>, transpose_lhs_hint = false} : vector<64x3xf32>, vector<3x1xf32>, vector<64x1xf32> -> vector<64x1xf32>
    %slice3A_10 = vector.extract_strided_slice %convert_element_type3A_5 {offsets = [0, 2], sizes = [3, 1], strides = [1, 1]} : vector<3x3xf32> to vector<3x1xf32>
    %dot_general3A_11 = arith.constant dense<0.000000e+00> : vector<64x1xf32>
    %dot_general3A_12 = tpu.matmul %get3A_3, %slice3A_10, %dot_general3A_11 {dimension_numbers = #tpu.dot_dimension_numbers<[1], [0], [0], [1], [0, 0, 1, 1], [], []>, transpose_lhs_hint = false} : vector<64x3xf32>, vector<3x1xf32>, vector<64x1xf32> -> vector<64x1xf32>
    %get3A_13 = arith.constant 0 : index
    %get3A_14 = arith.constant 0 : index
    %get3A_15 = arith.constant 0 : index
    %get3A_16 = vector.load %arg3[%get3A_13, %get3A_14, %get3A_15] : memref<1x3x16xf32, #tpu.memory_space<vmem>>, vector<1x1x16xf32>
    %get3A_17 = vector.shape_cast %get3A_16 : vector<1x1x16xf32> to vector<1x16xf32>
    %get3A_18 = arith.constant 0 : index
    %get3A_19 = arith.constant 1 : index
    %get3A_20 = arith.constant 0 : index
    %get3A_21 = vector.load %arg3[%get3A_18, %get3A_19, %get3A_20] : memref<1x3x16xf32, #tpu.memory_space<vmem>>, vector<1x1x16xf32>
    %get3A_22 = vector.shape_cast %get3A_21 : vector<1x1x16xf32> to vector<1x16xf32>
    %get3A_23 = arith.constant 0 : index
    %get3A_24 = arith.constant 2 : index
    %get3A_25 = arith.constant 0 : index
    %get3A_26 = vector.load %arg3[%get3A_23, %get3A_24, %get3A_25] : memref<1x3x16xf32, #tpu.memory_space<vmem>>, vector<1x1x16xf32>
    %get3A_27 = vector.shape_cast %get3A_26 : vector<1x1x16xf32> to vector<1x16xf32>
    %sub3A = vector.broadcast %dot_general3A_6 : vector<64x1xf32> to vector<64x16xf32>
    %sub3A_28 = vector.broadcast %get3A_17 : vector<1x16xf32> to vector<64x16xf32>
    %sub3A_29 = arith.subf %sub3A, %sub3A_28 : vector<64x16xf32>
    %sub3A_30 = vector.broadcast %dot_general3A_9 : vector<64x1xf32> to vector<64x16xf32>
    %sub3A_31 = vector.broadcast %get3A_22 : vector<1x16xf32> to vector<64x16xf32>
    %sub3A_32 = arith.subf %sub3A_30, %sub3A_31 : vector<64x16xf32>
    %sub3A_33 = vector.broadcast %dot_general3A_12 : vector<64x1xf32> to vector<64x16xf32>
    %sub3A_34 = vector.broadcast %get3A_27 : vector<1x16xf32> to vector<64x16xf32>
    %sub3A_35 = arith.subf %sub3A_33, %sub3A_34 : vector<64x16xf32>
    %mul3A = arith.mulf %sub3A_29, %sub3A_29 : vector<64x16xf32>
    %mul3A_36 = arith.mulf %sub3A_32, %sub3A_32 : vector<64x16xf32>
    %add3A = arith.addf %mul3A, %mul3A_36 : vector<64x16xf32>
    %mul3A_37 = arith.mulf %sub3A_35, %sub3A_35 : vector<64x16xf32>
    %add3A_38 = arith.addf %add3A, %mul3A_37 : vector<64x16xf32>
    %iota3A_39 = tpu.iota {dimensions = array<i32: 1>} : vector<64x16xi32>
    %broadcast_in_dim3A = arith.constant 0.000000e+00 : f32
    %broadcast_in_dim3A_40 = vector.broadcast %broadcast_in_dim3A : f32 to vector<64x16xf32>
    %broadcast_in_dim3A_41 = arith.constant 0.000000e+00 : f32
    %broadcast_in_dim3A_42 = vector.broadcast %broadcast_in_dim3A_41 : f32 to vector<64x1xf32>
    %reduce_min3A = arith.constant dense<0x7F800000> : vector<64xf32>
    %reduce_min3A_43 = vector.multi_reduction <minimumf>, %add3A_38, %reduce_min3A [1] : vector<64x16xf32> to vector<64xf32>
    %broadcast_in_dim3A_44 = vector.shape_cast %reduce_min3A_43 : vector<64xf32> to vector<64x1xf32>
    %eq3A_45 = vector.broadcast %broadcast_in_dim3A_44 : vector<64x1xf32> to vector<64x16xf32>
    %eq3A_46 = arith.cmpf oeq, %add3A_38, %eq3A_45 : vector<64x16xf32>
    %jit3A = arith.constant 16 : i32
    %broadcast_in_dim3A_47 = vector.broadcast %jit3A : i32 to vector<64x16xi32>
    %select_n3A = arith.select %eq3A_46, %iota3A_39, %broadcast_in_dim3A_47 : vector<64x16xi1>, vector<64x16xi32>
    %reduce_min3A_48 = arith.constant dense<2147483647> : vector<64xi32>
    %reduce_min3A_49 = vector.multi_reduction <minsi>, %select_n3A, %reduce_min3A_48 [1] : vector<64x16xi32> to vector<64xi32>
    %broadcast_in_dim3A_50 = vector.shape_cast %reduce_min3A_49 : vector<64xi32> to vector<64x1xi32>
    %max3A = arith.constant 1.000000e-10 : f32
    %max3A_51 = vector.broadcast %max3A : f32 to vector<64x1xf32>
    %max3A_52 = arith.maximumf %broadcast_in_dim3A_44, %max3A_51 : vector<64x1xf32>
    %div3A = arith.constant 1.000000e+00 : f32
    %div3A_53 = vector.broadcast %div3A : f32 to vector<64x1xf32>
    %div3A_54 = arith.divf %div3A_53, %max3A_52 : vector<64x1xf32>
    %eq3A_55 = vector.broadcast %broadcast_in_dim3A_50 : vector<64x1xi32> to vector<64x16xi32>
    %eq3A_56 = arith.cmpi eq, %iota3A_39, %eq3A_55 : vector<64x16xi32>
    %jit3A_57 = arith.constant 0.000000e+00 : f32
    %broadcast_in_dim3A_58 = vector.shape_cast %div3A_54 : vector<64x1xf32> to vector<64x1xf32>
    %broadcast_in_dim3A_59 = vector.broadcast %broadcast_in_dim3A_58 : vector<64x1xf32> to vector<64x16xf32>
    %broadcast_in_dim3A_60 = vector.broadcast %jit3A_57 : f32 to vector<64x16xf32>
    %select_n3A_61 = arith.select %eq3A_56, %broadcast_in_dim3A_59, %broadcast_in_dim3A_60 : vector<64x16xi1>, vector<64x16xf32>
    %add3A_62 = arith.addf %broadcast_in_dim3A_40, %select_n3A_61 : vector<64x16xf32>
    %add3A_63 = arith.addf %broadcast_in_dim3A_42, %div3A_54 : vector<64x1xf32>
    %eq3A_64 = vector.broadcast %broadcast_in_dim3A_50 : vector<64x1xi32> to vector<64x16xi32>
    %eq3A_65 = arith.cmpi eq, %iota3A_39, %eq3A_64 : vector<64x16xi32>
    %jit3A_66 = arith.constant 0x7F800000 : f32
    %broadcast_in_dim3A_67 = vector.broadcast %jit3A_66 : f32 to vector<64x16xf32>
    %select_n3A_68 = arith.select %eq3A_65, %broadcast_in_dim3A_67, %add3A_38 : vector<64x16xi1>, vector<64x16xf32>
    %reduce_min3A_69 = arith.constant dense<0x7F800000> : vector<64xf32>
    %reduce_min3A_70 = vector.multi_reduction <minimumf>, %select_n3A_68, %reduce_min3A_69 [1] : vector<64x16xf32> to vector<64xf32>
    %broadcast_in_dim3A_71 = vector.shape_cast %reduce_min3A_70 : vector<64xf32> to vector<64x1xf32>
    %eq3A_72 = vector.broadcast %broadcast_in_dim3A_71 : vector<64x1xf32> to vector<64x16xf32>
    %eq3A_73 = arith.cmpf oeq, %select_n3A_68, %eq3A_72 : vector<64x16xf32>
    %jit3A_74 = arith.constant 16 : i32
    %broadcast_in_dim3A_75 = vector.broadcast %jit3A_74 : i32 to vector<64x16xi32>
    %select_n3A_76 = arith.select %eq3A_73, %iota3A_39, %broadcast_in_dim3A_75 : vector<64x16xi1>, vector<64x16xi32>
    %reduce_min3A_77 = arith.constant dense<2147483647> : vector<64xi32>
    %reduce_min3A_78 = vector.multi_reduction <minsi>, %select_n3A_76, %reduce_min3A_77 [1] : vector<64x16xi32> to vector<64xi32>
    %broadcast_in_dim3A_79 = vector.shape_cast %reduce_min3A_78 : vector<64xi32> to vector<64x1xi32>
    %max3A_80 = arith.constant 1.000000e-10 : f32
    %max3A_81 = vector.broadcast %max3A_80 : f32 to vector<64x1xf32>
    %max3A_82 = arith.maximumf %broadcast_in_dim3A_71, %max3A_81 : vector<64x1xf32>
    %div3A_83 = arith.constant 1.000000e+00 : f32
    %div3A_84 = vector.broadcast %div3A_83 : f32 to vector<64x1xf32>
    %div3A_85 = arith.divf %div3A_84, %max3A_82 : vector<64x1xf32>
    %eq3A_86 = vector.broadcast %broadcast_in_dim3A_79 : vector<64x1xi32> to vector<64x16xi32>
    %eq3A_87 = arith.cmpi eq, %iota3A_39, %eq3A_86 : vector<64x16xi32>
    %jit3A_88 = arith.constant 0.000000e+00 : f32
    %broadcast_in_dim3A_89 = vector.shape_cast %div3A_85 : vector<64x1xf32> to vector<64x1xf32>
    %broadcast_in_dim3A_90 = vector.broadcast %broadcast_in_dim3A_89 : vector<64x1xf32> to vector<64x16xf32>
    %broadcast_in_dim3A_91 = vector.broadcast %jit3A_88 : f32 to vector<64x16xf32>
    %select_n3A_92 = arith.select %eq3A_87, %broadcast_in_dim3A_90, %broadcast_in_dim3A_91 : vector<64x16xi1>, vector<64x16xf32>
    %add3A_93 = arith.addf %add3A_62, %select_n3A_92 : vector<64x16xf32>
    %add3A_94 = arith.addf %add3A_63, %div3A_85 : vector<64x1xf32>
    %eq3A_95 = vector.broadcast %broadcast_in_dim3A_79 : vector<64x1xi32> to vector<64x16xi32>
    %eq3A_96 = arith.cmpi eq, %iota3A_39, %eq3A_95 : vector<64x16xi32>
    %jit3A_97 = arith.constant 0x7F800000 : f32
    %broadcast_in_dim3A_98 = vector.broadcast %jit3A_97 : f32 to vector<64x16xf32>
    %select_n3A_99 = arith.select %eq3A_96, %broadcast_in_dim3A_98, %select_n3A_68 : vector<64x16xi1>, vector<64x16xf32>
    %reduce_min3A_100 = arith.constant dense<0x7F800000> : vector<64xf32>
    %reduce_min3A_101 = vector.multi_reduction <minimumf>, %select_n3A_99, %reduce_min3A_100 [1] : vector<64x16xf32> to vector<64xf32>
    %broadcast_in_dim3A_102 = vector.shape_cast %reduce_min3A_101 : vector<64xf32> to vector<64x1xf32>
    %eq3A_103 = vector.broadcast %broadcast_in_dim3A_102 : vector<64x1xf32> to vector<64x16xf32>
    %eq3A_104 = arith.cmpf oeq, %select_n3A_99, %eq3A_103 : vector<64x16xf32>
    %jit3A_105 = arith.constant 16 : i32
    %broadcast_in_dim3A_106 = vector.broadcast %jit3A_105 : i32 to vector<64x16xi32>
    %select_n3A_107 = arith.select %eq3A_104, %iota3A_39, %broadcast_in_dim3A_106 : vector<64x16xi1>, vector<64x16xi32>
    %reduce_min3A_108 = arith.constant dense<2147483647> : vector<64xi32>
    %reduce_min3A_109 = vector.multi_reduction <minsi>, %select_n3A_107, %reduce_min3A_108 [1] : vector<64x16xi32> to vector<64xi32>
    %broadcast_in_dim3A_110 = vector.shape_cast %reduce_min3A_109 : vector<64xi32> to vector<64x1xi32>
    %max3A_111 = arith.constant 1.000000e-10 : f32
    %max3A_112 = vector.broadcast %max3A_111 : f32 to vector<64x1xf32>
    %max3A_113 = arith.maximumf %broadcast_in_dim3A_102, %max3A_112 : vector<64x1xf32>
    %div3A_114 = arith.constant 1.000000e+00 : f32
    %div3A_115 = vector.broadcast %div3A_114 : f32 to vector<64x1xf32>
    %div3A_116 = arith.divf %div3A_115, %max3A_113 : vector<64x1xf32>
    %eq3A_117 = vector.broadcast %broadcast_in_dim3A_110 : vector<64x1xi32> to vector<64x16xi32>
    %eq3A_118 = arith.cmpi eq, %iota3A_39, %eq3A_117 : vector<64x16xi32>
    %jit3A_119 = arith.constant 0.000000e+00 : f32
    %broadcast_in_dim3A_120 = vector.shape_cast %div3A_116 : vector<64x1xf32> to vector<64x1xf32>
    %broadcast_in_dim3A_121 = vector.broadcast %broadcast_in_dim3A_120 : vector<64x1xf32> to vector<64x16xf32>
    %broadcast_in_dim3A_122 = vector.broadcast %jit3A_119 : f32 to vector<64x16xf32>
    %select_n3A_123 = arith.select %eq3A_118, %broadcast_in_dim3A_121, %broadcast_in_dim3A_122 : vector<64x16xi1>, vector<64x16xf32>
    %add3A_124 = arith.addf %add3A_93, %select_n3A_123 : vector<64x16xf32>
    %add3A_125 = arith.addf %add3A_94, %div3A_116 : vector<64x1xf32>
    %div3A_126 = vector.broadcast %add3A_125 : vector<64x1xf32> to vector<64x16xf32>
    %div3A_127 = arith.divf %add3A_124, %div3A_126 : vector<64x16xf32>
    %get3A_128 = arith.constant 0 : index
    %get3A_129 = arith.constant 0 : index
    %get3A_130 = arith.constant 0 : index
    %get3A_131 = vector.load %arg4[%get3A_128, %get3A_129, %get3A_130] : memref<1x16x512xf32, #tpu.memory_space<vmem>>, vector<1x16x512xf32>
    %get3A_132 = vector.shape_cast %get3A_131 : vector<1x16x512xf32> to vector<16x512xf32>
    %dot_general3A_133 = arith.constant dense<0.000000e+00> : vector<64x512xf32>
    %dot_general3A_134 = tpu.matmul %div3A_127, %get3A_132, %dot_general3A_133 {dimension_numbers = #tpu.dot_dimension_numbers<[1], [0], [0], [1], [0, 0, 1, 1], [], []>, transpose_lhs_hint = false} : vector<64x16xf32>, vector<16x512xf32>, vector<64x512xf32> -> vector<64x512xf32>
    %get3A_135 = arith.constant 0 : index
    %get3A_136 = arith.constant 0 : index
    %get3A_137 = vector.load %arg6[%get3A_135, %get3A_136] : memref<768x256xf32, #tpu.memory_space<vmem>>, vector<768x256xf32>
    %get3A_138 = arith.constant 0 : index
    %get3A_139 = arith.constant 0 : index
    %get3A_140 = vector.load %arg7[%get3A_138, %get3A_139] : memref<1x256xf32, #tpu.memory_space<vmem>>, vector<1x256xf32>
    %slice3A_141 = vector.extract_strided_slice %get3A_137 {offsets = [0, 0], sizes = [512, 256], strides = [1, 1]} : vector<768x256xf32> to vector<512x256xf32>
    %dot_general3A_142 = arith.constant dense<0.000000e+00> : vector<64x256xf32>
    %dot_general3A_143 = tpu.matmul %dot_general3A_134, %slice3A_141, %dot_general3A_142 {dimension_numbers = #tpu.dot_dimension_numbers<[1], [0], [0], [1], [0, 0, 1, 1], [], []>, transpose_lhs_hint = false} : vector<64x512xf32>, vector<512x256xf32>, vector<64x256xf32> -> vector<64x256xf32>
    %get3A_144 = arith.constant 0 : index
    %get3A_145 = arith.constant 0 : index
    %get3A_146 = arith.constant 0 : index
    %get3A_147 = vector.load %arg5[%get3A_144, %get3A_145, %get3A_146] : memref<1x64x256xf32, #tpu.memory_space<vmem>>, vector<1x64x256xf32>
    %get3A_148 = vector.shape_cast %get3A_147 : vector<1x64x256xf32> to vector<64x256xf32>
    %slice3A_149 = vector.extract_strided_slice %get3A_137 {offsets = [512, 0], sizes = [256, 256], strides = [1, 1]} : vector<768x256xf32> to vector<256x256xf32>
    %dot_general3A_150 = arith.constant dense<0.000000e+00> : vector<64x256xf32>
    %dot_general3A_151 = tpu.matmul %get3A_148, %slice3A_149, %dot_general3A_150 {dimension_numbers = #tpu.dot_dimension_numbers<[1], [0], [0], [1], [0, 0, 1, 1], [], []>, transpose_lhs_hint = false} : vector<64x256xf32>, vector<256x256xf32>, vector<64x256xf32> -> vector<64x256xf32>
    %add3A_152 = arith.addf %dot_general3A_143, %dot_general3A_151 : vector<64x256xf32>
    %add3A_153 = vector.broadcast %get3A_140 : vector<1x256xf32> to vector<64x256xf32>
    %add3A_154 = arith.addf %add3A_152, %add3A_153 : vector<64x256xf32>
    %max3A_155 = arith.constant 0.000000e+00 : f32
    %max3A_156 = vector.broadcast %max3A_155 : f32 to vector<64x256xf32>
    %max3A_157 = arith.maximumf %add3A_154, %max3A_156 : vector<64x256xf32>
    %get3A_158 = arith.constant 0 : index
    %get3A_159 = arith.constant 0 : index
    %get3A_160 = vector.load %arg8[%get3A_158, %get3A_159] : memref<256x256xf32, #tpu.memory_space<vmem>>, vector<256x256xf32>
    %get3A_161 = arith.constant 0 : index
    %get3A_162 = arith.constant 0 : index
    %get3A_163 = vector.load %arg9[%get3A_161, %get3A_162] : memref<1x256xf32, #tpu.memory_space<vmem>>, vector<1x256xf32>
    %dot_general3A_164 = arith.constant dense<0.000000e+00> : vector<64x256xf32>
    %dot_general3A_165 = tpu.matmul %max3A_157, %get3A_160, %dot_general3A_164 {dimension_numbers = #tpu.dot_dimension_numbers<[1], [0], [0], [1], [0, 0, 1, 1], [], []>, transpose_lhs_hint = false} : vector<64x256xf32>, vector<256x256xf32>, vector<64x256xf32> -> vector<64x256xf32>
    %add3A_166 = vector.broadcast %get3A_163 : vector<1x256xf32> to vector<64x256xf32>
    %add3A_167 = arith.addf %dot_general3A_165, %add3A_166 : vector<64x256xf32>
    %max3A_168 = arith.constant 0.000000e+00 : f32
    %max3A_169 = vector.broadcast %max3A_168 : f32 to vector<64x256xf32>
    %max3A_170 = arith.maximumf %add3A_167, %max3A_169 : vector<64x256xf32>
    %swap3A = arith.constant 0 : index
    %swap3A_171 = arith.constant 0 : index
    %swap3A_172 = arith.constant 0 : index
    %swap3A_173 = vector.load %arg10[%swap3A, %swap3A_171, %swap3A_172] : memref<1x64x256xf32, #tpu.memory_space<vmem>>, vector<1x64x256xf32>
    %swap3A_174 = vector.shape_cast %swap3A_173 : vector<1x64x256xf32> to vector<64x256xf32>
    %swap3A_175 = vector.shape_cast %max3A_170 : vector<64x256xf32> to vector<1x64x256xf32>
    tpu.vector_store %arg10[%swap3A, %swap3A_171, %swap3A_172], %swap3A_175 {strides = array<i32>} : memref<1x64x256xf32, #tpu.memory_space<vmem>>, vector<1x64x256xf32>,
    return
  }
  func.func @transform_0(%arg0: i32, %arg1: i32) -> (i32, i32, i32) {
    %c0_i32 = arith.constant 0 : i32
    %c0_i32_0 = arith.constant 0 : i32
    return %arg0, %arg1, %c0_i32 : i32, i32, i32
  }
  func.func @transform_1(%arg0: i32, %arg1: i32) -> (i32, i32, i32) {
    %c0_i32 = arith.constant 0 : i32
    %c0_i32_0 = arith.constant 0 : i32
    %c0_i32_1 = arith.constant 0 : i32
    return %arg0, %c0_i32, %c0_i32_0 : i32, i32, i32
  }
  func.func @transform_2(%arg0: i32, %arg1: i32) -> (i32, i32, i32) {
    %c0_i32 = arith.constant 0 : i32
    %c0_i32_0 = arith.constant 0 : i32
    %c0_i32_1 = arith.constant 0 : i32
    return %arg0, %c0_i32, %c0_i32_0 : i32, i32, i32
  }
  func.func @transform_3(%arg0: i32, %arg1: i32) -> (i32, i32, i32) {
    %c0_i32 = arith.constant 0 : i32
    %c0_i32_0 = arith.constant 0 : i32
    return %arg0, %arg1, %c0_i32 : i32, i32, i32
  }
  func.func @transform_4(%arg0: i32, %arg1: i32) -> (i32, i32) {
    %c0_i32 = arith.constant 0 : i32
    %c0_i32_0 = arith.constant 0 : i32
    %c0_i32_1 = arith.constant 0 : i32
    return %c0_i32, %c0_i32_0 : i32, i32
  }
  func.func @transform_5(%arg0: i32, %arg1: i32) -> (i32, i32) {
    %c0_i32 = arith.constant 0 : i32
    %c0_i32_0 = arith.constant 0 : i32
    %c0_i32_1 = arith.constant 0 : i32
    return %c0_i32, %c0_i32_0 : i32, i32
  }
  func.func @transform_6(%arg0: i32, %arg1: i32) -> (i32, i32) {
    %c0_i32 = arith.constant 0 : i32
    %c0_i32_0 = arith.constant 0 : i32
    %c0_i32_1 = arith.constant 0 : i32
    return %c0_i32, %c0_i32_0 : i32, i32
  }
  func.func @transform_7(%arg0: i32, %arg1: i32) -> (i32, i32) {
    %c0_i32 = arith.constant 0 : i32
    %c0_i32_0 = arith.constant 0 : i32
    %c0_i32_1 = arith.constant 0 : i32
    return %c0_i32, %c0_i32_0 : i32, i32
  }
  func.func @transform_8(%arg0: i32, %arg1: i32) -> (i32, i32, i32) {
    %c0_i32 = arith.constant 0 : i32
    %c0_i32_0 = arith.constant 0 : i32
    return %arg0, %arg1, %c0_i32 : i32, i32, i32
  }
}

module attributes {stable_mosaic.version = 14 : i64} {
  func.func @_fp_body(%arg0: i32, %arg1: i32, %arg2: memref<1x128x3xf32, #tpu.memory_space<vmem>>, %arg3: memref<1x3x64xf32, #tpu.memory_space<vmem>>, %arg4: memref<1x64x256xf32, #tpu.memory_space<vmem>>, %arg5: memref<1x128x128xf32, #tpu.memory_space<vmem>>, %arg6: memref<384x256xf32, #tpu.memory_space<vmem>>, %arg7: memref<1x256xf32, #tpu.memory_space<vmem>>, %arg8: memref<256x256xf32, #tpu.memory_space<vmem>>, %arg9: memref<1x256xf32, #tpu.memory_space<vmem>>, %arg10: memref<1x128x256xf32, #tpu.memory_space<vmem>>) attributes {dimension_semantics = [#tpu.dimension_semantics<arbitrary>, #tpu.dimension_semantics<arbitrary>], iteration_bounds = array<i64: 4, 2>, scalar_prefetch = 0 : i64, scratch_operands = 0 : i64, tpu.core_type = #tpu.core_type<tc>, window_params = [{transform_indices = @transform_0, window_bounds = array<i64: 1, 128, 3>}, {transform_indices = @transform_1, window_bounds = array<i64: 1, 3, 64>}, {transform_indices = @transform_2, window_bounds = array<i64: 1, 64, 256>}, {transform_indices = @transform_3, window_bounds = array<i64: 1, 128, 128>}, {pipeline_mode = #tpu.pipeline_mode<synchronous>, transform_indices = @transform_4, window_bounds = array<i64: 384, 256>}, {pipeline_mode = #tpu.pipeline_mode<synchronous>, transform_indices = @transform_5, window_bounds = array<i64: 1, 256>}, {pipeline_mode = #tpu.pipeline_mode<synchronous>, transform_indices = @transform_6, window_bounds = array<i64: 256, 256>}, {pipeline_mode = #tpu.pipeline_mode<synchronous>, transform_indices = @transform_7, window_bounds = array<i64: 1, 256>}, {transform_indices = @transform_8, window_bounds = array<i64: 1, 128, 256>}]} {
    %get3A = arith.constant 0 : index
    %get3A_0 = arith.constant 0 : index
    %get3A_1 = arith.constant 0 : index
    %get3A_2 = vector.load %arg2[%get3A, %get3A_0, %get3A_1] : memref<1x128x3xf32, #tpu.memory_space<vmem>>, vector<1x128x3xf32>
    %get3A_3 = vector.shape_cast %get3A_2 : vector<1x128x3xf32> to vector<128x3xf32>
    %iota3A = tpu.iota {dimensions = array<i32: 0>} : vector<3x3xi32>
    %iota3A_4 = tpu.iota {dimensions = array<i32: 1>} : vector<3x3xi32>
    %eq3A = arith.cmpi eq, %iota3A, %iota3A_4 : vector<3x3xi32>
    %convert_element_type3A = arith.extui %eq3A : vector<3x3xi1> to vector<3x3xi32>
    %convert_element_type3A_5 = arith.sitofp %convert_element_type3A : vector<3x3xi32> to vector<3x3xf32>
    %slice3A = vector.extract_strided_slice %convert_element_type3A_5 {offsets = [0, 0], sizes = [3, 1], strides = [1, 1]} : vector<3x3xf32> to vector<3x1xf32>
    %dot_general3A = arith.constant dense<0.000000e+00> : vector<128x1xf32>
    %dot_general3A_6 = tpu.matmul %get3A_3, %slice3A, %dot_general3A {dimension_numbers = #tpu.dot_dimension_numbers<[1], [0], [0], [1], [0, 0, 1, 1], [], []>, transpose_lhs_hint = false} : vector<128x3xf32>, vector<3x1xf32>, vector<128x1xf32> -> vector<128x1xf32>
    %slice3A_7 = vector.extract_strided_slice %convert_element_type3A_5 {offsets = [0, 1], sizes = [3, 1], strides = [1, 1]} : vector<3x3xf32> to vector<3x1xf32>
    %dot_general3A_8 = arith.constant dense<0.000000e+00> : vector<128x1xf32>
    %dot_general3A_9 = tpu.matmul %get3A_3, %slice3A_7, %dot_general3A_8 {dimension_numbers = #tpu.dot_dimension_numbers<[1], [0], [0], [1], [0, 0, 1, 1], [], []>, transpose_lhs_hint = false} : vector<128x3xf32>, vector<3x1xf32>, vector<128x1xf32> -> vector<128x1xf32>
    %slice3A_10 = vector.extract_strided_slice %convert_element_type3A_5 {offsets = [0, 2], sizes = [3, 1], strides = [1, 1]} : vector<3x3xf32> to vector<3x1xf32>
    %dot_general3A_11 = arith.constant dense<0.000000e+00> : vector<128x1xf32>
    %dot_general3A_12 = tpu.matmul %get3A_3, %slice3A_10, %dot_general3A_11 {dimension_numbers = #tpu.dot_dimension_numbers<[1], [0], [0], [1], [0, 0, 1, 1], [], []>, transpose_lhs_hint = false} : vector<128x3xf32>, vector<3x1xf32>, vector<128x1xf32> -> vector<128x1xf32>
    %get3A_13 = arith.constant 0 : index
    %get3A_14 = arith.constant 0 : index
    %get3A_15 = arith.constant 0 : index
    %get3A_16 = vector.load %arg3[%get3A_13, %get3A_14, %get3A_15] : memref<1x3x64xf32, #tpu.memory_space<vmem>>, vector<1x1x64xf32>
    %get3A_17 = vector.shape_cast %get3A_16 : vector<1x1x64xf32> to vector<1x64xf32>
    %get3A_18 = arith.constant 0 : index
    %get3A_19 = arith.constant 1 : index
    %get3A_20 = arith.constant 0 : index
    %get3A_21 = vector.load %arg3[%get3A_18, %get3A_19, %get3A_20] : memref<1x3x64xf32, #tpu.memory_space<vmem>>, vector<1x1x64xf32>
    %get3A_22 = vector.shape_cast %get3A_21 : vector<1x1x64xf32> to vector<1x64xf32>
    %get3A_23 = arith.constant 0 : index
    %get3A_24 = arith.constant 2 : index
    %get3A_25 = arith.constant 0 : index
    %get3A_26 = vector.load %arg3[%get3A_23, %get3A_24, %get3A_25] : memref<1x3x64xf32, #tpu.memory_space<vmem>>, vector<1x1x64xf32>
    %get3A_27 = vector.shape_cast %get3A_26 : vector<1x1x64xf32> to vector<1x64xf32>
    %sub3A = vector.broadcast %dot_general3A_6 : vector<128x1xf32> to vector<128x64xf32>
    %sub3A_28 = vector.broadcast %get3A_17 : vector<1x64xf32> to vector<128x64xf32>
    %sub3A_29 = arith.subf %sub3A, %sub3A_28 : vector<128x64xf32>
    %sub3A_30 = vector.broadcast %dot_general3A_9 : vector<128x1xf32> to vector<128x64xf32>
    %sub3A_31 = vector.broadcast %get3A_22 : vector<1x64xf32> to vector<128x64xf32>
    %sub3A_32 = arith.subf %sub3A_30, %sub3A_31 : vector<128x64xf32>
    %sub3A_33 = vector.broadcast %dot_general3A_12 : vector<128x1xf32> to vector<128x64xf32>
    %sub3A_34 = vector.broadcast %get3A_27 : vector<1x64xf32> to vector<128x64xf32>
    %sub3A_35 = arith.subf %sub3A_33, %sub3A_34 : vector<128x64xf32>
    %mul3A = arith.mulf %sub3A_29, %sub3A_29 : vector<128x64xf32>
    %mul3A_36 = arith.mulf %sub3A_32, %sub3A_32 : vector<128x64xf32>
    %add3A = arith.addf %mul3A, %mul3A_36 : vector<128x64xf32>
    %mul3A_37 = arith.mulf %sub3A_35, %sub3A_35 : vector<128x64xf32>
    %add3A_38 = arith.addf %add3A, %mul3A_37 : vector<128x64xf32>
    %iota3A_39 = tpu.iota {dimensions = array<i32: 1>} : vector<128x64xi32>
    %broadcast_in_dim3A = arith.constant 0.000000e+00 : f32
    %broadcast_in_dim3A_40 = vector.broadcast %broadcast_in_dim3A : f32 to vector<128x64xf32>
    %broadcast_in_dim3A_41 = arith.constant 0.000000e+00 : f32
    %broadcast_in_dim3A_42 = vector.broadcast %broadcast_in_dim3A_41 : f32 to vector<128x1xf32>
    %reduce_min3A = arith.constant dense<0x7F800000> : vector<128xf32>
    %reduce_min3A_43 = vector.multi_reduction <minimumf>, %add3A_38, %reduce_min3A [1] : vector<128x64xf32> to vector<128xf32>
    %broadcast_in_dim3A_44 = vector.shape_cast %reduce_min3A_43 : vector<128xf32> to vector<128x1xf32>
    %eq3A_45 = vector.broadcast %broadcast_in_dim3A_44 : vector<128x1xf32> to vector<128x64xf32>
    %eq3A_46 = arith.cmpf oeq, %add3A_38, %eq3A_45 : vector<128x64xf32>
    %jit3A = arith.constant 64 : i32
    %broadcast_in_dim3A_47 = vector.broadcast %jit3A : i32 to vector<128x64xi32>
    %select_n3A = arith.select %eq3A_46, %iota3A_39, %broadcast_in_dim3A_47 : vector<128x64xi1>, vector<128x64xi32>
    %reduce_min3A_48 = arith.constant dense<2147483647> : vector<128xi32>
    %reduce_min3A_49 = vector.multi_reduction <minsi>, %select_n3A, %reduce_min3A_48 [1] : vector<128x64xi32> to vector<128xi32>
    %broadcast_in_dim3A_50 = vector.shape_cast %reduce_min3A_49 : vector<128xi32> to vector<128x1xi32>
    %max3A = arith.constant 1.000000e-10 : f32
    %max3A_51 = vector.broadcast %max3A : f32 to vector<128x1xf32>
    %max3A_52 = arith.maximumf %broadcast_in_dim3A_44, %max3A_51 : vector<128x1xf32>
    %div3A = arith.constant 1.000000e+00 : f32
    %div3A_53 = vector.broadcast %div3A : f32 to vector<128x1xf32>
    %div3A_54 = arith.divf %div3A_53, %max3A_52 : vector<128x1xf32>
    %eq3A_55 = vector.broadcast %broadcast_in_dim3A_50 : vector<128x1xi32> to vector<128x64xi32>
    %eq3A_56 = arith.cmpi eq, %iota3A_39, %eq3A_55 : vector<128x64xi32>
    %jit3A_57 = arith.constant 0.000000e+00 : f32
    %broadcast_in_dim3A_58 = vector.shape_cast %div3A_54 : vector<128x1xf32> to vector<128x1xf32>
    %broadcast_in_dim3A_59 = vector.broadcast %broadcast_in_dim3A_58 : vector<128x1xf32> to vector<128x64xf32>
    %broadcast_in_dim3A_60 = vector.broadcast %jit3A_57 : f32 to vector<128x64xf32>
    %select_n3A_61 = arith.select %eq3A_56, %broadcast_in_dim3A_59, %broadcast_in_dim3A_60 : vector<128x64xi1>, vector<128x64xf32>
    %add3A_62 = arith.addf %broadcast_in_dim3A_40, %select_n3A_61 : vector<128x64xf32>
    %add3A_63 = arith.addf %broadcast_in_dim3A_42, %div3A_54 : vector<128x1xf32>
    %eq3A_64 = vector.broadcast %broadcast_in_dim3A_50 : vector<128x1xi32> to vector<128x64xi32>
    %eq3A_65 = arith.cmpi eq, %iota3A_39, %eq3A_64 : vector<128x64xi32>
    %jit3A_66 = arith.constant 0x7F800000 : f32
    %broadcast_in_dim3A_67 = vector.broadcast %jit3A_66 : f32 to vector<128x64xf32>
    %select_n3A_68 = arith.select %eq3A_65, %broadcast_in_dim3A_67, %add3A_38 : vector<128x64xi1>, vector<128x64xf32>
    %reduce_min3A_69 = arith.constant dense<0x7F800000> : vector<128xf32>
    %reduce_min3A_70 = vector.multi_reduction <minimumf>, %select_n3A_68, %reduce_min3A_69 [1] : vector<128x64xf32> to vector<128xf32>
    %broadcast_in_dim3A_71 = vector.shape_cast %reduce_min3A_70 : vector<128xf32> to vector<128x1xf32>
    %eq3A_72 = vector.broadcast %broadcast_in_dim3A_71 : vector<128x1xf32> to vector<128x64xf32>
    %eq3A_73 = arith.cmpf oeq, %select_n3A_68, %eq3A_72 : vector<128x64xf32>
    %jit3A_74 = arith.constant 64 : i32
    %broadcast_in_dim3A_75 = vector.broadcast %jit3A_74 : i32 to vector<128x64xi32>
    %select_n3A_76 = arith.select %eq3A_73, %iota3A_39, %broadcast_in_dim3A_75 : vector<128x64xi1>, vector<128x64xi32>
    %reduce_min3A_77 = arith.constant dense<2147483647> : vector<128xi32>
    %reduce_min3A_78 = vector.multi_reduction <minsi>, %select_n3A_76, %reduce_min3A_77 [1] : vector<128x64xi32> to vector<128xi32>
    %broadcast_in_dim3A_79 = vector.shape_cast %reduce_min3A_78 : vector<128xi32> to vector<128x1xi32>
    %max3A_80 = arith.constant 1.000000e-10 : f32
    %max3A_81 = vector.broadcast %max3A_80 : f32 to vector<128x1xf32>
    %max3A_82 = arith.maximumf %broadcast_in_dim3A_71, %max3A_81 : vector<128x1xf32>
    %div3A_83 = arith.constant 1.000000e+00 : f32
    %div3A_84 = vector.broadcast %div3A_83 : f32 to vector<128x1xf32>
    %div3A_85 = arith.divf %div3A_84, %max3A_82 : vector<128x1xf32>
    %eq3A_86 = vector.broadcast %broadcast_in_dim3A_79 : vector<128x1xi32> to vector<128x64xi32>
    %eq3A_87 = arith.cmpi eq, %iota3A_39, %eq3A_86 : vector<128x64xi32>
    %jit3A_88 = arith.constant 0.000000e+00 : f32
    %broadcast_in_dim3A_89 = vector.shape_cast %div3A_85 : vector<128x1xf32> to vector<128x1xf32>
    %broadcast_in_dim3A_90 = vector.broadcast %broadcast_in_dim3A_89 : vector<128x1xf32> to vector<128x64xf32>
    %broadcast_in_dim3A_91 = vector.broadcast %jit3A_88 : f32 to vector<128x64xf32>
    %select_n3A_92 = arith.select %eq3A_87, %broadcast_in_dim3A_90, %broadcast_in_dim3A_91 : vector<128x64xi1>, vector<128x64xf32>
    %add3A_93 = arith.addf %add3A_62, %select_n3A_92 : vector<128x64xf32>
    %add3A_94 = arith.addf %add3A_63, %div3A_85 : vector<128x1xf32>
    %eq3A_95 = vector.broadcast %broadcast_in_dim3A_79 : vector<128x1xi32> to vector<128x64xi32>
    %eq3A_96 = arith.cmpi eq, %iota3A_39, %eq3A_95 : vector<128x64xi32>
    %jit3A_97 = arith.constant 0x7F800000 : f32
    %broadcast_in_dim3A_98 = vector.broadcast %jit3A_97 : f32 to vector<128x64xf32>
    %select_n3A_99 = arith.select %eq3A_96, %broadcast_in_dim3A_98, %select_n3A_68 : vector<128x64xi1>, vector<128x64xf32>
    %reduce_min3A_100 = arith.constant dense<0x7F800000> : vector<128xf32>
    %reduce_min3A_101 = vector.multi_reduction <minimumf>, %select_n3A_99, %reduce_min3A_100 [1] : vector<128x64xf32> to vector<128xf32>
    %broadcast_in_dim3A_102 = vector.shape_cast %reduce_min3A_101 : vector<128xf32> to vector<128x1xf32>
    %eq3A_103 = vector.broadcast %broadcast_in_dim3A_102 : vector<128x1xf32> to vector<128x64xf32>
    %eq3A_104 = arith.cmpf oeq, %select_n3A_99, %eq3A_103 : vector<128x64xf32>
    %jit3A_105 = arith.constant 64 : i32
    %broadcast_in_dim3A_106 = vector.broadcast %jit3A_105 : i32 to vector<128x64xi32>
    %select_n3A_107 = arith.select %eq3A_104, %iota3A_39, %broadcast_in_dim3A_106 : vector<128x64xi1>, vector<128x64xi32>
    %reduce_min3A_108 = arith.constant dense<2147483647> : vector<128xi32>
    %reduce_min3A_109 = vector.multi_reduction <minsi>, %select_n3A_107, %reduce_min3A_108 [1] : vector<128x64xi32> to vector<128xi32>
    %broadcast_in_dim3A_110 = vector.shape_cast %reduce_min3A_109 : vector<128xi32> to vector<128x1xi32>
    %max3A_111 = arith.constant 1.000000e-10 : f32
    %max3A_112 = vector.broadcast %max3A_111 : f32 to vector<128x1xf32>
    %max3A_113 = arith.maximumf %broadcast_in_dim3A_102, %max3A_112 : vector<128x1xf32>
    %div3A_114 = arith.constant 1.000000e+00 : f32
    %div3A_115 = vector.broadcast %div3A_114 : f32 to vector<128x1xf32>
    %div3A_116 = arith.divf %div3A_115, %max3A_113 : vector<128x1xf32>
    %eq3A_117 = vector.broadcast %broadcast_in_dim3A_110 : vector<128x1xi32> to vector<128x64xi32>
    %eq3A_118 = arith.cmpi eq, %iota3A_39, %eq3A_117 : vector<128x64xi32>
    %jit3A_119 = arith.constant 0.000000e+00 : f32
    %broadcast_in_dim3A_120 = vector.shape_cast %div3A_116 : vector<128x1xf32> to vector<128x1xf32>
    %broadcast_in_dim3A_121 = vector.broadcast %broadcast_in_dim3A_120 : vector<128x1xf32> to vector<128x64xf32>
    %broadcast_in_dim3A_122 = vector.broadcast %jit3A_119 : f32 to vector<128x64xf32>
    %select_n3A_123 = arith.select %eq3A_118, %broadcast_in_dim3A_121, %broadcast_in_dim3A_122 : vector<128x64xi1>, vector<128x64xf32>
    %add3A_124 = arith.addf %add3A_93, %select_n3A_123 : vector<128x64xf32>
    %add3A_125 = arith.addf %add3A_94, %div3A_116 : vector<128x1xf32>
    %div3A_126 = vector.broadcast %add3A_125 : vector<128x1xf32> to vector<128x64xf32>
    %div3A_127 = arith.divf %add3A_124, %div3A_126 : vector<128x64xf32>
    %get3A_128 = arith.constant 0 : index
    %get3A_129 = arith.constant 0 : index
    %get3A_130 = arith.constant 0 : index
    %get3A_131 = vector.load %arg4[%get3A_128, %get3A_129, %get3A_130] : memref<1x64x256xf32, #tpu.memory_space<vmem>>, vector<1x64x256xf32>
    %get3A_132 = vector.shape_cast %get3A_131 : vector<1x64x256xf32> to vector<64x256xf32>
    %dot_general3A_133 = arith.constant dense<0.000000e+00> : vector<128x256xf32>
    %dot_general3A_134 = tpu.matmul %div3A_127, %get3A_132, %dot_general3A_133 {dimension_numbers = #tpu.dot_dimension_numbers<[1], [0], [0], [1], [0, 0, 1, 1], [], []>, transpose_lhs_hint = false} : vector<128x64xf32>, vector<64x256xf32>, vector<128x256xf32> -> vector<128x256xf32>
    %get3A_135 = arith.constant 0 : index
    %get3A_136 = arith.constant 0 : index
    %get3A_137 = vector.load %arg6[%get3A_135, %get3A_136] : memref<384x256xf32, #tpu.memory_space<vmem>>, vector<384x256xf32>
    %get3A_138 = arith.constant 0 : index
    %get3A_139 = arith.constant 0 : index
    %get3A_140 = vector.load %arg7[%get3A_138, %get3A_139] : memref<1x256xf32, #tpu.memory_space<vmem>>, vector<1x256xf32>
    %slice3A_141 = vector.extract_strided_slice %get3A_137 {offsets = [0, 0], sizes = [256, 256], strides = [1, 1]} : vector<384x256xf32> to vector<256x256xf32>
    %dot_general3A_142 = arith.constant dense<0.000000e+00> : vector<128x256xf32>
    %dot_general3A_143 = tpu.matmul %dot_general3A_134, %slice3A_141, %dot_general3A_142 {dimension_numbers = #tpu.dot_dimension_numbers<[1], [0], [0], [1], [0, 0, 1, 1], [], []>, transpose_lhs_hint = false} : vector<128x256xf32>, vector<256x256xf32>, vector<128x256xf32> -> vector<128x256xf32>
    %get3A_144 = arith.constant 0 : index
    %get3A_145 = arith.constant 0 : index
    %get3A_146 = arith.constant 0 : index
    %get3A_147 = vector.load %arg5[%get3A_144, %get3A_145, %get3A_146] : memref<1x128x128xf32, #tpu.memory_space<vmem>>, vector<1x128x128xf32>
    %get3A_148 = vector.shape_cast %get3A_147 : vector<1x128x128xf32> to vector<128x128xf32>
    %slice3A_149 = vector.extract_strided_slice %get3A_137 {offsets = [256, 0], sizes = [128, 256], strides = [1, 1]} : vector<384x256xf32> to vector<128x256xf32>
    %dot_general3A_150 = arith.constant dense<0.000000e+00> : vector<128x256xf32>
    %dot_general3A_151 = tpu.matmul %get3A_148, %slice3A_149, %dot_general3A_150 {dimension_numbers = #tpu.dot_dimension_numbers<[1], [0], [0], [1], [0, 0, 1, 1], [], []>, transpose_lhs_hint = false} : vector<128x128xf32>, vector<128x256xf32>, vector<128x256xf32> -> vector<128x256xf32>
    %add3A_152 = arith.addf %dot_general3A_143, %dot_general3A_151 : vector<128x256xf32>
    %add3A_153 = vector.broadcast %get3A_140 : vector<1x256xf32> to vector<128x256xf32>
    %add3A_154 = arith.addf %add3A_152, %add3A_153 : vector<128x256xf32>
    %max3A_155 = arith.constant 0.000000e+00 : f32
    %max3A_156 = vector.broadcast %max3A_155 : f32 to vector<128x256xf32>
    %max3A_157 = arith.maximumf %add3A_154, %max3A_156 : vector<128x256xf32>
    %get3A_158 = arith.constant 0 : index
    %get3A_159 = arith.constant 0 : index
    %get3A_160 = vector.load %arg8[%get3A_158, %get3A_159] : memref<256x256xf32, #tpu.memory_space<vmem>>, vector<256x256xf32>
    %get3A_161 = arith.constant 0 : index
    %get3A_162 = arith.constant 0 : index
    %get3A_163 = vector.load %arg9[%get3A_161, %get3A_162] : memref<1x256xf32, #tpu.memory_space<vmem>>, vector<1x256xf32>
    %dot_general3A_164 = arith.constant dense<0.000000e+00> : vector<128x256xf32>
    %dot_general3A_165 = tpu.matmul %max3A_157, %get3A_160, %dot_general3A_164 {dimension_numbers = #tpu.dot_dimension_numbers<[1], [0], [0], [1], [0, 0, 1, 1], [], []>, transpose_lhs_hint = false} : vector<128x256xf32>, vector<256x256xf32>, vector<128x256xf32> -> vector<128x256xf32>
    %add3A_166 = vector.broadcast %get3A_163 : vector<1x256xf32> to vector<128x256xf32>
    %add3A_167 = arith.addf %dot_general3A_165, %add3A_166 : vector<128x256xf32>
    %max3A_168 = arith.constant 0.000000e+00 : f32
    %max3A_169 = vector.broadcast %max3A_168 : f32 to vector<128x256xf32>
    %max3A_170 = arith.maximumf %add3A_167, %max3A_169 : vector<128x256xf32>
    %swap3A = arith.constant 0 : index
    %swap3A_171 = arith.constant 0 : index
    %swap3A_172 = arith.constant 0 : index
    %swap3A_173 = vector.load %arg10[%swap3A, %swap3A_171, %swap3A_172] : memref<1x128x256xf32, #tpu.memory_space<vmem>>, vector<1x128x256xf32>
    %swap3A_174 = vector.shape_cast %swap3A_173 : vector<1x128x256xf32> to vector<128x256xf32>
    %swap3A_175 = vector.shape_cast %max3A_170 : vector<128x256xf32> to vector<1x128x256xf32>
    tpu.vector_store %arg10[%swap3A, %swap3A_171, %swap3A_172], %swap3A_175 {strides = array<i32>} : memref<1x128x256xf32, #tpu.memory_space<vmem>>, vector<1x128x256xf32>,
    return
  }
  func.func @transform_0(%arg0: i32, %arg1: i32) -> (i32, i32, i32) {
    %c0_i32 = arith.constant 0 : i32
    %c0_i32_0 = arith.constant 0 : i32
    return %arg0, %arg1, %c0_i32 : i32, i32, i32
  }
  func.func @transform_1(%arg0: i32, %arg1: i32) -> (i32, i32, i32) {
    %c0_i32 = arith.constant 0 : i32
    %c0_i32_0 = arith.constant 0 : i32
    %c0_i32_1 = arith.constant 0 : i32
    return %arg0, %c0_i32, %c0_i32_0 : i32, i32, i32
  }
  func.func @transform_2(%arg0: i32, %arg1: i32) -> (i32, i32, i32) {
    %c0_i32 = arith.constant 0 : i32
    %c0_i32_0 = arith.constant 0 : i32
    %c0_i32_1 = arith.constant 0 : i32
    return %arg0, %c0_i32, %c0_i32_0 : i32, i32, i32
  }
  func.func @transform_3(%arg0: i32, %arg1: i32) -> (i32, i32, i32) {
    %c0_i32 = arith.constant 0 : i32
    %c0_i32_0 = arith.constant 0 : i32
    return %arg0, %arg1, %c0_i32 : i32, i32, i32
  }
  func.func @transform_4(%arg0: i32, %arg1: i32) -> (i32, i32) {
    %c0_i32 = arith.constant 0 : i32
    %c0_i32_0 = arith.constant 0 : i32
    %c0_i32_1 = arith.constant 0 : i32
    return %c0_i32, %c0_i32_0 : i32, i32
  }
  func.func @transform_5(%arg0: i32, %arg1: i32) -> (i32, i32) {
    %c0_i32 = arith.constant 0 : i32
    %c0_i32_0 = arith.constant 0 : i32
    %c0_i32_1 = arith.constant 0 : i32
    return %c0_i32, %c0_i32_0 : i32, i32
  }
  func.func @transform_6(%arg0: i32, %arg1: i32) -> (i32, i32) {
    %c0_i32 = arith.constant 0 : i32
    %c0_i32_0 = arith.constant 0 : i32
    %c0_i32_1 = arith.constant 0 : i32
    return %c0_i32, %c0_i32_0 : i32, i32
  }
  func.func @transform_7(%arg0: i32, %arg1: i32) -> (i32, i32) {
    %c0_i32 = arith.constant 0 : i32
    %c0_i32_0 = arith.constant 0 : i32
    %c0_i32_1 = arith.constant 0 : i32
    return %c0_i32, %c0_i32_0 : i32, i32
  }
  func.func @transform_8(%arg0: i32, %arg1: i32) -> (i32, i32, i32) {
    %c0_i32 = arith.constant 0 : i32
    %c0_i32_0 = arith.constant 0 : i32
    return %arg0, %arg1, %c0_i32 : i32, i32, i32
  }
}

module attributes {stable_mosaic.version = 14 : i64} {
  func.func @_fp_body(%arg0: i32, %arg1: i32, %arg2: memref<1x128x3xf32, #tpu.memory_space<vmem>>, %arg3: memref<1x3x256xf32, #tpu.memory_space<vmem>>, %arg4: memref<1x256x256xf32, #tpu.memory_space<vmem>>, %arg5: memref<1x128x64xf32, #tpu.memory_space<vmem>>, %arg6: memref<320x256xf32, #tpu.memory_space<vmem>>, %arg7: memref<1x256xf32, #tpu.memory_space<vmem>>, %arg8: memref<256x128xf32, #tpu.memory_space<vmem>>, %arg9: memref<1x128xf32, #tpu.memory_space<vmem>>, %arg10: memref<1x128x128xf32, #tpu.memory_space<vmem>>) attributes {dimension_semantics = [#tpu.dimension_semantics<arbitrary>, #tpu.dimension_semantics<arbitrary>], iteration_bounds = array<i64: 4, 8>, scalar_prefetch = 0 : i64, scratch_operands = 0 : i64, tpu.core_type = #tpu.core_type<tc>, window_params = [{transform_indices = @transform_0, window_bounds = array<i64: 1, 128, 3>}, {transform_indices = @transform_1, window_bounds = array<i64: 1, 3, 256>}, {transform_indices = @transform_2, window_bounds = array<i64: 1, 256, 256>}, {transform_indices = @transform_3, window_bounds = array<i64: 1, 128, 64>}, {pipeline_mode = #tpu.pipeline_mode<synchronous>, transform_indices = @transform_4, window_bounds = array<i64: 320, 256>}, {pipeline_mode = #tpu.pipeline_mode<synchronous>, transform_indices = @transform_5, window_bounds = array<i64: 1, 256>}, {pipeline_mode = #tpu.pipeline_mode<synchronous>, transform_indices = @transform_6, window_bounds = array<i64: 256, 128>}, {pipeline_mode = #tpu.pipeline_mode<synchronous>, transform_indices = @transform_7, window_bounds = array<i64: 1, 128>}, {transform_indices = @transform_8, window_bounds = array<i64: 1, 128, 128>}]} {
    %get3A = arith.constant 0 : index
    %get3A_0 = arith.constant 0 : index
    %get3A_1 = arith.constant 0 : index
    %get3A_2 = vector.load %arg2[%get3A, %get3A_0, %get3A_1] : memref<1x128x3xf32, #tpu.memory_space<vmem>>, vector<1x128x3xf32>
    %get3A_3 = vector.shape_cast %get3A_2 : vector<1x128x3xf32> to vector<128x3xf32>
    %iota3A = tpu.iota {dimensions = array<i32: 0>} : vector<3x3xi32>
    %iota3A_4 = tpu.iota {dimensions = array<i32: 1>} : vector<3x3xi32>
    %eq3A = arith.cmpi eq, %iota3A, %iota3A_4 : vector<3x3xi32>
    %convert_element_type3A = arith.extui %eq3A : vector<3x3xi1> to vector<3x3xi32>
    %convert_element_type3A_5 = arith.sitofp %convert_element_type3A : vector<3x3xi32> to vector<3x3xf32>
    %slice3A = vector.extract_strided_slice %convert_element_type3A_5 {offsets = [0, 0], sizes = [3, 1], strides = [1, 1]} : vector<3x3xf32> to vector<3x1xf32>
    %dot_general3A = arith.constant dense<0.000000e+00> : vector<128x1xf32>
    %dot_general3A_6 = tpu.matmul %get3A_3, %slice3A, %dot_general3A {dimension_numbers = #tpu.dot_dimension_numbers<[1], [0], [0], [1], [0, 0, 1, 1], [], []>, transpose_lhs_hint = false} : vector<128x3xf32>, vector<3x1xf32>, vector<128x1xf32> -> vector<128x1xf32>
    %slice3A_7 = vector.extract_strided_slice %convert_element_type3A_5 {offsets = [0, 1], sizes = [3, 1], strides = [1, 1]} : vector<3x3xf32> to vector<3x1xf32>
    %dot_general3A_8 = arith.constant dense<0.000000e+00> : vector<128x1xf32>
    %dot_general3A_9 = tpu.matmul %get3A_3, %slice3A_7, %dot_general3A_8 {dimension_numbers = #tpu.dot_dimension_numbers<[1], [0], [0], [1], [0, 0, 1, 1], [], []>, transpose_lhs_hint = false} : vector<128x3xf32>, vector<3x1xf32>, vector<128x1xf32> -> vector<128x1xf32>
    %slice3A_10 = vector.extract_strided_slice %convert_element_type3A_5 {offsets = [0, 2], sizes = [3, 1], strides = [1, 1]} : vector<3x3xf32> to vector<3x1xf32>
    %dot_general3A_11 = arith.constant dense<0.000000e+00> : vector<128x1xf32>
    %dot_general3A_12 = tpu.matmul %get3A_3, %slice3A_10, %dot_general3A_11 {dimension_numbers = #tpu.dot_dimension_numbers<[1], [0], [0], [1], [0, 0, 1, 1], [], []>, transpose_lhs_hint = false} : vector<128x3xf32>, vector<3x1xf32>, vector<128x1xf32> -> vector<128x1xf32>
    %get3A_13 = arith.constant 0 : index
    %get3A_14 = arith.constant 0 : index
    %get3A_15 = arith.constant 0 : index
    %get3A_16 = vector.load %arg3[%get3A_13, %get3A_14, %get3A_15] : memref<1x3x256xf32, #tpu.memory_space<vmem>>, vector<1x1x256xf32>
    %get3A_17 = vector.shape_cast %get3A_16 : vector<1x1x256xf32> to vector<1x256xf32>
    %get3A_18 = arith.constant 0 : index
    %get3A_19 = arith.constant 1 : index
    %get3A_20 = arith.constant 0 : index
    %get3A_21 = vector.load %arg3[%get3A_18, %get3A_19, %get3A_20] : memref<1x3x256xf32, #tpu.memory_space<vmem>>, vector<1x1x256xf32>
    %get3A_22 = vector.shape_cast %get3A_21 : vector<1x1x256xf32> to vector<1x256xf32>
    %get3A_23 = arith.constant 0 : index
    %get3A_24 = arith.constant 2 : index
    %get3A_25 = arith.constant 0 : index
    %get3A_26 = vector.load %arg3[%get3A_23, %get3A_24, %get3A_25] : memref<1x3x256xf32, #tpu.memory_space<vmem>>, vector<1x1x256xf32>
    %get3A_27 = vector.shape_cast %get3A_26 : vector<1x1x256xf32> to vector<1x256xf32>
    %sub3A = vector.broadcast %dot_general3A_6 : vector<128x1xf32> to vector<128x256xf32>
    %sub3A_28 = vector.broadcast %get3A_17 : vector<1x256xf32> to vector<128x256xf32>
    %sub3A_29 = arith.subf %sub3A, %sub3A_28 : vector<128x256xf32>
    %sub3A_30 = vector.broadcast %dot_general3A_9 : vector<128x1xf32> to vector<128x256xf32>
    %sub3A_31 = vector.broadcast %get3A_22 : vector<1x256xf32> to vector<128x256xf32>
    %sub3A_32 = arith.subf %sub3A_30, %sub3A_31 : vector<128x256xf32>
    %sub3A_33 = vector.broadcast %dot_general3A_12 : vector<128x1xf32> to vector<128x256xf32>
    %sub3A_34 = vector.broadcast %get3A_27 : vector<1x256xf32> to vector<128x256xf32>
    %sub3A_35 = arith.subf %sub3A_33, %sub3A_34 : vector<128x256xf32>
    %mul3A = arith.mulf %sub3A_29, %sub3A_29 : vector<128x256xf32>
    %mul3A_36 = arith.mulf %sub3A_32, %sub3A_32 : vector<128x256xf32>
    %add3A = arith.addf %mul3A, %mul3A_36 : vector<128x256xf32>
    %mul3A_37 = arith.mulf %sub3A_35, %sub3A_35 : vector<128x256xf32>
    %add3A_38 = arith.addf %add3A, %mul3A_37 : vector<128x256xf32>
    %iota3A_39 = tpu.iota {dimensions = array<i32: 1>} : vector<128x256xi32>
    %broadcast_in_dim3A = arith.constant 0.000000e+00 : f32
    %broadcast_in_dim3A_40 = vector.broadcast %broadcast_in_dim3A : f32 to vector<128x256xf32>
    %broadcast_in_dim3A_41 = arith.constant 0.000000e+00 : f32
    %broadcast_in_dim3A_42 = vector.broadcast %broadcast_in_dim3A_41 : f32 to vector<128x1xf32>
    %reduce_min3A = arith.constant dense<0x7F800000> : vector<128xf32>
    %reduce_min3A_43 = vector.multi_reduction <minimumf>, %add3A_38, %reduce_min3A [1] : vector<128x256xf32> to vector<128xf32>
    %broadcast_in_dim3A_44 = vector.shape_cast %reduce_min3A_43 : vector<128xf32> to vector<128x1xf32>
    %eq3A_45 = vector.broadcast %broadcast_in_dim3A_44 : vector<128x1xf32> to vector<128x256xf32>
    %eq3A_46 = arith.cmpf oeq, %add3A_38, %eq3A_45 : vector<128x256xf32>
    %jit3A = arith.constant 256 : i32
    %broadcast_in_dim3A_47 = vector.broadcast %jit3A : i32 to vector<128x256xi32>
    %select_n3A = arith.select %eq3A_46, %iota3A_39, %broadcast_in_dim3A_47 : vector<128x256xi1>, vector<128x256xi32>
    %reduce_min3A_48 = arith.constant dense<2147483647> : vector<128xi32>
    %reduce_min3A_49 = vector.multi_reduction <minsi>, %select_n3A, %reduce_min3A_48 [1] : vector<128x256xi32> to vector<128xi32>
    %broadcast_in_dim3A_50 = vector.shape_cast %reduce_min3A_49 : vector<128xi32> to vector<128x1xi32>
    %max3A = arith.constant 1.000000e-10 : f32
    %max3A_51 = vector.broadcast %max3A : f32 to vector<128x1xf32>
    %max3A_52 = arith.maximumf %broadcast_in_dim3A_44, %max3A_51 : vector<128x1xf32>
    %div3A = arith.constant 1.000000e+00 : f32
    %div3A_53 = vector.broadcast %div3A : f32 to vector<128x1xf32>
    %div3A_54 = arith.divf %div3A_53, %max3A_52 : vector<128x1xf32>
    %eq3A_55 = vector.broadcast %broadcast_in_dim3A_50 : vector<128x1xi32> to vector<128x256xi32>
    %eq3A_56 = arith.cmpi eq, %iota3A_39, %eq3A_55 : vector<128x256xi32>
    %jit3A_57 = arith.constant 0.000000e+00 : f32
    %broadcast_in_dim3A_58 = vector.shape_cast %div3A_54 : vector<128x1xf32> to vector<128x1xf32>
    %broadcast_in_dim3A_59 = vector.broadcast %broadcast_in_dim3A_58 : vector<128x1xf32> to vector<128x256xf32>
    %broadcast_in_dim3A_60 = vector.broadcast %jit3A_57 : f32 to vector<128x256xf32>
    %select_n3A_61 = arith.select %eq3A_56, %broadcast_in_dim3A_59, %broadcast_in_dim3A_60 : vector<128x256xi1>, vector<128x256xf32>
    %add3A_62 = arith.addf %broadcast_in_dim3A_40, %select_n3A_61 : vector<128x256xf32>
    %add3A_63 = arith.addf %broadcast_in_dim3A_42, %div3A_54 : vector<128x1xf32>
    %eq3A_64 = vector.broadcast %broadcast_in_dim3A_50 : vector<128x1xi32> to vector<128x256xi32>
    %eq3A_65 = arith.cmpi eq, %iota3A_39, %eq3A_64 : vector<128x256xi32>
    %jit3A_66 = arith.constant 0x7F800000 : f32
    %broadcast_in_dim3A_67 = vector.broadcast %jit3A_66 : f32 to vector<128x256xf32>
    %select_n3A_68 = arith.select %eq3A_65, %broadcast_in_dim3A_67, %add3A_38 : vector<128x256xi1>, vector<128x256xf32>
    %reduce_min3A_69 = arith.constant dense<0x7F800000> : vector<128xf32>
    %reduce_min3A_70 = vector.multi_reduction <minimumf>, %select_n3A_68, %reduce_min3A_69 [1] : vector<128x256xf32> to vector<128xf32>
    %broadcast_in_dim3A_71 = vector.shape_cast %reduce_min3A_70 : vector<128xf32> to vector<128x1xf32>
    %eq3A_72 = vector.broadcast %broadcast_in_dim3A_71 : vector<128x1xf32> to vector<128x256xf32>
    %eq3A_73 = arith.cmpf oeq, %select_n3A_68, %eq3A_72 : vector<128x256xf32>
    %jit3A_74 = arith.constant 256 : i32
    %broadcast_in_dim3A_75 = vector.broadcast %jit3A_74 : i32 to vector<128x256xi32>
    %select_n3A_76 = arith.select %eq3A_73, %iota3A_39, %broadcast_in_dim3A_75 : vector<128x256xi1>, vector<128x256xi32>
    %reduce_min3A_77 = arith.constant dense<2147483647> : vector<128xi32>
    %reduce_min3A_78 = vector.multi_reduction <minsi>, %select_n3A_76, %reduce_min3A_77 [1] : vector<128x256xi32> to vector<128xi32>
    %broadcast_in_dim3A_79 = vector.shape_cast %reduce_min3A_78 : vector<128xi32> to vector<128x1xi32>
    %max3A_80 = arith.constant 1.000000e-10 : f32
    %max3A_81 = vector.broadcast %max3A_80 : f32 to vector<128x1xf32>
    %max3A_82 = arith.maximumf %broadcast_in_dim3A_71, %max3A_81 : vector<128x1xf32>
    %div3A_83 = arith.constant 1.000000e+00 : f32
    %div3A_84 = vector.broadcast %div3A_83 : f32 to vector<128x1xf32>
    %div3A_85 = arith.divf %div3A_84, %max3A_82 : vector<128x1xf32>
    %eq3A_86 = vector.broadcast %broadcast_in_dim3A_79 : vector<128x1xi32> to vector<128x256xi32>
    %eq3A_87 = arith.cmpi eq, %iota3A_39, %eq3A_86 : vector<128x256xi32>
    %jit3A_88 = arith.constant 0.000000e+00 : f32
    %broadcast_in_dim3A_89 = vector.shape_cast %div3A_85 : vector<128x1xf32> to vector<128x1xf32>
    %broadcast_in_dim3A_90 = vector.broadcast %broadcast_in_dim3A_89 : vector<128x1xf32> to vector<128x256xf32>
    %broadcast_in_dim3A_91 = vector.broadcast %jit3A_88 : f32 to vector<128x256xf32>
    %select_n3A_92 = arith.select %eq3A_87, %broadcast_in_dim3A_90, %broadcast_in_dim3A_91 : vector<128x256xi1>, vector<128x256xf32>
    %add3A_93 = arith.addf %add3A_62, %select_n3A_92 : vector<128x256xf32>
    %add3A_94 = arith.addf %add3A_63, %div3A_85 : vector<128x1xf32>
    %eq3A_95 = vector.broadcast %broadcast_in_dim3A_79 : vector<128x1xi32> to vector<128x256xi32>
    %eq3A_96 = arith.cmpi eq, %iota3A_39, %eq3A_95 : vector<128x256xi32>
    %jit3A_97 = arith.constant 0x7F800000 : f32
    %broadcast_in_dim3A_98 = vector.broadcast %jit3A_97 : f32 to vector<128x256xf32>
    %select_n3A_99 = arith.select %eq3A_96, %broadcast_in_dim3A_98, %select_n3A_68 : vector<128x256xi1>, vector<128x256xf32>
    %reduce_min3A_100 = arith.constant dense<0x7F800000> : vector<128xf32>
    %reduce_min3A_101 = vector.multi_reduction <minimumf>, %select_n3A_99, %reduce_min3A_100 [1] : vector<128x256xf32> to vector<128xf32>
    %broadcast_in_dim3A_102 = vector.shape_cast %reduce_min3A_101 : vector<128xf32> to vector<128x1xf32>
    %eq3A_103 = vector.broadcast %broadcast_in_dim3A_102 : vector<128x1xf32> to vector<128x256xf32>
    %eq3A_104 = arith.cmpf oeq, %select_n3A_99, %eq3A_103 : vector<128x256xf32>
    %jit3A_105 = arith.constant 256 : i32
    %broadcast_in_dim3A_106 = vector.broadcast %jit3A_105 : i32 to vector<128x256xi32>
    %select_n3A_107 = arith.select %eq3A_104, %iota3A_39, %broadcast_in_dim3A_106 : vector<128x256xi1>, vector<128x256xi32>
    %reduce_min3A_108 = arith.constant dense<2147483647> : vector<128xi32>
    %reduce_min3A_109 = vector.multi_reduction <minsi>, %select_n3A_107, %reduce_min3A_108 [1] : vector<128x256xi32> to vector<128xi32>
    %broadcast_in_dim3A_110 = vector.shape_cast %reduce_min3A_109 : vector<128xi32> to vector<128x1xi32>
    %max3A_111 = arith.constant 1.000000e-10 : f32
    %max3A_112 = vector.broadcast %max3A_111 : f32 to vector<128x1xf32>
    %max3A_113 = arith.maximumf %broadcast_in_dim3A_102, %max3A_112 : vector<128x1xf32>
    %div3A_114 = arith.constant 1.000000e+00 : f32
    %div3A_115 = vector.broadcast %div3A_114 : f32 to vector<128x1xf32>
    %div3A_116 = arith.divf %div3A_115, %max3A_113 : vector<128x1xf32>
    %eq3A_117 = vector.broadcast %broadcast_in_dim3A_110 : vector<128x1xi32> to vector<128x256xi32>
    %eq3A_118 = arith.cmpi eq, %iota3A_39, %eq3A_117 : vector<128x256xi32>
    %jit3A_119 = arith.constant 0.000000e+00 : f32
    %broadcast_in_dim3A_120 = vector.shape_cast %div3A_116 : vector<128x1xf32> to vector<128x1xf32>
    %broadcast_in_dim3A_121 = vector.broadcast %broadcast_in_dim3A_120 : vector<128x1xf32> to vector<128x256xf32>
    %broadcast_in_dim3A_122 = vector.broadcast %jit3A_119 : f32 to vector<128x256xf32>
    %select_n3A_123 = arith.select %eq3A_118, %broadcast_in_dim3A_121, %broadcast_in_dim3A_122 : vector<128x256xi1>, vector<128x256xf32>
    %add3A_124 = arith.addf %add3A_93, %select_n3A_123 : vector<128x256xf32>
    %add3A_125 = arith.addf %add3A_94, %div3A_116 : vector<128x1xf32>
    %div3A_126 = vector.broadcast %add3A_125 : vector<128x1xf32> to vector<128x256xf32>
    %div3A_127 = arith.divf %add3A_124, %div3A_126 : vector<128x256xf32>
    %get3A_128 = arith.constant 0 : index
    %get3A_129 = arith.constant 0 : index
    %get3A_130 = arith.constant 0 : index
    %get3A_131 = vector.load %arg4[%get3A_128, %get3A_129, %get3A_130] : memref<1x256x256xf32, #tpu.memory_space<vmem>>, vector<1x256x256xf32>
    %get3A_132 = vector.shape_cast %get3A_131 : vector<1x256x256xf32> to vector<256x256xf32>
    %dot_general3A_133 = arith.constant dense<0.000000e+00> : vector<128x256xf32>
    %dot_general3A_134 = tpu.matmul %div3A_127, %get3A_132, %dot_general3A_133 {dimension_numbers = #tpu.dot_dimension_numbers<[1], [0], [0], [1], [0, 0, 1, 1], [], []>, transpose_lhs_hint = false} : vector<128x256xf32>, vector<256x256xf32>, vector<128x256xf32> -> vector<128x256xf32>
    %get3A_135 = arith.constant 0 : index
    %get3A_136 = arith.constant 0 : index
    %get3A_137 = vector.load %arg6[%get3A_135, %get3A_136] : memref<320x256xf32, #tpu.memory_space<vmem>>, vector<320x256xf32>
    %get3A_138 = arith.constant 0 : index
    %get3A_139 = arith.constant 0 : index
    %get3A_140 = vector.load %arg7[%get3A_138, %get3A_139] : memref<1x256xf32, #tpu.memory_space<vmem>>, vector<1x256xf32>
    %slice3A_141 = vector.extract_strided_slice %get3A_137 {offsets = [0, 0], sizes = [256, 256], strides = [1, 1]} : vector<320x256xf32> to vector<256x256xf32>
    %dot_general3A_142 = arith.constant dense<0.000000e+00> : vector<128x256xf32>
    %dot_general3A_143 = tpu.matmul %dot_general3A_134, %slice3A_141, %dot_general3A_142 {dimension_numbers = #tpu.dot_dimension_numbers<[1], [0], [0], [1], [0, 0, 1, 1], [], []>, transpose_lhs_hint = false} : vector<128x256xf32>, vector<256x256xf32>, vector<128x256xf32> -> vector<128x256xf32>
    %get3A_144 = arith.constant 0 : index
    %get3A_145 = arith.constant 0 : index
    %get3A_146 = arith.constant 0 : index
    %get3A_147 = vector.load %arg5[%get3A_144, %get3A_145, %get3A_146] : memref<1x128x64xf32, #tpu.memory_space<vmem>>, vector<1x128x64xf32>
    %get3A_148 = vector.shape_cast %get3A_147 : vector<1x128x64xf32> to vector<128x64xf32>
    %slice3A_149 = vector.extract_strided_slice %get3A_137 {offsets = [256, 0], sizes = [64, 256], strides = [1, 1]} : vector<320x256xf32> to vector<64x256xf32>
    %dot_general3A_150 = arith.constant dense<0.000000e+00> : vector<128x256xf32>
    %dot_general3A_151 = tpu.matmul %get3A_148, %slice3A_149, %dot_general3A_150 {dimension_numbers = #tpu.dot_dimension_numbers<[1], [0], [0], [1], [0, 0, 1, 1], [], []>, transpose_lhs_hint = false} : vector<128x64xf32>, vector<64x256xf32>, vector<128x256xf32> -> vector<128x256xf32>
    %add3A_152 = arith.addf %dot_general3A_143, %dot_general3A_151 : vector<128x256xf32>
    %add3A_153 = vector.broadcast %get3A_140 : vector<1x256xf32> to vector<128x256xf32>
    %add3A_154 = arith.addf %add3A_152, %add3A_153 : vector<128x256xf32>
    %max3A_155 = arith.constant 0.000000e+00 : f32
    %max3A_156 = vector.broadcast %max3A_155 : f32 to vector<128x256xf32>
    %max3A_157 = arith.maximumf %add3A_154, %max3A_156 : vector<128x256xf32>
    %get3A_158 = arith.constant 0 : index
    %get3A_159 = arith.constant 0 : index
    %get3A_160 = vector.load %arg8[%get3A_158, %get3A_159] : memref<256x128xf32, #tpu.memory_space<vmem>>, vector<256x128xf32>
    %get3A_161 = arith.constant 0 : index
    %get3A_162 = arith.constant 0 : index
    %get3A_163 = vector.load %arg9[%get3A_161, %get3A_162] : memref<1x128xf32, #tpu.memory_space<vmem>>, vector<1x128xf32>
    %dot_general3A_164 = arith.constant dense<0.000000e+00> : vector<128x128xf32>
    %dot_general3A_165 = tpu.matmul %max3A_157, %get3A_160, %dot_general3A_164 {dimension_numbers = #tpu.dot_dimension_numbers<[1], [0], [0], [1], [0, 0, 1, 1], [], []>, transpose_lhs_hint = false} : vector<128x256xf32>, vector<256x128xf32>, vector<128x128xf32> -> vector<128x128xf32>
    %add3A_166 = vector.broadcast %get3A_163 : vector<1x128xf32> to vector<128x128xf32>
    %add3A_167 = arith.addf %dot_general3A_165, %add3A_166 : vector<128x128xf32>
    %max3A_168 = arith.constant 0.000000e+00 : f32
    %max3A_169 = vector.broadcast %max3A_168 : f32 to vector<128x128xf32>
    %max3A_170 = arith.maximumf %add3A_167, %max3A_169 : vector<128x128xf32>
    %swap3A = arith.constant 0 : index
    %swap3A_171 = arith.constant 0 : index
    %swap3A_172 = arith.constant 0 : index
    %swap3A_173 = vector.load %arg10[%swap3A, %swap3A_171, %swap3A_172] : memref<1x128x128xf32, #tpu.memory_space<vmem>>, vector<1x128x128xf32>
    %swap3A_174 = vector.shape_cast %swap3A_173 : vector<1x128x128xf32> to vector<128x128xf32>
    %swap3A_175 = vector.shape_cast %max3A_170 : vector<128x128xf32> to vector<1x128x128xf32>
    tpu.vector_store %arg10[%swap3A, %swap3A_171, %swap3A_172], %swap3A_175 {strides = array<i32>} : memref<1x128x128xf32, #tpu.memory_space<vmem>>, vector<1x128x128xf32>,
    return
  }
  func.func @transform_0(%arg0: i32, %arg1: i32) -> (i32, i32, i32) {
    %c0_i32 = arith.constant 0 : i32
    %c0_i32_0 = arith.constant 0 : i32
    return %arg0, %arg1, %c0_i32 : i32, i32, i32
  }
  func.func @transform_1(%arg0: i32, %arg1: i32) -> (i32, i32, i32) {
    %c0_i32 = arith.constant 0 : i32
    %c0_i32_0 = arith.constant 0 : i32
    %c0_i32_1 = arith.constant 0 : i32
    return %arg0, %c0_i32, %c0_i32_0 : i32, i32, i32
  }
  func.func @transform_2(%arg0: i32, %arg1: i32) -> (i32, i32, i32) {
    %c0_i32 = arith.constant 0 : i32
    %c0_i32_0 = arith.constant 0 : i32
    %c0_i32_1 = arith.constant 0 : i32
    return %arg0, %c0_i32, %c0_i32_0 : i32, i32, i32
  }
  func.func @transform_3(%arg0: i32, %arg1: i32) -> (i32, i32, i32) {
    %c0_i32 = arith.constant 0 : i32
    %c0_i32_0 = arith.constant 0 : i32
    return %arg0, %arg1, %c0_i32 : i32, i32, i32
  }
  func.func @transform_4(%arg0: i32, %arg1: i32) -> (i32, i32) {
    %c0_i32 = arith.constant 0 : i32
    %c0_i32_0 = arith.constant 0 : i32
    %c0_i32_1 = arith.constant 0 : i32
    return %c0_i32, %c0_i32_0 : i32, i32
  }
  func.func @transform_5(%arg0: i32, %arg1: i32) -> (i32, i32) {
    %c0_i32 = arith.constant 0 : i32
    %c0_i32_0 = arith.constant 0 : i32
    %c0_i32_1 = arith.constant 0 : i32
    return %c0_i32, %c0_i32_0 : i32, i32
  }
  func.func @transform_6(%arg0: i32, %arg1: i32) -> (i32, i32) {
    %c0_i32 = arith.constant 0 : i32
    %c0_i32_0 = arith.constant 0 : i32
    %c0_i32_1 = arith.constant 0 : i32
    return %c0_i32, %c0_i32_0 : i32, i32
  }
  func.func @transform_7(%arg0: i32, %arg1: i32) -> (i32, i32) {
    %c0_i32 = arith.constant 0 : i32
    %c0_i32_0 = arith.constant 0 : i32
    %c0_i32_1 = arith.constant 0 : i32
    return %c0_i32, %c0_i32_0 : i32, i32
  }
  func.func @transform_8(%arg0: i32, %arg1: i32) -> (i32, i32, i32) {
    %c0_i32 = arith.constant 0 : i32
    %c0_i32_0 = arith.constant 0 : i32
    return %arg0, %arg1, %c0_i32 : i32, i32, i32
  }
}

module attributes {stable_mosaic.version = 14 : i64} {
  func.func @_fp_body(%arg0: i32, %arg1: i32, %arg2: memref<1x256x3xf32, #tpu.memory_space<vmem>>, %arg3: memref<1x3x1024xf32, #tpu.memory_space<vmem>>, %arg4: memref<1x1024x128xf32, #tpu.memory_space<vmem>>, %arg5: memref<1x256x3xf32, #tpu.memory_space<vmem>>, %arg6: memref<131x128xf32, #tpu.memory_space<vmem>>, %arg7: memref<1x128xf32, #tpu.memory_space<vmem>>, %arg8: memref<128x128xf32, #tpu.memory_space<vmem>>, %arg9: memref<1x128xf32, #tpu.memory_space<vmem>>, %arg10: memref<128x128xf32, #tpu.memory_space<vmem>>, %arg11: memref<1x128xf32, #tpu.memory_space<vmem>>, %arg12: memref<1x256x128xf32, #tpu.memory_space<vmem>>) attributes {dimension_semantics = [#tpu.dimension_semantics<arbitrary>, #tpu.dimension_semantics<arbitrary>], iteration_bounds = array<i64: 4, 32>, scalar_prefetch = 0 : i64, scratch_operands = 0 : i64, tpu.core_type = #tpu.core_type<tc>, window_params = [{transform_indices = @transform_0, window_bounds = array<i64: 1, 256, 3>}, {transform_indices = @transform_1, window_bounds = array<i64: 1, 3, 1024>}, {transform_indices = @transform_2, window_bounds = array<i64: 1, 1024, 128>}, {transform_indices = @transform_3, window_bounds = array<i64: 1, 256, 3>}, {pipeline_mode = #tpu.pipeline_mode<synchronous>, transform_indices = @transform_4, window_bounds = array<i64: 131, 128>}, {pipeline_mode = #tpu.pipeline_mode<synchronous>, transform_indices = @transform_5, window_bounds = array<i64: 1, 128>}, {pipeline_mode = #tpu.pipeline_mode<synchronous>, transform_indices = @transform_6, window_bounds = array<i64: 128, 128>}, {pipeline_mode = #tpu.pipeline_mode<synchronous>, transform_indices = @transform_7, window_bounds = array<i64: 1, 128>}, {pipeline_mode = #tpu.pipeline_mode<synchronous>, transform_indices = @transform_8, window_bounds = array<i64: 128, 128>}, {pipeline_mode = #tpu.pipeline_mode<synchronous>, transform_indices = @transform_9, window_bounds = array<i64: 1, 128>}, {transform_indices = @transform_10, window_bounds = array<i64: 1, 256, 128>}]} {
    %get3A = arith.constant 0 : index
    %get3A_0 = arith.constant 0 : index
    %get3A_1 = arith.constant 0 : index
    %get3A_2 = vector.load %arg2[%get3A, %get3A_0, %get3A_1] : memref<1x256x3xf32, #tpu.memory_space<vmem>>, vector<1x256x3xf32>
    %get3A_3 = vector.shape_cast %get3A_2 : vector<1x256x3xf32> to vector<256x3xf32>
    %iota3A = tpu.iota {dimensions = array<i32: 0>} : vector<3x3xi32>
    %iota3A_4 = tpu.iota {dimensions = array<i32: 1>} : vector<3x3xi32>
    %eq3A = arith.cmpi eq, %iota3A, %iota3A_4 : vector<3x3xi32>
    %convert_element_type3A = arith.extui %eq3A : vector<3x3xi1> to vector<3x3xi32>
    %convert_element_type3A_5 = arith.sitofp %convert_element_type3A : vector<3x3xi32> to vector<3x3xf32>
    %slice3A = vector.extract_strided_slice %convert_element_type3A_5 {offsets = [0, 0], sizes = [3, 1], strides = [1, 1]} : vector<3x3xf32> to vector<3x1xf32>
    %dot_general3A = arith.constant dense<0.000000e+00> : vector<256x1xf32>
    %dot_general3A_6 = tpu.matmul %get3A_3, %slice3A, %dot_general3A {dimension_numbers = #tpu.dot_dimension_numbers<[1], [0], [0], [1], [0, 0, 1, 1], [], []>, transpose_lhs_hint = false} : vector<256x3xf32>, vector<3x1xf32>, vector<256x1xf32> -> vector<256x1xf32>
    %slice3A_7 = vector.extract_strided_slice %convert_element_type3A_5 {offsets = [0, 1], sizes = [3, 1], strides = [1, 1]} : vector<3x3xf32> to vector<3x1xf32>
    %dot_general3A_8 = arith.constant dense<0.000000e+00> : vector<256x1xf32>
    %dot_general3A_9 = tpu.matmul %get3A_3, %slice3A_7, %dot_general3A_8 {dimension_numbers = #tpu.dot_dimension_numbers<[1], [0], [0], [1], [0, 0, 1, 1], [], []>, transpose_lhs_hint = false} : vector<256x3xf32>, vector<3x1xf32>, vector<256x1xf32> -> vector<256x1xf32>
    %slice3A_10 = vector.extract_strided_slice %convert_element_type3A_5 {offsets = [0, 2], sizes = [3, 1], strides = [1, 1]} : vector<3x3xf32> to vector<3x1xf32>
    %dot_general3A_11 = arith.constant dense<0.000000e+00> : vector<256x1xf32>
    %dot_general3A_12 = tpu.matmul %get3A_3, %slice3A_10, %dot_general3A_11 {dimension_numbers = #tpu.dot_dimension_numbers<[1], [0], [0], [1], [0, 0, 1, 1], [], []>, transpose_lhs_hint = false} : vector<256x3xf32>, vector<3x1xf32>, vector<256x1xf32> -> vector<256x1xf32>
    %get3A_13 = arith.constant 0 : index
    %get3A_14 = arith.constant 0 : index
    %get3A_15 = arith.constant 0 : index
    %get3A_16 = vector.load %arg3[%get3A_13, %get3A_14, %get3A_15] : memref<1x3x1024xf32, #tpu.memory_space<vmem>>, vector<1x1x1024xf32>
    %get3A_17 = vector.shape_cast %get3A_16 : vector<1x1x1024xf32> to vector<1x1024xf32>
    %get3A_18 = arith.constant 0 : index
    %get3A_19 = arith.constant 1 : index
    %get3A_20 = arith.constant 0 : index
    %get3A_21 = vector.load %arg3[%get3A_18, %get3A_19, %get3A_20] : memref<1x3x1024xf32, #tpu.memory_space<vmem>>, vector<1x1x1024xf32>
    %get3A_22 = vector.shape_cast %get3A_21 : vector<1x1x1024xf32> to vector<1x1024xf32>
    %get3A_23 = arith.constant 0 : index
    %get3A_24 = arith.constant 2 : index
    %get3A_25 = arith.constant 0 : index
    %get3A_26 = vector.load %arg3[%get3A_23, %get3A_24, %get3A_25] : memref<1x3x1024xf32, #tpu.memory_space<vmem>>, vector<1x1x1024xf32>
    %get3A_27 = vector.shape_cast %get3A_26 : vector<1x1x1024xf32> to vector<1x1024xf32>
    %sub3A = vector.broadcast %dot_general3A_6 : vector<256x1xf32> to vector<256x1024xf32>
    %sub3A_28 = vector.broadcast %get3A_17 : vector<1x1024xf32> to vector<256x1024xf32>
    %sub3A_29 = arith.subf %sub3A, %sub3A_28 : vector<256x1024xf32>
    %sub3A_30 = vector.broadcast %dot_general3A_9 : vector<256x1xf32> to vector<256x1024xf32>
    %sub3A_31 = vector.broadcast %get3A_22 : vector<1x1024xf32> to vector<256x1024xf32>
    %sub3A_32 = arith.subf %sub3A_30, %sub3A_31 : vector<256x1024xf32>
    %sub3A_33 = vector.broadcast %dot_general3A_12 : vector<256x1xf32> to vector<256x1024xf32>
    %sub3A_34 = vector.broadcast %get3A_27 : vector<1x1024xf32> to vector<256x1024xf32>
    %sub3A_35 = arith.subf %sub3A_33, %sub3A_34 : vector<256x1024xf32>
    %mul3A = arith.mulf %sub3A_29, %sub3A_29 : vector<256x1024xf32>
    %mul3A_36 = arith.mulf %sub3A_32, %sub3A_32 : vector<256x1024xf32>
    %add3A = arith.addf %mul3A, %mul3A_36 : vector<256x1024xf32>
    %mul3A_37 = arith.mulf %sub3A_35, %sub3A_35 : vector<256x1024xf32>
    %add3A_38 = arith.addf %add3A, %mul3A_37 : vector<256x1024xf32>
    %iota3A_39 = tpu.iota {dimensions = array<i32: 1>} : vector<256x1024xi32>
    %broadcast_in_dim3A = arith.constant 0.000000e+00 : f32
    %broadcast_in_dim3A_40 = vector.broadcast %broadcast_in_dim3A : f32 to vector<256x1024xf32>
    %broadcast_in_dim3A_41 = arith.constant 0.000000e+00 : f32
    %broadcast_in_dim3A_42 = vector.broadcast %broadcast_in_dim3A_41 : f32 to vector<256x1xf32>
    %reduce_min3A = arith.constant dense<0x7F800000> : vector<256xf32>
    %reduce_min3A_43 = vector.multi_reduction <minimumf>, %add3A_38, %reduce_min3A [1] : vector<256x1024xf32> to vector<256xf32>
    %broadcast_in_dim3A_44 = vector.shape_cast %reduce_min3A_43 : vector<256xf32> to vector<256x1xf32>
    %eq3A_45 = vector.broadcast %broadcast_in_dim3A_44 : vector<256x1xf32> to vector<256x1024xf32>
    %eq3A_46 = arith.cmpf oeq, %add3A_38, %eq3A_45 : vector<256x1024xf32>
    %jit3A = arith.constant 1024 : i32
    %broadcast_in_dim3A_47 = vector.broadcast %jit3A : i32 to vector<256x1024xi32>
    %select_n3A = arith.select %eq3A_46, %iota3A_39, %broadcast_in_dim3A_47 : vector<256x1024xi1>, vector<256x1024xi32>
    %reduce_min3A_48 = arith.constant dense<2147483647> : vector<256xi32>
    %reduce_min3A_49 = vector.multi_reduction <minsi>, %select_n3A, %reduce_min3A_48 [1] : vector<256x1024xi32> to vector<256xi32>
    %broadcast_in_dim3A_50 = vector.shape_cast %reduce_min3A_49 : vector<256xi32> to vector<256x1xi32>
    %max3A = arith.constant 1.000000e-10 : f32
    %max3A_51 = vector.broadcast %max3A : f32 to vector<256x1xf32>
    %max3A_52 = arith.maximumf %broadcast_in_dim3A_44, %max3A_51 : vector<256x1xf32>
    %div3A = arith.constant 1.000000e+00 : f32
    %div3A_53 = vector.broadcast %div3A : f32 to vector<256x1xf32>
    %div3A_54 = arith.divf %div3A_53, %max3A_52 : vector<256x1xf32>
    %eq3A_55 = vector.broadcast %broadcast_in_dim3A_50 : vector<256x1xi32> to vector<256x1024xi32>
    %eq3A_56 = arith.cmpi eq, %iota3A_39, %eq3A_55 : vector<256x1024xi32>
    %jit3A_57 = arith.constant 0.000000e+00 : f32
    %broadcast_in_dim3A_58 = vector.shape_cast %div3A_54 : vector<256x1xf32> to vector<256x1xf32>
    %broadcast_in_dim3A_59 = vector.broadcast %broadcast_in_dim3A_58 : vector<256x1xf32> to vector<256x1024xf32>
    %broadcast_in_dim3A_60 = vector.broadcast %jit3A_57 : f32 to vector<256x1024xf32>
    %select_n3A_61 = arith.select %eq3A_56, %broadcast_in_dim3A_59, %broadcast_in_dim3A_60 : vector<256x1024xi1>, vector<256x1024xf32>
    %add3A_62 = arith.addf %broadcast_in_dim3A_40, %select_n3A_61 : vector<256x1024xf32>
    %add3A_63 = arith.addf %broadcast_in_dim3A_42, %div3A_54 : vector<256x1xf32>
    %eq3A_64 = vector.broadcast %broadcast_in_dim3A_50 : vector<256x1xi32> to vector<256x1024xi32>
    %eq3A_65 = arith.cmpi eq, %iota3A_39, %eq3A_64 : vector<256x1024xi32>
    %jit3A_66 = arith.constant 0x7F800000 : f32
    %broadcast_in_dim3A_67 = vector.broadcast %jit3A_66 : f32 to vector<256x1024xf32>
    %select_n3A_68 = arith.select %eq3A_65, %broadcast_in_dim3A_67, %add3A_38 : vector<256x1024xi1>, vector<256x1024xf32>
    %reduce_min3A_69 = arith.constant dense<0x7F800000> : vector<256xf32>
    %reduce_min3A_70 = vector.multi_reduction <minimumf>, %select_n3A_68, %reduce_min3A_69 [1] : vector<256x1024xf32> to vector<256xf32>
    %broadcast_in_dim3A_71 = vector.shape_cast %reduce_min3A_70 : vector<256xf32> to vector<256x1xf32>
    %eq3A_72 = vector.broadcast %broadcast_in_dim3A_71 : vector<256x1xf32> to vector<256x1024xf32>
    %eq3A_73 = arith.cmpf oeq, %select_n3A_68, %eq3A_72 : vector<256x1024xf32>
    %jit3A_74 = arith.constant 1024 : i32
    %broadcast_in_dim3A_75 = vector.broadcast %jit3A_74 : i32 to vector<256x1024xi32>
    %select_n3A_76 = arith.select %eq3A_73, %iota3A_39, %broadcast_in_dim3A_75 : vector<256x1024xi1>, vector<256x1024xi32>
    %reduce_min3A_77 = arith.constant dense<2147483647> : vector<256xi32>
    %reduce_min3A_78 = vector.multi_reduction <minsi>, %select_n3A_76, %reduce_min3A_77 [1] : vector<256x1024xi32> to vector<256xi32>
    %broadcast_in_dim3A_79 = vector.shape_cast %reduce_min3A_78 : vector<256xi32> to vector<256x1xi32>
    %max3A_80 = arith.constant 1.000000e-10 : f32
    %max3A_81 = vector.broadcast %max3A_80 : f32 to vector<256x1xf32>
    %max3A_82 = arith.maximumf %broadcast_in_dim3A_71, %max3A_81 : vector<256x1xf32>
    %div3A_83 = arith.constant 1.000000e+00 : f32
    %div3A_84 = vector.broadcast %div3A_83 : f32 to vector<256x1xf32>
    %div3A_85 = arith.divf %div3A_84, %max3A_82 : vector<256x1xf32>
    %eq3A_86 = vector.broadcast %broadcast_in_dim3A_79 : vector<256x1xi32> to vector<256x1024xi32>
    %eq3A_87 = arith.cmpi eq, %iota3A_39, %eq3A_86 : vector<256x1024xi32>
    %jit3A_88 = arith.constant 0.000000e+00 : f32
    %broadcast_in_dim3A_89 = vector.shape_cast %div3A_85 : vector<256x1xf32> to vector<256x1xf32>
    %broadcast_in_dim3A_90 = vector.broadcast %broadcast_in_dim3A_89 : vector<256x1xf32> to vector<256x1024xf32>
    %broadcast_in_dim3A_91 = vector.broadcast %jit3A_88 : f32 to vector<256x1024xf32>
    %select_n3A_92 = arith.select %eq3A_87, %broadcast_in_dim3A_90, %broadcast_in_dim3A_91 : vector<256x1024xi1>, vector<256x1024xf32>
    %add3A_93 = arith.addf %add3A_62, %select_n3A_92 : vector<256x1024xf32>
    %add3A_94 = arith.addf %add3A_63, %div3A_85 : vector<256x1xf32>
    %eq3A_95 = vector.broadcast %broadcast_in_dim3A_79 : vector<256x1xi32> to vector<256x1024xi32>
    %eq3A_96 = arith.cmpi eq, %iota3A_39, %eq3A_95 : vector<256x1024xi32>
    %jit3A_97 = arith.constant 0x7F800000 : f32
    %broadcast_in_dim3A_98 = vector.broadcast %jit3A_97 : f32 to vector<256x1024xf32>
    %select_n3A_99 = arith.select %eq3A_96, %broadcast_in_dim3A_98, %select_n3A_68 : vector<256x1024xi1>, vector<256x1024xf32>
    %reduce_min3A_100 = arith.constant dense<0x7F800000> : vector<256xf32>
    %reduce_min3A_101 = vector.multi_reduction <minimumf>, %select_n3A_99, %reduce_min3A_100 [1] : vector<256x1024xf32> to vector<256xf32>
    %broadcast_in_dim3A_102 = vector.shape_cast %reduce_min3A_101 : vector<256xf32> to vector<256x1xf32>
    %eq3A_103 = vector.broadcast %broadcast_in_dim3A_102 : vector<256x1xf32> to vector<256x1024xf32>
    %eq3A_104 = arith.cmpf oeq, %select_n3A_99, %eq3A_103 : vector<256x1024xf32>
    %jit3A_105 = arith.constant 1024 : i32
    %broadcast_in_dim3A_106 = vector.broadcast %jit3A_105 : i32 to vector<256x1024xi32>
    %select_n3A_107 = arith.select %eq3A_104, %iota3A_39, %broadcast_in_dim3A_106 : vector<256x1024xi1>, vector<256x1024xi32>
    %reduce_min3A_108 = arith.constant dense<2147483647> : vector<256xi32>
    %reduce_min3A_109 = vector.multi_reduction <minsi>, %select_n3A_107, %reduce_min3A_108 [1] : vector<256x1024xi32> to vector<256xi32>
    %broadcast_in_dim3A_110 = vector.shape_cast %reduce_min3A_109 : vector<256xi32> to vector<256x1xi32>
    %max3A_111 = arith.constant 1.000000e-10 : f32
    %max3A_112 = vector.broadcast %max3A_111 : f32 to vector<256x1xf32>
    %max3A_113 = arith.maximumf %broadcast_in_dim3A_102, %max3A_112 : vector<256x1xf32>
    %div3A_114 = arith.constant 1.000000e+00 : f32
    %div3A_115 = vector.broadcast %div3A_114 : f32 to vector<256x1xf32>
    %div3A_116 = arith.divf %div3A_115, %max3A_113 : vector<256x1xf32>
    %eq3A_117 = vector.broadcast %broadcast_in_dim3A_110 : vector<256x1xi32> to vector<256x1024xi32>
    %eq3A_118 = arith.cmpi eq, %iota3A_39, %eq3A_117 : vector<256x1024xi32>
    %jit3A_119 = arith.constant 0.000000e+00 : f32
    %broadcast_in_dim3A_120 = vector.shape_cast %div3A_116 : vector<256x1xf32> to vector<256x1xf32>
    %broadcast_in_dim3A_121 = vector.broadcast %broadcast_in_dim3A_120 : vector<256x1xf32> to vector<256x1024xf32>
    %broadcast_in_dim3A_122 = vector.broadcast %jit3A_119 : f32 to vector<256x1024xf32>
    %select_n3A_123 = arith.select %eq3A_118, %broadcast_in_dim3A_121, %broadcast_in_dim3A_122 : vector<256x1024xi1>, vector<256x1024xf32>
    %add3A_124 = arith.addf %add3A_93, %select_n3A_123 : vector<256x1024xf32>
    %add3A_125 = arith.addf %add3A_94, %div3A_116 : vector<256x1xf32>
    %div3A_126 = vector.broadcast %add3A_125 : vector<256x1xf32> to vector<256x1024xf32>
    %div3A_127 = arith.divf %add3A_124, %div3A_126 : vector<256x1024xf32>
    %get3A_128 = arith.constant 0 : index
    %get3A_129 = arith.constant 0 : index
    %get3A_130 = arith.constant 0 : index
    %get3A_131 = vector.load %arg4[%get3A_128, %get3A_129, %get3A_130] : memref<1x1024x128xf32, #tpu.memory_space<vmem>>, vector<1x1024x128xf32>
    %get3A_132 = vector.shape_cast %get3A_131 : vector<1x1024x128xf32> to vector<1024x128xf32>
    %dot_general3A_133 = arith.constant dense<0.000000e+00> : vector<256x128xf32>
    %dot_general3A_134 = tpu.matmul %div3A_127, %get3A_132, %dot_general3A_133 {dimension_numbers = #tpu.dot_dimension_numbers<[1], [0], [0], [1], [0, 0, 1, 1], [], []>, transpose_lhs_hint = false} : vector<256x1024xf32>, vector<1024x128xf32>, vector<256x128xf32> -> vector<256x128xf32>
    %get3A_135 = arith.constant 0 : index
    %get3A_136 = arith.constant 0 : index
    %get3A_137 = vector.load %arg6[%get3A_135, %get3A_136] : memref<131x128xf32, #tpu.memory_space<vmem>>, vector<131x128xf32>
    %get3A_138 = arith.constant 0 : index
    %get3A_139 = arith.constant 0 : index
    %get3A_140 = vector.load %arg7[%get3A_138, %get3A_139] : memref<1x128xf32, #tpu.memory_space<vmem>>, vector<1x128xf32>
    %slice3A_141 = vector.extract_strided_slice %get3A_137 {offsets = [0, 0], sizes = [128, 128], strides = [1, 1]} : vector<131x128xf32> to vector<128x128xf32>
    %dot_general3A_142 = arith.constant dense<0.000000e+00> : vector<256x128xf32>
    %dot_general3A_143 = tpu.matmul %dot_general3A_134, %slice3A_141, %dot_general3A_142 {dimension_numbers = #tpu.dot_dimension_numbers<[1], [0], [0], [1], [0, 0, 1, 1], [], []>, transpose_lhs_hint = false} : vector<256x128xf32>, vector<128x128xf32>, vector<256x128xf32> -> vector<256x128xf32>
    %get3A_144 = arith.constant 0 : index
    %get3A_145 = arith.constant 0 : index
    %get3A_146 = arith.constant 0 : index
    %get3A_147 = vector.load %arg5[%get3A_144, %get3A_145, %get3A_146] : memref<1x256x3xf32, #tpu.memory_space<vmem>>, vector<1x256x3xf32>
    %get3A_148 = vector.shape_cast %get3A_147 : vector<1x256x3xf32> to vector<256x3xf32>
    %slice3A_149 = vector.extract_strided_slice %get3A_137 {offsets = [128, 0], sizes = [3, 128], strides = [1, 1]} : vector<131x128xf32> to vector<3x128xf32>
    %dot_general3A_150 = arith.constant dense<0.000000e+00> : vector<256x128xf32>
    %dot_general3A_151 = tpu.matmul %get3A_148, %slice3A_149, %dot_general3A_150 {dimension_numbers = #tpu.dot_dimension_numbers<[1], [0], [0], [1], [0, 0, 1, 1], [], []>, transpose_lhs_hint = false} : vector<256x3xf32>, vector<3x128xf32>, vector<256x128xf32> -> vector<256x128xf32>
    %add3A_152 = arith.addf %dot_general3A_143, %dot_general3A_151 : vector<256x128xf32>
    %add3A_153 = vector.broadcast %get3A_140 : vector<1x128xf32> to vector<256x128xf32>
    %add3A_154 = arith.addf %add3A_152, %add3A_153 : vector<256x128xf32>
    %max3A_155 = arith.constant 0.000000e+00 : f32
    %max3A_156 = vector.broadcast %max3A_155 : f32 to vector<256x128xf32>
    %max3A_157 = arith.maximumf %add3A_154, %max3A_156 : vector<256x128xf32>
    %get3A_158 = arith.constant 0 : index
    %get3A_159 = arith.constant 0 : index
    %get3A_160 = vector.load %arg8[%get3A_158, %get3A_159] : memref<128x128xf32, #tpu.memory_space<vmem>>, vector<128x128xf32>
    %get3A_161 = arith.constant 0 : index
    %get3A_162 = arith.constant 0 : index
    %get3A_163 = vector.load %arg9[%get3A_161, %get3A_162] : memref<1x128xf32, #tpu.memory_space<vmem>>, vector<1x128xf32>
    %dot_general3A_164 = arith.constant dense<0.000000e+00> : vector<256x128xf32>
    %dot_general3A_165 = tpu.matmul %max3A_157, %get3A_160, %dot_general3A_164 {dimension_numbers = #tpu.dot_dimension_numbers<[1], [0], [0], [1], [0, 0, 1, 1], [], []>, transpose_lhs_hint = false} : vector<256x128xf32>, vector<128x128xf32>, vector<256x128xf32> -> vector<256x128xf32>
    %add3A_166 = vector.broadcast %get3A_163 : vector<1x128xf32> to vector<256x128xf32>
    %add3A_167 = arith.addf %dot_general3A_165, %add3A_166 : vector<256x128xf32>
    %max3A_168 = arith.constant 0.000000e+00 : f32
    %max3A_169 = vector.broadcast %max3A_168 : f32 to vector<256x128xf32>
    %max3A_170 = arith.maximumf %add3A_167, %max3A_169 : vector<256x128xf32>
    %get3A_171 = arith.constant 0 : index
    %get3A_172 = arith.constant 0 : index
    %get3A_173 = vector.load %arg10[%get3A_171, %get3A_172] : memref<128x128xf32, #tpu.memory_space<vmem>>, vector<128x128xf32>
    %get3A_174 = arith.constant 0 : index
    %get3A_175 = arith.constant 0 : index
    %get3A_176 = vector.load %arg11[%get3A_174, %get3A_175] : memref<1x128xf32, #tpu.memory_space<vmem>>, vector<1x128xf32>
    %dot_general3A_177 = arith.constant dense<0.000000e+00> : vector<256x128xf32>
    %dot_general3A_178 = tpu.matmul %max3A_170, %get3A_173, %dot_general3A_177 {dimension_numbers = #tpu.dot_dimension_numbers<[1], [0], [0], [1], [0, 0, 1, 1], [], []>, transpose_lhs_hint = false} : vector<256x128xf32>, vector<128x128xf32>, vector<256x128xf32> -> vector<256x128xf32>
    %add3A_179 = vector.broadcast %get3A_176 : vector<1x128xf32> to vector<256x128xf32>
    %add3A_180 = arith.addf %dot_general3A_178, %add3A_179 : vector<256x128xf32>
    %max3A_181 = arith.constant 0.000000e+00 : f32
    %max3A_182 = vector.broadcast %max3A_181 : f32 to vector<256x128xf32>
    %max3A_183 = arith.maximumf %add3A_180, %max3A_182 : vector<256x128xf32>
    %swap3A = arith.constant 0 : index
    %swap3A_184 = arith.constant 0 : index
    %swap3A_185 = arith.constant 0 : index
    %swap3A_186 = vector.load %arg12[%swap3A, %swap3A_184, %swap3A_185] : memref<1x256x128xf32, #tpu.memory_space<vmem>>, vector<1x256x128xf32>
    %swap3A_187 = vector.shape_cast %swap3A_186 : vector<1x256x128xf32> to vector<256x128xf32>
    %swap3A_188 = vector.shape_cast %max3A_183 : vector<256x128xf32> to vector<1x256x128xf32>
    tpu.vector_store %arg12[%swap3A, %swap3A_184, %swap3A_185], %swap3A_188 {strides = array<i32>} : memref<1x256x128xf32, #tpu.memory_space<vmem>>, vector<1x256x128xf32>,
    return
  }
  func.func @transform_0(%arg0: i32, %arg1: i32) -> (i32, i32, i32) {
    %c0_i32 = arith.constant 0 : i32
    %c0_i32_0 = arith.constant 0 : i32
    return %arg0, %arg1, %c0_i32 : i32, i32, i32
  }
  func.func @transform_1(%arg0: i32, %arg1: i32) -> (i32, i32, i32) {
    %c0_i32 = arith.constant 0 : i32
    %c0_i32_0 = arith.constant 0 : i32
    %c0_i32_1 = arith.constant 0 : i32
    return %arg0, %c0_i32, %c0_i32_0 : i32, i32, i32
  }
  func.func @transform_2(%arg0: i32, %arg1: i32) -> (i32, i32, i32) {
    %c0_i32 = arith.constant 0 : i32
    %c0_i32_0 = arith.constant 0 : i32
    %c0_i32_1 = arith.constant 0 : i32
    return %arg0, %c0_i32, %c0_i32_0 : i32, i32, i32
  }
  func.func @transform_3(%arg0: i32, %arg1: i32) -> (i32, i32, i32) {
    %c0_i32 = arith.constant 0 : i32
    %c0_i32_0 = arith.constant 0 : i32
    return %arg0, %arg1, %c0_i32 : i32, i32, i32
  }
  func.func @transform_4(%arg0: i32, %arg1: i32) -> (i32, i32) {
    %c0_i32 = arith.constant 0 : i32
    %c0_i32_0 = arith.constant 0 : i32
    %c0_i32_1 = arith.constant 0 : i32
    return %c0_i32, %c0_i32_0 : i32, i32
  }
  func.func @transform_5(%arg0: i32, %arg1: i32) -> (i32, i32) {
    %c0_i32 = arith.constant 0 : i32
    %c0_i32_0 = arith.constant 0 : i32
    %c0_i32_1 = arith.constant 0 : i32
    return %c0_i32, %c0_i32_0 : i32, i32
  }
  func.func @transform_6(%arg0: i32, %arg1: i32) -> (i32, i32) {
    %c0_i32 = arith.constant 0 : i32
    %c0_i32_0 = arith.constant 0 : i32
    %c0_i32_1 = arith.constant 0 : i32
    return %c0_i32, %c0_i32_0 : i32, i32
  }
  func.func @transform_7(%arg0: i32, %arg1: i32) -> (i32, i32) {
    %c0_i32 = arith.constant 0 : i32
    %c0_i32_0 = arith.constant 0 : i32
    %c0_i32_1 = arith.constant 0 : i32
    return %c0_i32, %c0_i32_0 : i32, i32
  }
  func.func @transform_8(%arg0: i32, %arg1: i32) -> (i32, i32) {
    %c0_i32 = arith.constant 0 : i32
    %c0_i32_0 = arith.constant 0 : i32
    %c0_i32_1 = arith.constant 0 : i32
    return %c0_i32, %c0_i32_0 : i32, i32
  }
  func.func @transform_9(%arg0: i32, %arg1: i32) -> (i32, i32) {
    %c0_i32 = arith.constant 0 : i32
    %c0_i32_0 = arith.constant 0 : i32
    %c0_i32_1 = arith.constant 0 : i32
    return %c0_i32, %c0_i32_0 : i32, i32
  }
  func.func @transform_10(%arg0: i32, %arg1: i32) -> (i32, i32, i32) {
    %c0_i32 = arith.constant 0 : i32
    %c0_i32_0 = arith.constant 0 : i32
    return %arg0, %arg1, %c0_i32 : i32, i32, i32
  }
}

module attributes {stable_mosaic.version = 14 : i64} {
  func.func @_fc_body(%arg0: i32, %arg1: memref<2048x128xf32, #tpu.memory_space<vmem>>, %arg2: memref<128x128xf32, #tpu.memory_space<vmem>>, %arg3: memref<1x128xf32, #tpu.memory_space<vmem>>, %arg4: memref<128x13xf32, #tpu.memory_space<vmem>>, %arg5: memref<1x13xf32, #tpu.memory_space<vmem>>, %arg6: memref<2048x13xf32, #tpu.memory_space<vmem>>) attributes {dimension_semantics = [#tpu.dimension_semantics<arbitrary>], iteration_bounds = array<i64: 16>, scalar_prefetch = 0 : i64, scratch_operands = 0 : i64, tpu.core_type = #tpu.core_type<tc>, window_params = [{transform_indices = @transform_0, window_bounds = array<i64: 2048, 128>}, {pipeline_mode = #tpu.pipeline_mode<synchronous>, transform_indices = @transform_1, window_bounds = array<i64: 128, 128>}, {pipeline_mode = #tpu.pipeline_mode<synchronous>, transform_indices = @transform_2, window_bounds = array<i64: 1, 128>}, {pipeline_mode = #tpu.pipeline_mode<synchronous>, transform_indices = @transform_3, window_bounds = array<i64: 128, 13>}, {pipeline_mode = #tpu.pipeline_mode<synchronous>, transform_indices = @transform_4, window_bounds = array<i64: 1, 13>}, {transform_indices = @transform_5, window_bounds = array<i64: 2048, 13>}]} {
    %get3A = arith.constant 0 : index
    %get3A_0 = arith.constant 0 : index
    %get3A_1 = vector.load %arg1[%get3A, %get3A_0] : memref<2048x128xf32, #tpu.memory_space<vmem>>, vector<2048x128xf32>
    %get3A_2 = arith.constant 0 : index
    %get3A_3 = arith.constant 0 : index
    %get3A_4 = vector.load %arg2[%get3A_2, %get3A_3] : memref<128x128xf32, #tpu.memory_space<vmem>>, vector<128x128xf32>
    %dot_general3A = arith.constant dense<0.000000e+00> : vector<2048x128xf32>
    %dot_general3A_5 = tpu.matmul %get3A_1, %get3A_4, %dot_general3A {dimension_numbers = #tpu.dot_dimension_numbers<[1], [0], [0], [1], [0, 0, 1, 1], [], []>, transpose_lhs_hint = false} : vector<2048x128xf32>, vector<128x128xf32>, vector<2048x128xf32> -> vector<2048x128xf32>
    %get3A_6 = arith.constant 0 : index
    %get3A_7 = arith.constant 0 : index
    %get3A_8 = vector.load %arg3[%get3A_6, %get3A_7] : memref<1x128xf32, #tpu.memory_space<vmem>>, vector<1x128xf32>
    %add3A = vector.broadcast %get3A_8 : vector<1x128xf32> to vector<2048x128xf32>
    %add3A_9 = arith.addf %dot_general3A_5, %add3A : vector<2048x128xf32>
    %max3A = arith.constant 0.000000e+00 : f32
    %max3A_10 = vector.broadcast %max3A : f32 to vector<2048x128xf32>
    %max3A_11 = arith.maximumf %add3A_9, %max3A_10 : vector<2048x128xf32>
    %get3A_12 = arith.constant 0 : index
    %get3A_13 = arith.constant 0 : index
    %get3A_14 = vector.load %arg4[%get3A_12, %get3A_13] : memref<128x13xf32, #tpu.memory_space<vmem>>, vector<128x13xf32>
    %dot_general3A_15 = arith.constant dense<0.000000e+00> : vector<2048x13xf32>
    %dot_general3A_16 = tpu.matmul %max3A_11, %get3A_14, %dot_general3A_15 {dimension_numbers = #tpu.dot_dimension_numbers<[1], [0], [0], [1], [0, 0, 1, 1], [], []>, transpose_lhs_hint = false} : vector<2048x128xf32>, vector<128x13xf32>, vector<2048x13xf32> -> vector<2048x13xf32>
    %get3A_17 = arith.constant 0 : index
    %get3A_18 = arith.constant 0 : index
    %get3A_19 = vector.load %arg5[%get3A_17, %get3A_18] : memref<1x13xf32, #tpu.memory_space<vmem>>, vector<1x13xf32>
    %add3A_20 = vector.broadcast %get3A_19 : vector<1x13xf32> to vector<2048x13xf32>
    %add3A_21 = arith.addf %dot_general3A_16, %add3A_20 : vector<2048x13xf32>
    %swap3A = arith.constant 0 : index
    %swap3A_22 = arith.constant 0 : index
    %swap3A_23 = vector.load %arg6[%swap3A, %swap3A_22] : memref<2048x13xf32, #tpu.memory_space<vmem>>, vector<2048x13xf32>
    tpu.vector_store %arg6[%swap3A, %swap3A_22], %add3A_21 {strides = array<i32>} : memref<2048x13xf32, #tpu.memory_space<vmem>>, vector<2048x13xf32>,
    return
  }
  func.func @transform_0(%arg0: i32) -> (i32, i32) {
    %c0_i32 = arith.constant 0 : i32
    %c0_i32_0 = arith.constant 0 : i32
    return %arg0, %c0_i32 : i32, i32
  }
  func.func @transform_1(%arg0: i32) -> (i32, i32) {
    %c0_i32 = arith.constant 0 : i32
    %c0_i32_0 = arith.constant 0 : i32
    %c0_i32_1 = arith.constant 0 : i32
    return %c0_i32, %c0_i32_0 : i32, i32
  }
  func.func @transform_2(%arg0: i32) -> (i32, i32) {
    %c0_i32 = arith.constant 0 : i32
    %c0_i32_0 = arith.constant 0 : i32
    %c0_i32_1 = arith.constant 0 : i32
    return %c0_i32, %c0_i32_0 : i32, i32
  }
  func.func @transform_3(%arg0: i32) -> (i32, i32) {
    %c0_i32 = arith.constant 0 : i32
    %c0_i32_0 = arith.constant 0 : i32
    %c0_i32_1 = arith.constant 0 : i32
    return %c0_i32, %c0_i32_0 : i32, i32
  }
  func.func @transform_4(%arg0: i32) -> (i32, i32) {
    %c0_i32 = arith.constant 0 : i32
    %c0_i32_0 = arith.constant 0 : i32
    %c0_i32_1 = arith.constant 0 : i32
    return %c0_i32, %c0_i32_0 : i32, i32
  }
  func.func @transform_5(%arg0: i32) -> (i32, i32) {
    %c0_i32 = arith.constant 0 : i32
    %c0_i32_0 = arith.constant 0 : i32
    return %arg0, %c0_i32 : i32, i32
  }
}

</mosaic_0001>

<sc_bundles>
// kernel: gather_offload_async_start
scs
__scs_entry_jumppad:
0x0: {  	(pc) =	sbr.rel $0x88, $3  }
0x1: {  	(tag) =	ssettag $0x0;
	lr =	simm.s32 $0x1  }
0x2: {  	[smem:$0x3F46] =	sst lr;
	_ =	strace $0xD0000000  }
0x3: {  	_ = 	snop  }
0x4: {  	_ = 	snop  }
0x5: {  	_ = 	snop  }
0x6: {  	_ = 	snop  }
0x7: {  	_ = 	snop  }
__scs_overlays_trampoline_lowered:
0x8: {  	[smem:$0x3F55] =	sst s0  }
0x9: {  	[smem:$0x3F56] =	sst s1  }
0xa: {  	[smem:$0x3F57] =	sst s2  }
0xb: {  	[smem:$0x3F58] =	sst s3  }
0xc: {  	[smem:$0x3F59] =	sst s4  }
0xd: {  	[smem:$0x3F5A] =	sst s5  }
0xe: {  	[smem:$0x3F5B] =	sst s6  }
0xf: {  	[smem:$0x3F5C] =	sst s7  }
0x10: {  	[smem:$0x3F5D] =	sst s8  }
0x11: {  	[smem:$0x3F5E] =	sst s9;
	s0 =	simm.s32 @!p0 $0x0  }
0x12: {  	s1 =	sld [smem:$0x3F44];
	s0 =	simm.s32 @p0 $0x1  }
0x13: {  	[smem:$0x3F5F] =	sst s0;
	s0 =	simm.s32 @!p1 $0x0  }
0x14: {  	s2 =	sld [smem:$0x3F43];
	s0 =	simm.s32 @p1 $0x1  }
0x15: {  	[smem:$0x3F60] =	sst s0;
	s0 =	simm.s32 @!p2 $0x0  }
0x16: {  	s3 =	sld [smem:$0x3FDB];
	s0 =	simm.s32 @p2 $0x1  }
0x17: {  	s4 =	simm.s32 $0x1BF5;
	[smem:$0x3F62] =	sst s0  }
0x18: {  	s0 =	sld [smem:$0x3F45];
	_ =	swait.ge [sflag:s4], $0x0  }
0x19: {  	s7 =	sld [smem:$0x3F46]  }
0x1a: {  	s8 =	sadd.s32 $0xFFFFE003, lr  }
0x1b: {  	s9 =	sadd.s32 $0xFFFFFEF7, lr;
	s5 =	simm.s32 $0xFFFFFFFF;
	p2 =	slt.u32 s8, $0xFFFFF086  }
0x1c: {  	p1 =	slt.u32 s9, $0xF7A;
	s5 =	simm.s32 @!p2 $0x0  }
0x1d: {  	s5 =	simm.s32 @p1 $0x1;
	p0 =	seq.s32 s7, s2  }
0x1e: {  	s7 =	smul.u32 @!p0 $0xF7A, s2;
	p2 =	seq.s32 @!p0 s5, $0x0  }
0x1f: {  	s9 =	smul.u32 $0xF7A, s1;
	s8 =	simm.s32 @!p0 $0x1BF5;
	p2 =	por !p2, p0  }
0x20: {  	[sflag:s8] =	ssyncset.s32 @!p0 $0xFFFFF086;
	s6 =	sadd.s32 @!p0 s3, s7;
	s7 =	simm.s32 @!p0 $0x108  }
0x21: {  	s3 =	sadd.s32 s3, s9;
	s6 =	sadd.s32 @!p0 $0x88, s6;
	s7 =	simm.s32 @p2 $0x1082  }
0x22: {  	[simem:s7], [sflag:s8] =	dma.local @!p0 [hbm:s6], $0xF7A  }
0x23: {  	s9 =	sor.u32 $0xD0000000, s2;
	s6 =	simm.s32 $0x108;
	_ =	swait.ge @!p0 [sflag:s8], $0x0  }
0x24: {  	s3 =	sadd.s32 $0x88, s3;
	s6 =	simm.s32 @!p1 $0x1082;
	[sflag:s4] =	ssyncset.s32 $0xFFFFF086  }
0x25: {  	[simem:s6], [sflag:s4] =	dma.local [hbm:s3], $0xF7A  }
0x26: {  	[smem:$0x3F46] =	sst s1;
	(tag) =	ssettag s2;
	_ =	strace s9  }
0x27: {  	s1 =	sld [smem:$0x3F56]  }
0x28: {  	s2 =	sld [smem:$0x3F57]  }
0x29: {  	s4 =	sld [smem:$0x3F59]  }
0x2a: {  	p0 =	seq.s32 s5, $0x0;
	s5 =	sld [smem:$0x3F5A]  }
0x2b: {  	s6 =	sld [smem:$0x3F5B]  }
0x2c: {  	s7 =	sld [smem:$0x3F5C]  }
0x2d: {  	s3 =	simm.s32 $0x108;
	s8 =	sld [smem:$0x3F5D]  }
0x2e: {  	s3 =	simm.s32 @!p0 $0x1082;
	s9 =	sld [smem:$0x3F5E]  }
0x2f: {  	lr =	sadd.s32 s0, s3;
	s0 =	sld [smem:$0x3F55]  }
0x30: {  	s3 =	sld [smem:$0x3F58]  }
0x31: {  	[smem:$0x3F61] =	sst s10  }
0x32: {  	s10 =	sld [smem:$0x3F5F];
	_ =	sdelay $0x3  }
0x33: {  	p0 =	seq.s32 s10, $0x1;
	s10 =	sld [smem:$0x3F61];
	_ =	sdelay $0x3  }
0x34: {  	[smem:$0x3F61] =	sst s10  }
0x35: {  	s10 =	sld [smem:$0x3F60];
	_ =	sdelay $0x3  }
0x36: {  	p1 =	seq.s32 s10, $0x1;
	s10 =	sld [smem:$0x3F61];
	_ =	sdelay $0x3  }
0x37: {  	[smem:$0x3F61] =	sst s10  }
0x38: {  	s10 =	sld [smem:$0x3F62]  }
0x39: {  	_ = 	snop;
	(pc) =	sbr.ind lr, $3  }
0x3a: {  	_ = 	snop  }
0x3b: {  	_ = 	snop  }
0x3c: {  	p2 =	seq.s32 s10, $0x1;
	s10 =	sld [smem:$0x3F61]  }
0x3d: {  	_ =	shalt  }
0x3e: {  	_ =	shalt  }
0x3f: {  	_ =	shalt  }
0x40: {  	_ =	shalt  }
0x41: {  	_ =	shalt  }
0x42: {  	_ =	shalt  }
0x43: {  	_ =	shalt  }
0x44: {  	_ =	shalt  }
0x45: {  	_ =	shalt  }
0x46: {  	_ =	shalt  }
0x47: {  	_ =	shalt  }
0x48: {  	_ =	shalt  }
0x49: {  	_ =	shalt  }
0x4a: {  	_ =	shalt  }
0x4b: {  	_ =	shalt  }
0x4c: {  	_ =	shalt  }
0x4d: {  	_ =	shalt  }
0x4e: {  	_ =	shalt  }
0x4f: {  	_ =	shalt  }
0x50: {  	_ =	shalt  }
0x51: {  	_ =	shalt  }
0x52: {  	_ =	shalt  }
0x53: {  	_ =	shalt  }
0x54: {  	_ =	shalt  }
0x55: {  	_ =	shalt  }
0x56: {  	_ =	shalt  }
0x57: {  	_ =	shalt  }
0x58: {  	_ =	shalt  }
0x59: {  	_ =	shalt  }
0x5a: {  	_ =	shalt  }
0x5b: {  	_ =	shalt  }
0x5c: {  	_ =	shalt  }
0x5d: {  	_ =	shalt  }
0x5e: {  	_ =	shalt  }
0x5f: {  	_ =	shalt  }
0x60: {  	_ =	shalt  }
0x61: {  	_ =	shalt  }
0x62: {  	_ =	shalt  }
0x63: {  	_ =	shalt  }
0x64: {  	_ =	shalt  }
0x65: {  	_ =	shalt  }
0x66: {  	_ =	shalt  }
0x67: {  	_ =	shalt  }
0x68: {  	_ =	shalt  }
0x69: {  	_ =	shalt  }
0x6a: {  	_ =	shalt  }
0x6b: {  	_ =	shalt  }
0x6c: {  	_ =	shalt  }
0x6d: {  	_ =	shalt  }
0x6e: {  	_ =	shalt  }
0x6f: {  	_ =	shalt  }
0x70: {  	_ =	shalt  }
0x71: {  	_ =	shalt  }
0x72: {  	_ =	shalt  }
0x73: {  	_ =	shalt  }
0x74: {  	_ =	shalt  }
0x75: {  	_ =	shalt  }
0x76: {  	_ =	shalt  }
0x77: {  	_ =	shalt  }
0x78: {  	_ =	shalt  }
0x79: {  	_ =	shalt  }
0x7a: {  	_ =	shalt  }
0x7b: {  	_ =	shalt  }
0x7c: {  	_ =	shalt  }
0x7d: {  	_ =	shalt  }
0x7e: {  	_ =	shalt  }
0x7f: {  	_ =	shalt  }
0x80: {  	_ =	shalt  }
0x81: {  	_ =	shalt  }
0x82: {  	_ =	shalt  }
0x83: {  	_ =	shalt  }
0x84: {  	_ =	shalt  }
0x85: {  	_ =	shalt  }
0x86: {  	_ =	shalt  }
0x87: {  	_ =	shalt  }
.Lfunc_end0:
.L_simem_size_0:
called_computation_lowered:
.L_overlay_start_0:
0x88: {  	s2 =	sld [smem:$0x3FD9]  }
0x89: {  	s3 =	sld [smem:$0x3FFE];
	_ =	sdelay $0x1  }
0x8a: {  	s1 =	srdreg.scid  }
0x8b: {  	s0 =	sand.u32 $0x1, s1  }
0x8c: {  	s17 =	sshll.u32 s0, $0xA;
	s2 =	sadd.s32 s3, s2  }
0x8d: {  	s2 =	sadd.s32 s2, s17  }
0x8e: {  	[smem:$0x3F6D] =	sst s2  }
0x8f: {  	_ = 	snop  }
0x90: {  	s2 =	sld [smem:$0x3FD0];
	(tm) =	ssettm $0x1  }
0x91: {  	s18 =	sld [smem:$0x3FFB];
	_ =	sdelay $0x3  }
0x92: {  	_ =	strace s18  }
0x93: {  	s3 =	sld [smem:$0x3FFC];
	_ =	sdelay $0x3  }
0x94: {  	_ =	strace s3  }
0x95: {  	s3 =	sld [smem:$0x3FFD];
	_ =	sdelay $0x3  }
0x96: {  	_ =	strace s3  }
0x97: {  	_ =	strace $0x8FFFFFFF  }
0x98: {  	s19 =	sld [smem:$0x3FDB];
	_ =	sdelay $0x1  }
0x99: {  	s4 =	simm.s32 $_scs_section_size  }
0x9a: {  	s5 =	simm.s32 $_size__tile_overlayer_lowered;
	s6 =	simm.s32 $_tile_overlayer_lowered  }
0x9b: {  	s22 =	simm.s32 $0x1BFF;
	s21 =	sshll.u32 s6, $0x1;
	s3 =	sadd.s32 s4, s19  }
0x9c: {  	s7 =	simm.s32 $0x0;
	s20 =	sshll.u32 s5, $0x1;
	s5 =	sadd.s32 s21, s3  }
0x9d: {  	[timem:s7], [sflag:s22] =	dma.local [hbm:s5], s20  }
0x9e: {  	_ =	swait.ge [sflag:s22], s20  }
0x9f: {  	s4 =	ssub.s32 $0x0, s20;
	[sflag:s22] =	ssyncset.done $0x0  }
0xa0: {  	[sflag:s22] =	ssyncadd.s32 s4;
	_ =	sdelay $0x1  }
0xa1: {  	s23 =	simm.s32 $0x1B8B  }
0xa2: {  	_ =	swait.ge [sflag:s23], $0x1  }
0xa3: {  	[sflag:s23] =	ssyncset.done $0x0  }
0xa4: {  	s25 =	simm.s32 $0x1B8E;
	s24 =	sld [smem:$0x3FFE];
	[sflag:s23] =	ssyncadd.s32 $0xFFFFFFFF  }
0xa5: {  	s26 =	simm.s32 $execute0_lowered;
	[smem:$0x3FD2] =	sst s25  }
0xa6: {  	s5 =	sshll.u32 s26, $0x1;
	_ =	strace $0x80000046;
	[dreg:$0x1] =	wrdreg $0xFFFFFFFF  }
0xa7: {  	s28 =	simm.s32 $_size_execute0_lowered;
	s3 =	sadd.s32 s3, s5;
	[dreg:$0x0] =	wrdreg $0x0  }
0xa8: {  	s5 =	sshll.u32 s28, $0x1;
	[dreg:$0x2] =	wrdreg s3  }
0xa9: {  	[dreg:$0x3] =	wrdreg s5  }
0xaa: {  	[dreg:$0x4] =	wrdreg $0xC0  }
0xab: {  	_ =	task [dreg:s7], $0x5FFFF  }
0xac: {  	[dreg:$0x1] =	wrdreg $0xFFFFFFFF  }
0xad: {  	[dreg:$0x0] =	wrdreg $0x60  }
0xae: {  	[dreg:$0x2] =	wrdreg s24  }
0xaf: {  	[dreg:$0x3] =	wrdreg s2  }
0xb0: {  	[dreg:$0x4] =	wrdreg $0x9  }
0xb1: {  	_ =	task.clear_ibuf [dreg:s7], $0x5FFFF;
	_ =	strace $0x90000046  }
0xb2: {  	s29 =	simm.s32 $0x9;
	_ =	strace $0x80000048  }
0xb3: {  	_ =	swait.ge [sflag:s29], $0x1  }
0xb4: {  	[sflag:s29] =	ssyncadd.s32 $0xFFFFFFFF  }
0xb5: {  	_ =	strace $0x90000048  }
0xb6: {  	_ =	sfence  }
0xb7: {  	s30 =	sld [smem:$0x0];
	_ =	sdelay $0x2  }
0xb8: {  	s31 =	sshll.u32 s1, $0xD;
	s1 =	sshrl.u32 s1, $0x2  }
0xb9: {  	s3 =	sand.u32 $0x4000, s31;
	s1 =	sadd.s32 s1, s30  }
0xba: {  	s0 =	sor.u32 s3, s0;
	s1 =	sshll.u32 s1, $0x11  }
0xbb: {  	s0 =	sor.u32 s1, s0  }
0xbc: {  	s0 =	sadd.s32 $0x8F2B, s0  }
0xbd: {  	[sflag:s0] =	ssyncadd.remote.s32 $0x1  }
0xbe: {  	_ =	sfence.sel $0xFFFF  }
0xbf: {  	[dreg:$0x0] =	wrdreg $0xFFFFFFFF;
	(pc) =	sbr.abs _section_cstart, $3  }
0xc0: {  	[dreg:$0x1] =	wrdreg $0xFFFFFFFF  }
0xc1: {  	_ =	task.clear_ibuf [dreg:s7], $0x2FFFF;
	_ =	strace $0x9FFFFFFF  }
0xc2: {  	(tm) =	ssettm $0x7FFFFFFF  }
0xc3: {  	_ =	shalt  }
tec
execute0_lowered:
.L_overlay_start_1:
0x0: {  	(tag) =	ssettag $0x1  }
0x1: {  	s7 =	rddreg [dreg:$0x0]  }
0x2: {  	s2 =	rddreg [dreg:$0x1]  }
0x3: {  	s0 =	rddreg [dreg:$0x2]  }
0x4: {  	s1 =	srdreg.scid;
	_ =	strace $0x80000047;
	s4 =	simm.s32 $0x1  }
0x5: {  	s9 =	simm.s32 $0x3;
	s12 =	simm.s32 $0x0;
	s5 =	sshll.u32 s1, $0x4  }
.Ltmp0:
0x6: {  	s1 =	stileid.u32;
	s5 =	sand.u32 $0x10, s5;
	(pc) =	sbr.rel .LBB2_1-.Ltmp0, $4  }
0x7: {  	s10 =	simm.s32 $0x0;
	s3 =	sadd.s32 $0xA800, s7;
	s6 =	sor.u32 s1, s5  }
0x8: {  	[sflag:s4] =	ssyncpa.u1 $0x0;
	s5 =	simm.s32 $0x2;
	s6 =	sshll.u32 s6, $0x7  }
0x9: {  	s7 =	sadd.s32 $0x8A800, s7;
	[sflag:s5] =	ssyncpa.u1 $0x0;
	s8 =	sadd.s32 $0x80, s6  }
0xa: {  	vm0 =	vmmov $0xff;
	vm1 =	vcmask $0x3F20;
	[sflag:s9] =	ssyncpa.u1 $0x0;
	s9 =	simm.s32 $0x80;
	s11 =	smov.u32 s6  }
.LBB2_9:
0xb: {  	p0 =	seq.s32 s10, $0x2  }
.Ltmp1:
0xc: {  	_ = 	snop;
	(pc) =	sbr.rel @p0 .LBB2_11-.Ltmp1, $1  }
0xd: {  	_ =	sdelay $0x3  }
.LBB2_10:
0xe: {  	s12 =	sadd.s32 $0x80, s11  }
0xf: {  	s13 =	smov.u32 s6;
	p0 =	slt.s32 s12, s8  }
0x10: {  	s13 =	smov.u32 @p0 s12  }
0x11: {  	s10 =	sadd.s32 $0x1, s10;
	s12 =	smov.u32 s11;
	s11 =	smov.u32 s13  }
.LBB2_1:
0x12: {  	p0 =	sne.s32 s10, $0x0  }
.Ltmp2:
0x13: {  	_ = 	snop;
	(pc) =	sbr.rel @!p0 .LBB2_2-.Ltmp2, $1  }
0x14: {  	_ =	sdelay $0x3  }
0x15: {  	s13 =	sand.u32 $0x1, s10  }
0x16: {  	p0 =	seq.s32 s13, $0x0  }
.Ltmp3:
0x17: {  	_ = 	snop;
	(pc) =	sbr.rel @p0 .LBB2_9-.Ltmp3, $1  }
0x18: {  	_ =	sdelay $0x3  }
0x19: {  	_ =	swait.ge [sflag:s5], $0x80  }
0x1a: {  	[sflag:s5] =	ssyncset.done $0x0  }
0x1b: {  	s13 =	simm.s32 $0x0;
	[sflag:s5] =	ssyncadd.s32 $0xFFFFFF80  }
0x1c: {  	v0 =	vld.msk [tilespmem:s13+$0x80 ss:$0x1], $0xffff;
	_ =	sdelay $0x4  }
0x1d: {  	v1 =	vshll.u32 v0, $0x5  }
0x1e: {  	vm2 =	veq.s32 v0, $0x80000000;
	v0 =	vshll.u32 v0, $0x14;
	v1 =	vand.u32 $0xFFF80, v1  }
0x1f: {  	v0 =	vand.u32 $0x300000, v0;
	v1 =	vsel vm2, $0xFFFFFF80, v1  }
0x20: {  	v0 =	vsel vm2, $0xFFF00000, v0;
	v2 =	vand.u32 $0xFFFFFC00, v1  }
0x21: {  	v1 =	vand.u32 $0x380, v1;
	v0 =	vadd.s32 v0, v2  }
0x22: {  	v0 =	vor.u32 v1, v0  }
0x23: {  	v0 =	vshrl.u32 v0, $0x3;
	_ =	sdelay $0x3  }
0x24: {  	s13 =	simm.s32 $0x4100  }
0x25: {  	[tilespmem:s13], [sflag:$0x1] =	stream.indirect_vreg.gather [hbm:s3], $0x80, v0, vm0, $0x38;
	[tilespmem:$0x8100] =	vst v63  }
0x26: {  	s14 =	simm.s32 $0x4500;
	s31 =	simm.s32 $0x10  }
0x27: {  	[tilespmem:s14], [sflag:$0x1] =	stream.indirect_vreg.gather [hbm:s3], $0x80, v0, vm1, $0x38;
	[tilespmem:$0x8100] =	vst v63  }
0x28: {  	s14 =	simm.s32 $0x80;
	v0 =	vld.msk [tilespmem:s31+$0x80 ss:$0x1], $0xffff  }
.LBB2_5:
0x29: {  	p0 =	sne.s32 s14, $0x1C0;
	_ =	sdelay $0x4  }
0x2a: {  	v1 =	vshll.u32 v0, $0x5  }
0x2b: {  	vm2 =	veq.s32 v0, $0x80000000;
	v0 =	vshll.u32 v0, $0x14;
	v1 =	vand.u32 $0xFFF80, v1  }
0x2c: {  	v0 =	vand.u32 $0x300000, v0;
	v1 =	vsel vm2, $0xFFFFFF80, v1  }
0x2d: {  	v0 =	vsel vm2, $0xFFF00000, v0;
	v2 =	vand.u32 $0xFFFFFC00, v1  }
0x2e: {  	v1 =	vand.u32 $0x380, v1;
	v0 =	vadd.s32 v0, v2  }
0x2f: {  	v0 =	vor.u32 v1, v0  }
0x30: {  	v0 =	vshrl.u32 v0, $0x3;
	_ =	sdelay $0x3  }
.Ltmp4:
0x31: {  	s13 =	sadd.s32 $0x800, s13;
	(pc) =	sbr.rel @p0 .LBB2_5-.Ltmp4, $4  }
0x32: {  	[tilespmem:s13], [sflag:$0x1] =	stream.indirect_vreg.gather [hbm:s3], $0x80, v0, vm0, $0x38;
	[tilespmem:$0x8100] =	vst v63  }
0x33: {  	s15 =	sshra.s32 s14, $0x2;
	s16 =	sadd.s32 $0x400, s13  }
0x34: {  	[tilespmem:s16], [sflag:$0x1] =	stream.indirect_vreg.gather [hbm:s3], $0x80, v0, vm1, $0x38;
	[tilespmem:$0x8100] =	vst v63  }
0x35: {  	s14 =	sadd.s32 $0x40, s14;
	v0 =	vld.msk [tilespmem:s15+$0x80 ss:$0x1], $0xffff  }
0x36: {  	_ =	sdelay $0x3  }
0x37: {  	v1 =	vshll.u32 v0, $0x5  }
0x38: {  	vm2 =	veq.s32 v0, $0x80000000;
	v63 =	vshll.u32 v0, $0x14;
	v1 =	vand.u32 $0xFFF80, v1  }
0x39: {  	v0 =	vand.u32 $0x300000, v63;
	v1 =	vsel vm2, $0xFFFFFF80, v1  }
0x3a: {  	v0 =	vsel vm2, $0xFFF00000, v0;
	v2 =	vand.u32 $0xFFFFFC00, v1  }
0x3b: {  	v1 =	vand.u32 $0x380, v1;
	v0 =	vadd.s32 v0, v2  }
0x3c: {  	v0 =	vor.u32 v1, v0  }
0x3d: {  	v0 =	vshrl.u32 v0, $0x3;
	_ =	sdelay $0x3  }
0x3e: {  	s13 =	sadd.s32 $0x800, s13  }
0x3f: {  	[tilespmem:s13], [sflag:$0x1] =	stream.indirect_vreg.gather [hbm:s3], $0x80, v0, vm0, $0x38;
	[tilespmem:$0x8100] =	vst v63  }
0x40: {  	s13 =	sadd.s32 $0x400, s13  }
0x41: {  	[tilespmem:s13], [sflag:$0x1] =	stream.indirect_vreg.gather [hbm:s3], $0x80, v0, vm1, $0x38;
	[tilespmem:$0x8100] =	vst v63  }
0x42: {  	s12 =	sshll.u32 s12, $0x4;
	s14 =	simm.s32 $0x80;
	_ =	swait.ge [sflag:s4], $0x4000  }
0x43: {  	s15 =	simm.s32 $0x4500;
	s12 =	sadd.s32 s12, s7;
	[sflag:s4] =	ssyncset.done $0x0  }
0x44: {  	s16 =	sadd.s32 $0x0, s12;
	s13 =	simm.s32 $0x4100;
	[sflag:s4] =	ssyncadd.s32 $0xFFFFC000  }
.LBB2_7:
0x45: {  	[hbm:s16] =	stream.linear.scatter [tilespmem:s13], [sflag:$0x3], $0x400, $0x38;
	[tilespmem:$0x8100] =	vst v63  }
0x46: {  	s16 =	smov.u32 s14;
	s13 =	smov.u32 s15;
	p0 =	sne.s32 s14, $0x780  }
.Ltmp5:
0x47: {  	s14 =	sadd.s32 $0x80, s14;
	(pc) =	sbr.rel @p0 .LBB2_7-.Ltmp5, $2  }
0x48: {  	_ =	sdelay $0x2  }
0x49: {  	s15 =	sadd.s32 $0x400, s15;
	s16 =	sadd.s32 s16, s12  }
.Ltmp6:
0x4a: {  	(pc) =	sbr.rel .LBB2_9-.Ltmp6, $2  }
0x4b: {  	_ =	sdelay $0x2  }
0x4c: {  	[hbm:s16] =	stream.linear.scatter [tilespmem:s13], [sflag:$0x3], $0x400, $0x38;
	[tilespmem:$0x8100] =	vst v63  }
.LBB2_2:
.Ltmp7:
0x4d: {  	(pc) =	sbr.rel .LBB2_10-.Ltmp7, $4  }
0x4e: {  	_ = 	snop  }
0x4f: {  	s12 =	sshrl.u32 s11, $0x3  }
0x50: {  	s13 =	sand.u32 $0x7, s11;
	s12 =	sadd.s32 s2, s12  }
0x51: {  	[tilespmem:s9], [sflag:$0x2] =	stream.linear.gather [hbm4b:s12+s13], $0x80, $0x38;
	[tilespmem:$0x8100] =	vst v63  }
.LBB2_11:
0x52: {  	s2 =	simm.s32 $0x3  }
0x53: {  	_ =	swait.ge [sflag:s2], $0x4000  }
0x54: {  	[sflag:s2] =	ssyncset.done $0x0  }
0x55: {  	[sflag:s2] =	ssyncadd.s32 $0xFFFFC000  }
0x56: {  	_ =	sfence.sel $0x180000  }
0x57: {  	s3 =	simm.s32 $0x2;
	[bflag:$0x0] =	sbarrier.arrive $0xFFFF  }
0x58: {  	[sflag:s3] =	ssyncpa.u1 $0x1  }
0x59: {  	s31 =	simm.s32 $0x1;
	[sflag:s2] =	ssyncpa.u1 $0x1  }
0x5a: {  	[sflag:s31] =	ssyncpa.u1 $0x1  }
0x5b: {  	p0 =	sne.s32 s1, $0x0;
	_ =	strace $0x90000047  }
0x5c: {  	s0 =	sadd.s32 @!p0 $0x100000, s0;
	[bflag:$0x2] =	sbarrier.arrive $0xFFFF  }
0x5d: {  	[sflag:s0] =	ssyncadd.tile.s32 @!p0 $0x1;
	_ =	shalt  }
.Lfunc_end2:
_tile_overlayer_lowered:
.L_overlay_start_2:
0x5e: {  	(tag) =	ssettag $0x2  }
0x5f: {  	s0 =	rddreg [dreg:$0x0];
	s2 =	stileid.u32  }
0x60: {  	s1 =	rddreg [dreg:$0x1];
	p0 =	sne.s32 s2, $0x0  }
0x61: {  	s3 =	rddreg [dreg:$0x2];
	[bflag:$0x3] =	sbarrier.arrive $0xFFFF;
	s2 =	simm.s32 @!p0 $0x1C01  }
0x62: {  	[timem:s3], [sflag:s2] =	dma.local @!p0 [hbm:s0], s1  }
0x63: {  	s0 =	simm.s32 @!p0 $0x1  }
0x64: {  	_ =	swait.ge @!p0 [sflag:s0], s1  }
0x65: {  	s1 =	ssub.s32 @!p0 $0x0, s1;
	[sflag:s0] =	ssyncset.done @!p0 $0x0  }
0x66: {  	[sflag:s0] =	ssyncadd.s32 @!p0 s1  }
0x67: {  	[bflag:$0x3] =	sbarrier.arrive $0xFFFF  }
0x68: {  	_ =	shalt  }

// kernel: kernel.19.cloned.1.call-start
scs
__scs_entry_jumppad:
0x0: {  	(pc) =	sbr.rel $0x88, $3  }
0x1: {  	(tag) =	ssettag $0x0;
	lr =	simm.s32 $0x1  }
0x2: {  	[smem:$0x3F46] =	sst lr;
	_ =	strace $0xD0000000  }
0x3: {  	_ = 	snop  }
0x4: {  	_ = 	snop  }
0x5: {  	_ = 	snop  }
0x6: {  	_ = 	snop  }
0x7: {  	_ = 	snop  }
__scs_overlays_trampoline_lowered:
0x8: {  	[smem:$0x3F55] =	sst s0  }
0x9: {  	[smem:$0x3F56] =	sst s1  }
0xa: {  	[smem:$0x3F57] =	sst s2  }
0xb: {  	[smem:$0x3F58] =	sst s3  }
0xc: {  	[smem:$0x3F59] =	sst s4  }
0xd: {  	[smem:$0x3F5A] =	sst s5  }
0xe: {  	[smem:$0x3F5B] =	sst s6  }
0xf: {  	[smem:$0x3F5C] =	sst s7  }
0x10: {  	[smem:$0x3F5D] =	sst s8  }
0x11: {  	[smem:$0x3F5E] =	sst s9;
	s0 =	simm.s32 @!p0 $0x0  }
0x12: {  	s1 =	sld [smem:$0x3F44];
	s0 =	simm.s32 @p0 $0x1  }
0x13: {  	[smem:$0x3F5F] =	sst s0;
	s0 =	simm.s32 @!p1 $0x0  }
0x14: {  	s2 =	sld [smem:$0x3F43];
	s0 =	simm.s32 @p1 $0x1  }
0x15: {  	[smem:$0x3F60] =	sst s0;
	s0 =	simm.s32 @!p2 $0x0  }
0x16: {  	s3 =	sld [smem:$0x3FDB];
	s0 =	simm.s32 @p2 $0x1  }
0x17: {  	s4 =	simm.s32 $0x1BF5;
	[smem:$0x3F62] =	sst s0  }
0x18: {  	s0 =	sld [smem:$0x3F45];
	_ =	swait.ge [sflag:s4], $0x0  }
0x19: {  	s7 =	sld [smem:$0x3F46]  }
0x1a: {  	s8 =	sadd.s32 $0xFFFFE003, lr  }
0x1b: {  	s9 =	sadd.s32 $0xFFFFFEF7, lr;
	s5 =	simm.s32 $0xFFFFFFFF;
	p2 =	slt.u32 s8, $0xFFFFF086  }
0x1c: {  	p1 =	slt.u32 s9, $0xF7A;
	s5 =	simm.s32 @!p2 $0x0  }
0x1d: {  	s5 =	simm.s32 @p1 $0x1;
	p0 =	seq.s32 s7, s2  }
0x1e: {  	s7 =	smul.u32 @!p0 $0xF7A, s2;
	p2 =	seq.s32 @!p0 s5, $0x0  }
0x1f: {  	s9 =	smul.u32 $0xF7A, s1;
	s8 =	simm.s32 @!p0 $0x1BF5;
	p2 =	por !p2, p0  }
0x20: {  	[sflag:s8] =	ssyncset.s32 @!p0 $0xFFFFF086;
	s6 =	sadd.s32 @!p0 s3, s7;
	s7 =	simm.s32 @!p0 $0x108  }
0x21: {  	s3 =	sadd.s32 s3, s9;
	s6 =	sadd.s32 @!p0 $0x88, s6;
	s7 =	simm.s32 @p2 $0x1082  }
0x22: {  	[simem:s7], [sflag:s8] =	dma.local @!p0 [hbm:s6], $0xF7A  }
0x23: {  	s9 =	sor.u32 $0xD0000000, s2;
	s6 =	simm.s32 $0x108;
	_ =	swait.ge @!p0 [sflag:s8], $0x0  }
0x24: {  	s3 =	sadd.s32 $0x88, s3;
	s6 =	simm.s32 @!p1 $0x1082;
	[sflag:s4] =	ssyncset.s32 $0xFFFFF086  }
0x25: {  	[simem:s6], [sflag:s4] =	dma.local [hbm:s3], $0xF7A  }
0x26: {  	[smem:$0x3F46] =	sst s1;
	(tag) =	ssettag s2;
	_ =	strace s9  }
0x27: {  	s1 =	sld [smem:$0x3F56]  }
0x28: {  	s2 =	sld [smem:$0x3F57]  }
0x29: {  	s4 =	sld [smem:$0x3F59]  }
0x2a: {  	p0 =	seq.s32 s5, $0x0;
	s5 =	sld [smem:$0x3F5A]  }
0x2b: {  	s6 =	sld [smem:$0x3F5B]  }
0x2c: {  	s7 =	sld [smem:$0x3F5C]  }
0x2d: {  	s3 =	simm.s32 $0x108;
	s8 =	sld [smem:$0x3F5D]  }
0x2e: {  	s3 =	simm.s32 @!p0 $0x1082;
	s9 =	sld [smem:$0x3F5E]  }
0x2f: {  	lr =	sadd.s32 s0, s3;
	s0 =	sld [smem:$0x3F55]  }
0x30: {  	s3 =	sld [smem:$0x3F58]  }
0x31: {  	[smem:$0x3F61] =	sst s10  }
0x32: {  	s10 =	sld [smem:$0x3F5F];
	_ =	sdelay $0x3  }
0x33: {  	p0 =	seq.s32 s10, $0x1;
	s10 =	sld [smem:$0x3F61];
	_ =	sdelay $0x3  }
0x34: {  	[smem:$0x3F61] =	sst s10  }
0x35: {  	s10 =	sld [smem:$0x3F60];
	_ =	sdelay $0x3  }
0x36: {  	p1 =	seq.s32 s10, $0x1;
	s10 =	sld [smem:$0x3F61];
	_ =	sdelay $0x3  }
0x37: {  	[smem:$0x3F61] =	sst s10  }
0x38: {  	s10 =	sld [smem:$0x3F62]  }
0x39: {  	_ = 	snop;
	(pc) =	sbr.ind lr, $3  }
0x3a: {  	_ = 	snop  }
0x3b: {  	_ = 	snop  }
0x3c: {  	p2 =	seq.s32 s10, $0x1;
	s10 =	sld [smem:$0x3F61]  }
0x3d: {  	_ =	shalt  }
0x3e: {  	_ =	shalt  }
0x3f: {  	_ =	shalt  }
0x40: {  	_ =	shalt  }
0x41: {  	_ =	shalt  }
0x42: {  	_ =	shalt  }
0x43: {  	_ =	shalt  }
0x44: {  	_ =	shalt  }
0x45: {  	_ =	shalt  }
0x46: {  	_ =	shalt  }
0x47: {  	_ =	shalt  }
0x48: {  	_ =	shalt  }
0x49: {  	_ =	shalt  }
0x4a: {  	_ =	shalt  }
0x4b: {  	_ =	shalt  }
0x4c: {  	_ =	shalt  }
0x4d: {  	_ =	shalt  }
0x4e: {  	_ =	shalt  }
0x4f: {  	_ =	shalt  }
0x50: {  	_ =	shalt  }
0x51: {  	_ =	shalt  }
0x52: {  	_ =	shalt  }
0x53: {  	_ =	shalt  }
0x54: {  	_ =	shalt  }
0x55: {  	_ =	shalt  }
0x56: {  	_ =	shalt  }
0x57: {  	_ =	shalt  }
0x58: {  	_ =	shalt  }
0x59: {  	_ =	shalt  }
0x5a: {  	_ =	shalt  }
0x5b: {  	_ =	shalt  }
0x5c: {  	_ =	shalt  }
0x5d: {  	_ =	shalt  }
0x5e: {  	_ =	shalt  }
0x5f: {  	_ =	shalt  }
0x60: {  	_ =	shalt  }
0x61: {  	_ =	shalt  }
0x62: {  	_ =	shalt  }
0x63: {  	_ =	shalt  }
0x64: {  	_ =	shalt  }
0x65: {  	_ =	shalt  }
0x66: {  	_ =	shalt  }
0x67: {  	_ =	shalt  }
0x68: {  	_ =	shalt  }
0x69: {  	_ =	shalt  }
0x6a: {  	_ =	shalt  }
0x6b: {  	_ =	shalt  }
0x6c: {  	_ =	shalt  }
0x6d: {  	_ =	shalt  }
0x6e: {  	_ =	shalt  }
0x6f: {  	_ =	shalt  }
0x70: {  	_ =	shalt  }
0x71: {  	_ =	shalt  }
0x72: {  	_ =	shalt  }
0x73: {  	_ =	shalt  }
0x74: {  	_ =	shalt  }
0x75: {  	_ =	shalt  }
0x76: {  	_ =	shalt  }
0x77: {  	_ =	shalt  }
0x78: {  	_ =	shalt  }
0x79: {  	_ =	shalt  }
0x7a: {  	_ =	shalt  }
0x7b: {  	_ =	shalt  }
0x7c: {  	_ =	shalt  }
0x7d: {  	_ =	shalt  }
0x7e: {  	_ =	shalt  }
0x7f: {  	_ =	shalt  }
0x80: {  	_ =	shalt  }
0x81: {  	_ =	shalt  }
0x82: {  	_ =	shalt  }
0x83: {  	_ =	shalt  }
0x84: {  	_ =	shalt  }
0x85: {  	_ =	shalt  }
0x86: {  	_ =	shalt  }
0x87: {  	_ =	shalt  }
.Lfunc_end0:
.L_simem_size_0:
called_computation.1_lowered:
.L_overlay_start_0:
0x88: {  	s2 =	sld [smem:$0x3FD9]  }
0x89: {  	s3 =	sld [smem:$0x3FFE];
	_ =	sdelay $0x1  }
0x8a: {  	s1 =	srdreg.scid  }
0x8b: {  	s0 =	sand.u32 $0x1, s1  }
0x8c: {  	s17 =	sshll.u32 s0, $0xA;
	s2 =	sadd.s32 s3, s2  }
0x8d: {  	s2 =	sadd.s32 s2, s17  }
0x8e: {  	[smem:$0x3F6D] =	sst s2  }
0x8f: {  	_ = 	snop  }
0x90: {  	s2 =	sld [smem:$0x3FD0];
	(tm) =	ssettm $0x1  }
0x91: {  	s18 =	sld [smem:$0x3FFB];
	_ =	sdelay $0x3  }
0x92: {  	_ =	strace s18  }
0x93: {  	s3 =	sld [smem:$0x3FFC];
	_ =	sdelay $0x3  }
0x94: {  	_ =	strace s3  }
0x95: {  	s3 =	sld [smem:$0x3FFD];
	_ =	sdelay $0x3  }
0x96: {  	_ =	strace s3  }
0x97: {  	_ =	strace $0x8FFFFFFF  }
0x98: {  	s19 =	sld [smem:$0x3FDB];
	_ =	sdelay $0x1  }
0x99: {  	s4 =	simm.s32 $_scs_section_size  }
0x9a: {  	s5 =	simm.s32 $_size__tile_overlayer_lowered;
	s6 =	simm.s32 $_tile_overlayer_lowered  }
0x9b: {  	s22 =	simm.s32 $0x1BFF;
	s21 =	sshll.u32 s6, $0x1;
	s3 =	sadd.s32 s4, s19  }
0x9c: {  	s7 =	simm.s32 $0x0;
	s20 =	sshll.u32 s5, $0x1;
	s5 =	sadd.s32 s21, s3  }
0x9d: {  	[timem:s7], [sflag:s22] =	dma.local [hbm:s5], s20  }
0x9e: {  	_ =	swait.ge [sflag:s22], s20  }
0x9f: {  	s4 =	ssub.s32 $0x0, s20;
	[sflag:s22] =	ssyncset.done $0x0  }
0xa0: {  	[sflag:s22] =	ssyncadd.s32 s4;
	_ =	sdelay $0x1  }
0xa1: {  	s23 =	simm.s32 $0x1B8B  }
0xa2: {  	_ =	swait.ge [sflag:s23], $0x1  }
0xa3: {  	[sflag:s23] =	ssyncset.done $0x0  }
0xa4: {  	s25 =	simm.s32 $0x1B8E;
	s24 =	sld [smem:$0x3FFE];
	[sflag:s23] =	ssyncadd.s32 $0xFFFFFFFF  }
0xa5: {  	s26 =	simm.s32 $execute0_lowered;
	[smem:$0x3FD2] =	sst s25  }
0xa6: {  	s5 =	sshll.u32 s26, $0x1;
	_ =	strace $0x80000049;
	[dreg:$0x1] =	wrdreg $0xFFFFFFFF  }
0xa7: {  	s28 =	simm.s32 $_size_execute0_lowered;
	s3 =	sadd.s32 s3, s5;
	[dreg:$0x0] =	wrdreg $0x0  }
0xa8: {  	s5 =	sshll.u32 s28, $0x1;
	[dreg:$0x2] =	wrdreg s3  }
0xa9: {  	[dreg:$0x3] =	wrdreg s5  }
0xaa: {  	[dreg:$0x4] =	wrdreg $0xC0  }
0xab: {  	_ =	task [dreg:s7], $0x5FFFF  }
0xac: {  	[dreg:$0x1] =	wrdreg $0xFFFFFFFF  }
0xad: {  	[dreg:$0x0] =	wrdreg $0x60  }
0xae: {  	[dreg:$0x2] =	wrdreg s24  }
0xaf: {  	[dreg:$0x3] =	wrdreg s2  }
0xb0: {  	[dreg:$0x4] =	wrdreg $0x9  }
0xb1: {  	_ =	task.clear_ibuf [dreg:s7], $0x5FFFF;
	_ =	strace $0x90000049  }
0xb2: {  	s29 =	simm.s32 $0x9;
	_ =	strace $0x8000004B  }
0xb3: {  	_ =	swait.ge [sflag:s29], $0x1  }
0xb4: {  	[sflag:s29] =	ssyncadd.s32 $0xFFFFFFFF  }
0xb5: {  	_ =	strace $0x9000004B  }
0xb6: {  	_ =	sfence  }
0xb7: {  	s30 =	sld [smem:$0x0];
	_ =	sdelay $0x2  }
0xb8: {  	s31 =	sshll.u32 s1, $0xD;
	s1 =	sshrl.u32 s1, $0x2  }
0xb9: {  	s3 =	sand.u32 $0x4000, s31;
	s1 =	sadd.s32 s1, s30  }
0xba: {  	s0 =	sor.u32 s3, s0;
	s1 =	sshll.u32 s1, $0x11  }
0xbb: {  	s0 =	sor.u32 s1, s0  }
0xbc: {  	s0 =	sadd.s32 $0x8F2B, s0  }
0xbd: {  	[sflag:s0] =	ssyncadd.remote.s32 $0x1  }
0xbe: {  	_ =	sfence.sel $0xFFFF  }
0xbf: {  	[dreg:$0x0] =	wrdreg $0xFFFFFFFF;
	(pc) =	sbr.abs _section_cstart, $3  }
0xc0: {  	[dreg:$0x1] =	wrdreg $0xFFFFFFFF  }
0xc1: {  	_ =	task.clear_ibuf [dreg:s7], $0x2FFFF;
	_ =	strace $0x9FFFFFFF  }
0xc2: {  	(tm) =	ssettm $0x7FFFFFFF  }
0xc3: {  	_ =	shalt  }
tec
execute0_lowered:
.L_overlay_start_1:
0x0: {  	(tag) =	ssettag $0x1  }
0x1: {  	s4 =	rddreg [dreg:$0x0]  }
0x2: {  	s5 =	rddreg [dreg:$0x1]  }
0x3: {  	s0 =	rddreg [dreg:$0x2];
	s2 =	simm.s32 $0x0  }
0x4: {  	s1 =	stileid.u32;
	s3 =	srdreg.scid;
	s11 =	simm.s32 $0x0  }
0x5: {  	[smem:$0x7FF] =	sst s2;
	s6 =	sshll.u32 s1, $0xE;
	s7 =	sand.u32 $0x1, s3  }
0x6: {  	s3 =	sadd.s32 $0x9A800, s4;
	s9 =	sshll.u32 s1, $0xA;
	_ =	strace $0x8000004A  }
0x7: {  	s6 =	sadd.s32 s6, s4;
	s30 =	ssub.s32 $0x2, s7;
	s10 =	sshll.u32 s7, $0x9  }
0x8: {  	s7 =	sshll.u32 s7, $0xD;
	s8 =	sshrl.u32 s30, $0x1;
	s31 =	sor.u32 s10, s9  }
0x9: {  	s6 =	sadd.s32 s7, s6;
	s7 =	simm.s32 $0x2;
	s9 =	simm.s32 $0x1000  }
0xa: {  	s10 =	simm.s32 $0x1;
	s8 =	ssub.s32 s30, s8;
	s4 =	sadd.s32 s5, s31  }
0xb: {  	s6 =	sadd.s32 $0xAA800, s6;
	s5 =	smax.u32 s8, $0x1;
	s8 =	simm.s32 $0x80  }
.LBB2_1:
0xc: {  	[tilespmem:s2], [sflag:$0x2] =	stream.linear.gather [hbm4b:s4+s2], $0x1000, $0x38;
	[tilespmem:$0x1800] =	vst v63  }
0xd: {  	_ =	swait.ge [sflag:s7], $0x1000  }
0xe: {  	[sflag:s7] =	ssyncset.done $0x0  }
0xf: {  	[sflag:s7] =	ssyncadd.s32 $0xFFFFF000  }
0x10: {  	[tilespmem:s9], [sflag:$0x1] =	stream.indirect.gather [hbm4b:s3+s8], $0x10, s2, s8, $0xb8;
	[tilespmem:$0x1800] =	vst v63  }
0x11: {  	_ =	swait.ge [sflag:s10], $0x800  }
0x12: {  	[sflag:s10] =	ssyncset.done $0x0  }
0x13: {  	s12 =	sadd.s32 $0x0, s6;
	[sflag:s10] =	ssyncadd.s32 $0xFFFFF800  }
0x14: {  	[hbm4b:s12+s2] =	stream.linear.scatter [tilespmem:s9], [sflag:$0x2], $0x800, $0x38;
	[tilespmem:$0x1800] =	vst v63  }
0x15: {  	_ =	swait.ge [sflag:s7], $0x800  }
0x16: {  	s13 =	simm.s32 $0x0;
	s12 =	simm.s32 $0x100;
	[sflag:s7] =	ssyncset.done $0x0  }
.LBB2_2:
0x17: {  	p0 =	sne.s32 s12, $0x1F00;
	[sflag:s7] =	ssyncadd.s32 $0xFFFFF800;
	s13 =	sadd.s32 $0x80, s13  }
0x18: {  	[tilespmem:s9], [sflag:$0x1] =	stream.indirect.gather [hbm4b:s3+s8], $0x10, s13, s8, $0xb8;
	[tilespmem:$0x1800] =	vst v63  }
0x19: {  	s14 =	smov.u32 s12;
	s12 =	sadd.s32 $0x100, s12;
	_ =	swait.ge [sflag:s10], $0x800  }
.Ltmp0:
0x1a: {  	[sflag:s10] =	ssyncset.done $0x0;
	(pc) =	sbr.rel @p0 .LBB2_2-.Ltmp0, $4  }
0x1b: {  	s14 =	sadd.s32 s14, s6;
	[sflag:s10] =	ssyncadd.s32 $0xFFFFF800  }
0x1c: {  	[hbm4b:s14+s2] =	stream.linear.scatter [tilespmem:s9], [sflag:$0x2], $0x800, $0x38;
	[tilespmem:$0x1800] =	vst v63  }
0x1d: {  	_ =	swait.ge [sflag:s7], $0x800  }
0x1e: {  	[sflag:s7] =	ssyncset.done $0x0  }
0x1f: {  	s11 =	sadd.s32 $0x1, s11  }
0x20: {  	p0 =	sne.s32 s11, s5  }
.Ltmp1:
0x21: {  	_ = 	snop;
	(pc) =	sbr.rel @p0 .LBB2_1-.Ltmp1, $2  }
0x22: {  	_ =	sdelay $0x2  }
0x23: {  	[sflag:s7] =	ssyncadd.s32 $0xFFFFF800  }
0x24: {  	_ =	sfence.sel $0x180000  }
0x25: {  	[bflag:$0x0] =	sbarrier.arrive $0xFFFF  }
0x26: {  	p0 =	sne.s32 s1, $0x0;
	_ =	strace $0x9000004A  }
0x27: {  	s0 =	sadd.s32 @!p0 $0x100000, s0;
	[bflag:$0x2] =	sbarrier.arrive $0xFFFF  }
0x28: {  	[sflag:s0] =	ssyncadd.tile.s32 @!p0 $0x1;
	_ =	shalt  }
.Lfunc_end2:
_tile_overlayer_lowered:
.L_overlay_start_2:
0x29: {  	(tag) =	ssettag $0x2  }
0x2a: {  	s0 =	rddreg [dreg:$0x0];
	s2 =	stileid.u32  }
0x2b: {  	s1 =	rddreg [dreg:$0x1];
	p0 =	sne.s32 s2, $0x0  }
0x2c: {  	s3 =	rddreg [dreg:$0x2];
	[bflag:$0x3] =	sbarrier.arrive $0xFFFF;
	s2 =	simm.s32 @!p0 $0x1C02  }
0x2d: {  	[timem:s3], [sflag:s2] =	dma.local @!p0 [hbm:s0], s1  }
0x2e: {  	s0 =	simm.s32 @!p0 $0x2  }
0x2f: {  	_ =	swait.ge @!p0 [sflag:s0], s1  }
0x30: {  	s1 =	ssub.s32 @!p0 $0x0, s1;
	[sflag:s0] =	ssyncset.done @!p0 $0x0  }
0x31: {  	[sflag:s0] =	ssyncadd.s32 @!p0 s1  }
0x32: {  	[bflag:$0x3] =	sbarrier.arrive $0xFFFF  }
0x33: {  	_ =	shalt  }

// kernel: kernel.22.cloned.1.call-start
scs
__scs_entry_jumppad:
0x0: {  	(pc) =	sbr.rel $0x88, $3  }
0x1: {  	(tag) =	ssettag $0x0;
	lr =	simm.s32 $0x1  }
0x2: {  	[smem:$0x3F46] =	sst lr;
	_ =	strace $0xD0000000  }
0x3: {  	_ = 	snop  }
0x4: {  	_ = 	snop  }
0x5: {  	_ = 	snop  }
0x6: {  	_ = 	snop  }
0x7: {  	_ = 	snop  }
__scs_overlays_trampoline_lowered:
0x8: {  	[smem:$0x3F55] =	sst s0  }
0x9: {  	[smem:$0x3F56] =	sst s1  }
0xa: {  	[smem:$0x3F57] =	sst s2  }
0xb: {  	[smem:$0x3F58] =	sst s3  }
0xc: {  	[smem:$0x3F59] =	sst s4  }
0xd: {  	[smem:$0x3F5A] =	sst s5  }
0xe: {  	[smem:$0x3F5B] =	sst s6  }
0xf: {  	[smem:$0x3F5C] =	sst s7  }
0x10: {  	[smem:$0x3F5D] =	sst s8  }
0x11: {  	[smem:$0x3F5E] =	sst s9;
	s0 =	simm.s32 @!p0 $0x0  }
0x12: {  	s1 =	sld [smem:$0x3F44];
	s0 =	simm.s32 @p0 $0x1  }
0x13: {  	[smem:$0x3F5F] =	sst s0;
	s0 =	simm.s32 @!p1 $0x0  }
0x14: {  	s2 =	sld [smem:$0x3F43];
	s0 =	simm.s32 @p1 $0x1  }
0x15: {  	[smem:$0x3F60] =	sst s0;
	s0 =	simm.s32 @!p2 $0x0  }
0x16: {  	s3 =	sld [smem:$0x3FDB];
	s0 =	simm.s32 @p2 $0x1  }
0x17: {  	s4 =	simm.s32 $0x1BF5;
	[smem:$0x3F62] =	sst s0  }
0x18: {  	s0 =	sld [smem:$0x3F45];
	_ =	swait.ge [sflag:s4], $0x0  }
0x19: {  	s7 =	sld [smem:$0x3F46]  }
0x1a: {  	s8 =	sadd.s32 $0xFFFFE003, lr  }
0x1b: {  	s9 =	sadd.s32 $0xFFFFFEF7, lr;
	s5 =	simm.s32 $0xFFFFFFFF;
	p2 =	slt.u32 s8, $0xFFFFF086  }
0x1c: {  	p1 =	slt.u32 s9, $0xF7A;
	s5 =	simm.s32 @!p2 $0x0  }
0x1d: {  	s5 =	simm.s32 @p1 $0x1;
	p0 =	seq.s32 s7, s2  }
0x1e: {  	s7 =	smul.u32 @!p0 $0xF7A, s2;
	p2 =	seq.s32 @!p0 s5, $0x0  }
0x1f: {  	s9 =	smul.u32 $0xF7A, s1;
	s8 =	simm.s32 @!p0 $0x1BF5;
	p2 =	por !p2, p0  }
0x20: {  	[sflag:s8] =	ssyncset.s32 @!p0 $0xFFFFF086;
	s6 =	sadd.s32 @!p0 s3, s7;
	s7 =	simm.s32 @!p0 $0x108  }
0x21: {  	s3 =	sadd.s32 s3, s9;
	s6 =	sadd.s32 @!p0 $0x88, s6;
	s7 =	simm.s32 @p2 $0x1082  }
0x22: {  	[simem:s7], [sflag:s8] =	dma.local @!p0 [hbm:s6], $0xF7A  }
0x23: {  	s9 =	sor.u32 $0xD0000000, s2;
	s6 =	simm.s32 $0x108;
	_ =	swait.ge @!p0 [sflag:s8], $0x0  }
0x24: {  	s3 =	sadd.s32 $0x88, s3;
	s6 =	simm.s32 @!p1 $0x1082;
	[sflag:s4] =	ssyncset.s32 $0xFFFFF086  }
0x25: {  	[simem:s6], [sflag:s4] =	dma.local [hbm:s3], $0xF7A  }
0x26: {  	[smem:$0x3F46] =	sst s1;
	(tag) =	ssettag s2;
	_ =	strace s9  }
0x27: {  	s1 =	sld [smem:$0x3F56]  }
0x28: {  	s2 =	sld [smem:$0x3F57]  }
0x29: {  	s4 =	sld [smem:$0x3F59]  }
0x2a: {  	p0 =	seq.s32 s5, $0x0;
	s5 =	sld [smem:$0x3F5A]  }
0x2b: {  	s6 =	sld [smem:$0x3F5B]  }
0x2c: {  	s7 =	sld [smem:$0x3F5C]  }
0x2d: {  	s3 =	simm.s32 $0x108;
	s8 =	sld [smem:$0x3F5D]  }
0x2e: {  	s3 =	simm.s32 @!p0 $0x1082;
	s9 =	sld [smem:$0x3F5E]  }
0x2f: {  	lr =	sadd.s32 s0, s3;
	s0 =	sld [smem:$0x3F55]  }
0x30: {  	s3 =	sld [smem:$0x3F58]  }
0x31: {  	[smem:$0x3F61] =	sst s10  }
0x32: {  	s10 =	sld [smem:$0x3F5F];
	_ =	sdelay $0x3  }
0x33: {  	p0 =	seq.s32 s10, $0x1;
	s10 =	sld [smem:$0x3F61];
	_ =	sdelay $0x3  }
0x34: {  	[smem:$0x3F61] =	sst s10  }
0x35: {  	s10 =	sld [smem:$0x3F60];
	_ =	sdelay $0x3  }
0x36: {  	p1 =	seq.s32 s10, $0x1;
	s10 =	sld [smem:$0x3F61];
	_ =	sdelay $0x3  }
0x37: {  	[smem:$0x3F61] =	sst s10  }
0x38: {  	s10 =	sld [smem:$0x3F62]  }
0x39: {  	_ = 	snop;
	(pc) =	sbr.ind lr, $3  }
0x3a: {  	_ = 	snop  }
0x3b: {  	_ = 	snop  }
0x3c: {  	p2 =	seq.s32 s10, $0x1;
	s10 =	sld [smem:$0x3F61]  }
0x3d: {  	_ =	shalt  }
0x3e: {  	_ =	shalt  }
0x3f: {  	_ =	shalt  }
0x40: {  	_ =	shalt  }
0x41: {  	_ =	shalt  }
0x42: {  	_ =	shalt  }
0x43: {  	_ =	shalt  }
0x44: {  	_ =	shalt  }
0x45: {  	_ =	shalt  }
0x46: {  	_ =	shalt  }
0x47: {  	_ =	shalt  }
0x48: {  	_ =	shalt  }
0x49: {  	_ =	shalt  }
0x4a: {  	_ =	shalt  }
0x4b: {  	_ =	shalt  }
0x4c: {  	_ =	shalt  }
0x4d: {  	_ =	shalt  }
0x4e: {  	_ =	shalt  }
0x4f: {  	_ =	shalt  }
0x50: {  	_ =	shalt  }
0x51: {  	_ =	shalt  }
0x52: {  	_ =	shalt  }
0x53: {  	_ =	shalt  }
0x54: {  	_ =	shalt  }
0x55: {  	_ =	shalt  }
0x56: {  	_ =	shalt  }
0x57: {  	_ =	shalt  }
0x58: {  	_ =	shalt  }
0x59: {  	_ =	shalt  }
0x5a: {  	_ =	shalt  }
0x5b: {  	_ =	shalt  }
0x5c: {  	_ =	shalt  }
0x5d: {  	_ =	shalt  }
0x5e: {  	_ =	shalt  }
0x5f: {  	_ =	shalt  }
0x60: {  	_ =	shalt  }
0x61: {  	_ =	shalt  }
0x62: {  	_ =	shalt  }
0x63: {  	_ =	shalt  }
0x64: {  	_ =	shalt  }
0x65: {  	_ =	shalt  }
0x66: {  	_ =	shalt  }
0x67: {  	_ =	shalt  }
0x68: {  	_ =	shalt  }
0x69: {  	_ =	shalt  }
0x6a: {  	_ =	shalt  }
0x6b: {  	_ =	shalt  }
0x6c: {  	_ =	shalt  }
0x6d: {  	_ =	shalt  }
0x6e: {  	_ =	shalt  }
0x6f: {  	_ =	shalt  }
0x70: {  	_ =	shalt  }
0x71: {  	_ =	shalt  }
0x72: {  	_ =	shalt  }
0x73: {  	_ =	shalt  }
0x74: {  	_ =	shalt  }
0x75: {  	_ =	shalt  }
0x76: {  	_ =	shalt  }
0x77: {  	_ =	shalt  }
0x78: {  	_ =	shalt  }
0x79: {  	_ =	shalt  }
0x7a: {  	_ =	shalt  }
0x7b: {  	_ =	shalt  }
0x7c: {  	_ =	shalt  }
0x7d: {  	_ =	shalt  }
0x7e: {  	_ =	shalt  }
0x7f: {  	_ =	shalt  }
0x80: {  	_ =	shalt  }
0x81: {  	_ =	shalt  }
0x82: {  	_ =	shalt  }
0x83: {  	_ =	shalt  }
0x84: {  	_ =	shalt  }
0x85: {  	_ =	shalt  }
0x86: {  	_ =	shalt  }
0x87: {  	_ =	shalt  }
.Lfunc_end0:
.L_simem_size_0:
called_computation.2_lowered:
.L_overlay_start_0:
0x88: {  	s2 =	sld [smem:$0x3FD9]  }
0x89: {  	s3 =	sld [smem:$0x3FFE];
	_ =	sdelay $0x1  }
0x8a: {  	s1 =	srdreg.scid  }
0x8b: {  	s0 =	sand.u32 $0x1, s1  }
0x8c: {  	s17 =	sshll.u32 s0, $0xA;
	s2 =	sadd.s32 s3, s2  }
0x8d: {  	s2 =	sadd.s32 s2, s17  }
0x8e: {  	[smem:$0x3F6D] =	sst s2  }
0x8f: {  	_ = 	snop  }
0x90: {  	s2 =	sld [smem:$0x3FD0];
	(tm) =	ssettm $0x1  }
0x91: {  	s18 =	sld [smem:$0x3FFB];
	_ =	sdelay $0x3  }
0x92: {  	_ =	strace s18  }
0x93: {  	s3 =	sld [smem:$0x3FFC];
	_ =	sdelay $0x3  }
0x94: {  	_ =	strace s3  }
0x95: {  	s3 =	sld [smem:$0x3FFD];
	_ =	sdelay $0x3  }
0x96: {  	_ =	strace s3  }
0x97: {  	_ =	strace $0x8FFFFFFF  }
0x98: {  	s19 =	sld [smem:$0x3FDB];
	_ =	sdelay $0x1  }
0x99: {  	s4 =	simm.s32 $_scs_section_size  }
0x9a: {  	s5 =	simm.s32 $_size__tile_overlayer_lowered;
	s6 =	simm.s32 $_tile_overlayer_lowered  }
0x9b: {  	s22 =	simm.s32 $0x1BFF;
	s21 =	sshll.u32 s6, $0x1;
	s3 =	sadd.s32 s4, s19  }
0x9c: {  	s7 =	simm.s32 $0x0;
	s20 =	sshll.u32 s5, $0x1;
	s5 =	sadd.s32 s21, s3  }
0x9d: {  	[timem:s7], [sflag:s22] =	dma.local [hbm:s5], s20  }
0x9e: {  	_ =	swait.ge [sflag:s22], s20  }
0x9f: {  	s4 =	ssub.s32 $0x0, s20;
	[sflag:s22] =	ssyncset.done $0x0  }
0xa0: {  	[sflag:s22] =	ssyncadd.s32 s4;
	_ =	sdelay $0x1  }
0xa1: {  	s23 =	simm.s32 $0x1B8B  }
0xa2: {  	_ =	swait.ge [sflag:s23], $0x1  }
0xa3: {  	[sflag:s23] =	ssyncset.done $0x0  }
0xa4: {  	s25 =	simm.s32 $0x1B8E;
	s24 =	sld [smem:$0x3FFE];
	[sflag:s23] =	ssyncadd.s32 $0xFFFFFFFF  }
0xa5: {  	s26 =	simm.s32 $execute0_lowered;
	[smem:$0x3FD2] =	sst s25  }
0xa6: {  	s5 =	sshll.u32 s26, $0x1;
	_ =	strace $0x8000004C;
	[dreg:$0x1] =	wrdreg $0xFFFFFFFF  }
0xa7: {  	s28 =	simm.s32 $_size_execute0_lowered;
	s3 =	sadd.s32 s3, s5;
	[dreg:$0x0] =	wrdreg $0x0  }
0xa8: {  	s5 =	sshll.u32 s28, $0x1;
	[dreg:$0x2] =	wrdreg s3  }
0xa9: {  	[dreg:$0x3] =	wrdreg s5  }
0xaa: {  	[dreg:$0x4] =	wrdreg $0xC0  }
0xab: {  	_ =	task [dreg:s7], $0x5FFFF  }
0xac: {  	[dreg:$0x1] =	wrdreg $0xFFFFFFFF  }
0xad: {  	[dreg:$0x0] =	wrdreg $0x60  }
0xae: {  	[dreg:$0x2] =	wrdreg s2  }
0xaf: {  	[dreg:$0x3] =	wrdreg s24  }
0xb0: {  	[dreg:$0x4] =	wrdreg $0x9  }
0xb1: {  	_ =	task.clear_ibuf [dreg:s7], $0x5FFFF;
	_ =	strace $0x9000004C  }
0xb2: {  	s29 =	simm.s32 $0x9;
	_ =	strace $0x8000004E  }
0xb3: {  	_ =	swait.ge [sflag:s29], $0x1  }
0xb4: {  	[sflag:s29] =	ssyncadd.s32 $0xFFFFFFFF  }
0xb5: {  	_ =	strace $0x9000004E  }
0xb6: {  	_ =	sfence  }
0xb7: {  	s30 =	sld [smem:$0x0];
	_ =	sdelay $0x2  }
0xb8: {  	s31 =	sshll.u32 s1, $0xD;
	s1 =	sshrl.u32 s1, $0x2  }
0xb9: {  	s3 =	sand.u32 $0x4000, s31;
	s1 =	sadd.s32 s1, s30  }
0xba: {  	s0 =	sor.u32 s3, s0;
	s1 =	sshll.u32 s1, $0x11  }
0xbb: {  	s0 =	sor.u32 s1, s0  }
0xbc: {  	s0 =	sadd.s32 $0x8F2B, s0  }
0xbd: {  	[sflag:s0] =	ssyncadd.remote.s32 $0x1  }
0xbe: {  	_ =	sfence.sel $0xFFFF  }
0xbf: {  	[dreg:$0x0] =	wrdreg $0xFFFFFFFF;
	(pc) =	sbr.abs _section_cstart, $3  }
0xc0: {  	[dreg:$0x1] =	wrdreg $0xFFFFFFFF  }
0xc1: {  	_ =	task.clear_ibuf [dreg:s7], $0x2FFFF;
	_ =	strace $0x9FFFFFFF  }
0xc2: {  	(tm) =	ssettm $0x7FFFFFFF  }
0xc3: {  	_ =	shalt  }
tec
execute0_lowered:
.L_overlay_start_1:
0x0: {  	(tag) =	ssettag $0x1  }
0x1: {  	s1 =	srdreg.scid  }
0x2: {  	s0 =	stileid.u32;
	s21 =	sand.u32 $0x1, s1  }
0x3: {  	s2 =	rddreg [dreg:$0x0];
	s31 =	sshll.u32 s0, $0x4;
	s3 =	sshll.u32 s21, $0x3  }
0x4: {  	s9 =	rddreg [dreg:$0x1];
	s6 =	sor.u32 s3, s31  }
0x5: {  	s1 =	rddreg [dreg:$0x2];
	s3 =	simm.s32 $0x0;
	s4 =	sshll.u32 s6, $0x4  }
0x6: {  	[smem:$0x7FF] =	sst s3;
	s4 =	sadd.s32 s4, s9  }
0x7: {  	_ =	strace $0x8000004D;
	s5 =	sadd.s32 $0x8A800, s4;
	s4 =	simm.s32 $0x2  }
0x8: {  	[tilespmem:s3], [sflag:$0x2] =	stream.linear.gather [hbm4b:s5+s3], $0x400, $0x38;
	[tilespmem:$0x2C00] =	vst v63  }
0x9: {  	_ =	swait.ge [sflag:s4], $0x400  }
0xa: {  	s7 =	simm.s32 $0x400;
	s8 =	simm.s32 $0x1;
	[sflag:s4] =	ssyncset.done $0x0  }
0xb: {  	s10 =	smul.u32 $0x500, s6;
	s6 =	simm.s32 $0x80;
	[sflag:s4] =	ssyncadd.s32 $0xFFFFFC00  }
0xc: {  	[tilespmem:s7], [sflag:$0x1] =	stream.indirect.gather [hbm4b:s2+s6], $0x50, s3, s6, $0xb8;
	[tilespmem:$0x2C00] =	vst v63  }
0xd: {  	_ =	swait.ge [sflag:s8], $0x2800  }
0xe: {  	s22 =	sadd.s32 s10, s9;
	[sflag:s8] =	ssyncset.done $0x0  }
0xf: {  	s9 =	sadd.s32 $0x8B800, s22;
	[sflag:s8] =	ssyncadd.s32 $0xFFFFD800  }
0x10: {  	[hbm4b:s9+s3] =	stream.linear.scatter [tilespmem:s7], [sflag:$0x2], $0x2800, $0x38;
	[tilespmem:$0x2C00] =	vst v63  }
0x11: {  	_ =	swait.ge [sflag:s4], $0x2800  }
0x12: {  	[sflag:s4] =	ssyncset.done $0x0  }
0x13: {  	[sflag:s4] =	ssyncadd.s32 $0xFFFFD800  }
0x14: {  	[tilespmem:s7], [sflag:$0x1] =	stream.indirect.gather [hbm4b:s2+s6], $0x50, s6, s6, $0xb8;
	[tilespmem:$0x2C00] =	vst v63  }
0x15: {  	_ =	swait.ge [sflag:s8], $0x2800  }
0x16: {  	[sflag:s8] =	ssyncset.done $0x0  }
0x17: {  	s10 =	sadd.s32 $0x8BD00, s22;
	[sflag:s8] =	ssyncadd.s32 $0xFFFFD800  }
0x18: {  	[hbm4b:s10+s3] =	stream.linear.scatter [tilespmem:s7], [sflag:$0x2], $0x2800, $0x38;
	[tilespmem:$0x2C00] =	vst v63  }
0x19: {  	_ =	swait.ge [sflag:s4], $0x2800  }
0x1a: {  	[sflag:s4] =	ssyncset.done $0x0  }
0x1b: {  	s11 =	simm.s32 $0x100;
	[sflag:s4] =	ssyncadd.s32 $0xFFFFD800  }
0x1c: {  	[tilespmem:s7], [sflag:$0x1] =	stream.indirect.gather [hbm4b:s2+s6], $0x50, s11, s6, $0xb8;
	[tilespmem:$0x2C00] =	vst v63  }
0x1d: {  	_ =	swait.ge [sflag:s8], $0x2800  }
0x1e: {  	[sflag:s8] =	ssyncset.done $0x0  }
0x1f: {  	s12 =	sadd.s32 $0x8C200, s22;
	[sflag:s8] =	ssyncadd.s32 $0xFFFFD800  }
0x20: {  	[hbm4b:s12+s3] =	stream.linear.scatter [tilespmem:s7], [sflag:$0x2], $0x2800, $0x38;
	[tilespmem:$0x2C00] =	vst v63  }
0x21: {  	_ =	swait.ge [sflag:s4], $0x2800  }
0x22: {  	[sflag:s4] =	ssyncset.done $0x0  }
0x23: {  	s13 =	simm.s32 $0x180;
	[sflag:s4] =	ssyncadd.s32 $0xFFFFD800  }
0x24: {  	[tilespmem:s7], [sflag:$0x1] =	stream.indirect.gather [hbm4b:s2+s6], $0x50, s13, s6, $0xb8;
	[tilespmem:$0x2C00] =	vst v63  }
0x25: {  	_ =	swait.ge [sflag:s8], $0x2800  }
0x26: {  	[sflag:s8] =	ssyncset.done $0x0  }
0x27: {  	s14 =	sadd.s32 $0x8C700, s22;
	[sflag:s8] =	ssyncadd.s32 $0xFFFFD800  }
0x28: {  	[hbm4b:s14+s3] =	stream.linear.scatter [tilespmem:s7], [sflag:$0x2], $0x2800, $0x38;
	[tilespmem:$0x2C00] =	vst v63  }
0x29: {  	_ =	swait.ge [sflag:s4], $0x2800  }
0x2a: {  	[sflag:s4] =	ssyncset.done $0x0  }
0x2b: {  	s15 =	simm.s32 $0x200;
	[sflag:s4] =	ssyncadd.s32 $0xFFFFD800  }
0x2c: {  	[tilespmem:s7], [sflag:$0x1] =	stream.indirect.gather [hbm4b:s2+s6], $0x50, s15, s6, $0xb8;
	[tilespmem:$0x2C00] =	vst v63  }
0x2d: {  	_ =	swait.ge [sflag:s8], $0x2800  }
0x2e: {  	[sflag:s8] =	ssyncset.done $0x0  }
0x2f: {  	s16 =	sadd.s32 $0x8CC00, s22;
	[sflag:s8] =	ssyncadd.s32 $0xFFFFD800  }
0x30: {  	[hbm4b:s16+s3] =	stream.linear.scatter [tilespmem:s7], [sflag:$0x2], $0x2800, $0x38;
	[tilespmem:$0x2C00] =	vst v63  }
0x31: {  	_ =	swait.ge [sflag:s4], $0x2800  }
0x32: {  	[sflag:s4] =	ssyncset.done $0x0  }
0x33: {  	s17 =	simm.s32 $0x280;
	[sflag:s4] =	ssyncadd.s32 $0xFFFFD800  }
0x34: {  	[tilespmem:s7], [sflag:$0x1] =	stream.indirect.gather [hbm4b:s2+s6], $0x50, s17, s6, $0xb8;
	[tilespmem:$0x2C00] =	vst v63  }
0x35: {  	_ =	swait.ge [sflag:s8], $0x2800  }
0x36: {  	[sflag:s8] =	ssyncset.done $0x0  }
0x37: {  	s18 =	sadd.s32 $0x8D100, s22;
	[sflag:s8] =	ssyncadd.s32 $0xFFFFD800  }
0x38: {  	[hbm4b:s18+s3] =	stream.linear.scatter [tilespmem:s7], [sflag:$0x2], $0x2800, $0x38;
	[tilespmem:$0x2C00] =	vst v63  }
0x39: {  	_ =	swait.ge [sflag:s4], $0x2800  }
0x3a: {  	[sflag:s4] =	ssyncset.done $0x0  }
0x3b: {  	s19 =	simm.s32 $0x300;
	[sflag:s4] =	ssyncadd.s32 $0xFFFFD800  }
0x3c: {  	[tilespmem:s7], [sflag:$0x1] =	stream.indirect.gather [hbm4b:s2+s6], $0x50, s19, s6, $0xb8;
	[tilespmem:$0x2C00] =	vst v63  }
0x3d: {  	_ =	swait.ge [sflag:s8], $0x2800  }
0x3e: {  	[sflag:s8] =	ssyncset.done $0x0  }
0x3f: {  	s23 =	ssub.s32 $0x2, s21;
	s20 =	sadd.s32 $0x8D600, s22;
	[sflag:s8] =	ssyncadd.s32 $0xFFFFD800  }
0x40: {  	[hbm4b:s20+s3] =	stream.linear.scatter [tilespmem:s7], [sflag:$0x2], $0x2800, $0x38;
	[tilespmem:$0x2C00] =	vst v63  }
0x41: {  	s24 =	sshrl.u32 s23, $0x1;
	_ =	swait.ge [sflag:s4], $0x2800  }
0x42: {  	s23 =	ssub.s32 s23, s24;
	[sflag:s4] =	ssyncset.done $0x0  }
0x43: {  	s21 =	simm.s32 $0x380;
	s23 =	smax.u32 s23, $0x1;
	[sflag:s4] =	ssyncadd.s32 $0xFFFFD800  }
0x44: {  	[tilespmem:s7], [sflag:$0x1] =	stream.indirect.gather [hbm4b:s2+s6], $0x50, s21, s6, $0xb8;
	[tilespmem:$0x2C00] =	vst v63  }
0x45: {  	p0 =	sne.s32 s23, $0x1;
	_ =	swait.ge [sflag:s8], $0x2800  }
.Ltmp0:
0x46: {  	[sflag:s8] =	ssyncset.done $0x0;
	(pc) =	sbr.rel @!p0 .LBB2_2-.Ltmp0, $4  }
0x47: {  	s22 =	sadd.s32 $0x8DB00, s22;
	[sflag:s8] =	ssyncadd.s32 $0xFFFFD800  }
0x48: {  	[hbm4b:s22+s3] =	stream.linear.scatter [tilespmem:s7], [sflag:$0x2], $0x2800, $0x38;
	[tilespmem:$0x2C00] =	vst v63  }
0x49: {  	_ =	swait.ge [sflag:s4], $0x2800  }
0x4a: {  	s23 =	sadd.s32 $0xFFFFFFFF, s23;
	[sflag:s4] =	ssyncset.done $0x0  }
.LBB2_1:
0x4b: {  	p0 =	sne.s32 s23, $0x1;
	s23 =	sadd.s32 $0xFFFFFFFF, s23;
	[sflag:s4] =	ssyncadd.s32 $0xFFFFD800  }
0x4c: {  	[tilespmem:s3], [sflag:$0x2] =	stream.linear.gather [hbm4b:s5+s3], $0x400, $0x38;
	[tilespmem:$0x2C00] =	vst v63  }
0x4d: {  	_ =	swait.ge [sflag:s4], $0x400  }
0x4e: {  	[sflag:s4] =	ssyncset.done $0x0  }
0x4f: {  	[sflag:s4] =	ssyncadd.s32 $0xFFFFFC00  }
0x50: {  	[tilespmem:s7], [sflag:$0x1] =	stream.indirect.gather [hbm4b:s2+s6], $0x50, s3, s6, $0xb8;
	[tilespmem:$0x2C00] =	vst v63  }
0x51: {  	_ =	swait.ge [sflag:s8], $0x2800  }
0x52: {  	[sflag:s8] =	ssyncset.done $0x0  }
0x53: {  	[sflag:s8] =	ssyncadd.s32 $0xFFFFD800  }
0x54: {  	[hbm4b:s9+s3] =	stream.linear.scatter [tilespmem:s7], [sflag:$0x2], $0x2800, $0x38;
	[tilespmem:$0x2C00] =	vst v63  }
0x55: {  	_ =	swait.ge [sflag:s4], $0x2800  }
0x56: {  	[sflag:s4] =	ssyncset.done $0x0  }
0x57: {  	[sflag:s4] =	ssyncadd.s32 $0xFFFFD800  }
0x58: {  	[tilespmem:s7], [sflag:$0x1] =	stream.indirect.gather [hbm4b:s2+s6], $0x50, s6, s6, $0xb8;
	[tilespmem:$0x2C00] =	vst v63  }
0x59: {  	_ =	swait.ge [sflag:s8], $0x2800  }
0x5a: {  	[sflag:s8] =	ssyncset.done $0x0  }
0x5b: {  	[sflag:s8] =	ssyncadd.s32 $0xFFFFD800  }
0x5c: {  	[hbm4b:s10+s3] =	stream.linear.scatter [tilespmem:s7], [sflag:$0x2], $0x2800, $0x38;
	[tilespmem:$0x2C00] =	vst v63  }
0x5d: {  	_ =	swait.ge [sflag:s4], $0x2800  }
0x5e: {  	[sflag:s4] =	ssyncset.done $0x0  }
0x5f: {  	[sflag:s4] =	ssyncadd.s32 $0xFFFFD800  }
0x60: {  	[tilespmem:s7], [sflag:$0x1] =	stream.indirect.gather [hbm4b:s2+s6], $0x50, s11, s6, $0xb8;
	[tilespmem:$0x2C00] =	vst v63  }
0x61: {  	_ =	swait.ge [sflag:s8], $0x2800  }
0x62: {  	[sflag:s8] =	ssyncset.done $0x0  }
0x63: {  	[sflag:s8] =	ssyncadd.s32 $0xFFFFD800  }
0x64: {  	[hbm4b:s12+s3] =	stream.linear.scatter [tilespmem:s7], [sflag:$0x2], $0x2800, $0x38;
	[tilespmem:$0x2C00] =	vst v63  }
0x65: {  	_ =	swait.ge [sflag:s4], $0x2800  }
0x66: {  	[sflag:s4] =	ssyncset.done $0x0  }
0x67: {  	[sflag:s4] =	ssyncadd.s32 $0xFFFFD800  }
0x68: {  	[tilespmem:s7], [sflag:$0x1] =	stream.indirect.gather [hbm4b:s2+s6], $0x50, s13, s6, $0xb8;
	[tilespmem:$0x2C00] =	vst v63  }
0x69: {  	_ =	swait.ge [sflag:s8], $0x2800  }
0x6a: {  	[sflag:s8] =	ssyncset.done $0x0  }
0x6b: {  	[sflag:s8] =	ssyncadd.s32 $0xFFFFD800  }
0x6c: {  	[hbm4b:s14+s3] =	stream.linear.scatter [tilespmem:s7], [sflag:$0x2], $0x2800, $0x38;
	[tilespmem:$0x2C00] =	vst v63  }
0x6d: {  	_ =	swait.ge [sflag:s4], $0x2800  }
0x6e: {  	[sflag:s4] =	ssyncset.done $0x0  }
0x6f: {  	[sflag:s4] =	ssyncadd.s32 $0xFFFFD800  }
0x70: {  	[tilespmem:s7], [sflag:$0x1] =	stream.indirect.gather [hbm4b:s2+s6], $0x50, s15, s6, $0xb8;
	[tilespmem:$0x2C00] =	vst v63  }
0x71: {  	_ =	swait.ge [sflag:s8], $0x2800  }
0x72: {  	[sflag:s8] =	ssyncset.done $0x0  }
0x73: {  	[sflag:s8] =	ssyncadd.s32 $0xFFFFD800  }
0x74: {  	[hbm4b:s16+s3] =	stream.linear.scatter [tilespmem:s7], [sflag:$0x2], $0x2800, $0x38;
	[tilespmem:$0x2C00] =	vst v63  }
0x75: {  	_ =	swait.ge [sflag:s4], $0x2800  }
0x76: {  	[sflag:s4] =	ssyncset.done $0x0  }
0x77: {  	[sflag:s4] =	ssyncadd.s32 $0xFFFFD800  }
0x78: {  	[tilespmem:s7], [sflag:$0x1] =	stream.indirect.gather [hbm4b:s2+s6], $0x50, s17, s6, $0xb8;
	[tilespmem:$0x2C00] =	vst v63  }
0x79: {  	_ =	swait.ge [sflag:s8], $0x2800  }
0x7a: {  	[sflag:s8] =	ssyncset.done $0x0  }
0x7b: {  	[sflag:s8] =	ssyncadd.s32 $0xFFFFD800  }
0x7c: {  	[hbm4b:s18+s3] =	stream.linear.scatter [tilespmem:s7], [sflag:$0x2], $0x2800, $0x38;
	[tilespmem:$0x2C00] =	vst v63  }
0x7d: {  	_ =	swait.ge [sflag:s4], $0x2800  }
0x7e: {  	[sflag:s4] =	ssyncset.done $0x0  }
0x7f: {  	[sflag:s4] =	ssyncadd.s32 $0xFFFFD800  }
0x80: {  	[tilespmem:s7], [sflag:$0x1] =	stream.indirect.gather [hbm4b:s2+s6], $0x50, s19, s6, $0xb8;
	[tilespmem:$0x2C00] =	vst v63  }
0x81: {  	_ =	swait.ge [sflag:s8], $0x2800  }
0x82: {  	[sflag:s8] =	ssyncset.done $0x0  }
0x83: {  	[sflag:s8] =	ssyncadd.s32 $0xFFFFD800  }
0x84: {  	[hbm4b:s20+s3] =	stream.linear.scatter [tilespmem:s7], [sflag:$0x2], $0x2800, $0x38;
	[tilespmem:$0x2C00] =	vst v63  }
0x85: {  	_ =	swait.ge [sflag:s4], $0x2800  }
0x86: {  	[sflag:s4] =	ssyncset.done $0x0  }
0x87: {  	[sflag:s4] =	ssyncadd.s32 $0xFFFFD800  }
0x88: {  	[tilespmem:s7], [sflag:$0x1] =	stream.indirect.gather [hbm4b:s2+s6], $0x50, s21, s6, $0xb8;
	[tilespmem:$0x2C00] =	vst v63  }
0x89: {  	_ =	swait.ge [sflag:s8], $0x2800  }
.Ltmp1:
0x8a: {  	[sflag:s8] =	ssyncset.done $0x0;
	(pc) =	sbr.rel @p0 .LBB2_1-.Ltmp1, $4  }
0x8b: {  	[sflag:s8] =	ssyncadd.s32 $0xFFFFD800  }
0x8c: {  	[hbm4b:s22+s3] =	stream.linear.scatter [tilespmem:s7], [sflag:$0x2], $0x2800, $0x38;
	[tilespmem:$0x2C00] =	vst v63  }
0x8d: {  	_ =	swait.ge [sflag:s4], $0x2800  }
0x8e: {  	[sflag:s4] =	ssyncset.done $0x0  }
.LBB2_2:
0x8f: {  	[sflag:s4] =	ssyncadd.s32 $0xFFFFD800  }
0x90: {  	_ =	sfence.sel $0x180000  }
0x91: {  	[bflag:$0x0] =	sbarrier.arrive $0xFFFF  }
0x92: {  	p0 =	sne.s32 s0, $0x0;
	_ =	strace $0x9000004D  }
0x93: {  	s0 =	sadd.s32 @!p0 $0x100000, s1;
	[bflag:$0x2] =	sbarrier.arrive $0xFFFF  }
0x94: {  	[sflag:s0] =	ssyncadd.tile.s32 @!p0 $0x1;
	_ =	shalt  }
.Lfunc_end2:
_tile_overlayer_lowered:
.L_overlay_start_2:
0x95: {  	(tag) =	ssettag $0x2  }
0x96: {  	s0 =	rddreg [dreg:$0x0];
	s2 =	stileid.u32  }
0x97: {  	s1 =	rddreg [dreg:$0x1];
	p0 =	sne.s32 s2, $0x0  }
0x98: {  	s3 =	rddreg [dreg:$0x2];
	[bflag:$0x3] =	sbarrier.arrive $0xFFFF;
	s2 =	simm.s32 @!p0 $0x1C02  }
0x99: {  	[timem:s3], [sflag:s2] =	dma.local @!p0 [hbm:s0], s1  }
0x9a: {  	s0 =	simm.s32 @!p0 $0x2  }
0x9b: {  	_ =	swait.ge @!p0 [sflag:s0], s1  }
0x9c: {  	s1 =	ssub.s32 @!p0 $0x0, s1;
	[sflag:s0] =	ssyncset.done @!p0 $0x0  }
0x9d: {  	[sflag:s0] =	ssyncadd.s32 @!p0 s1  }
0x9e: {  	[bflag:$0x3] =	sbarrier.arrive $0xFFFF  }
0x9f: {  	_ =	shalt  }

// kernel: kernel.25.cloned.1.call-start
scs
__scs_entry_jumppad:
0x0: {  	(pc) =	sbr.rel $0x88, $3  }
0x1: {  	(tag) =	ssettag $0x0;
	lr =	simm.s32 $0x1  }
0x2: {  	[smem:$0x3F46] =	sst lr;
	_ =	strace $0xD0000000  }
0x3: {  	_ = 	snop  }
0x4: {  	_ = 	snop  }
0x5: {  	_ = 	snop  }
0x6: {  	_ = 	snop  }
0x7: {  	_ = 	snop  }
__scs_overlays_trampoline_lowered:
0x8: {  	[smem:$0x3F55] =	sst s0  }
0x9: {  	[smem:$0x3F56] =	sst s1  }
0xa: {  	[smem:$0x3F57] =	sst s2  }
0xb: {  	[smem:$0x3F58] =	sst s3  }
0xc: {  	[smem:$0x3F59] =	sst s4  }
0xd: {  	[smem:$0x3F5A] =	sst s5  }
0xe: {  	[smem:$0x3F5B] =	sst s6  }
0xf: {  	[smem:$0x3F5C] =	sst s7  }
0x10: {  	[smem:$0x3F5D] =	sst s8  }
0x11: {  	[smem:$0x3F5E] =	sst s9;
	s0 =	simm.s32 @!p0 $0x0  }
0x12: {  	s1 =	sld [smem:$0x3F44];
	s0 =	simm.s32 @p0 $0x1  }
0x13: {  	[smem:$0x3F5F] =	sst s0;
	s0 =	simm.s32 @!p1 $0x0  }
0x14: {  	s2 =	sld [smem:$0x3F43];
	s0 =	simm.s32 @p1 $0x1  }
0x15: {  	[smem:$0x3F60] =	sst s0;
	s0 =	simm.s32 @!p2 $0x0  }
0x16: {  	s3 =	sld [smem:$0x3FDB];
	s0 =	simm.s32 @p2 $0x1  }
0x17: {  	s4 =	simm.s32 $0x1BF5;
	[smem:$0x3F62] =	sst s0  }
0x18: {  	s0 =	sld [smem:$0x3F45];
	_ =	swait.ge [sflag:s4], $0x0  }
0x19: {  	s7 =	sld [smem:$0x3F46]  }
0x1a: {  	s8 =	sadd.s32 $0xFFFFE003, lr  }
0x1b: {  	s9 =	sadd.s32 $0xFFFFFEF7, lr;
	s5 =	simm.s32 $0xFFFFFFFF;
	p2 =	slt.u32 s8, $0xFFFFF086  }
0x1c: {  	p1 =	slt.u32 s9, $0xF7A;
	s5 =	simm.s32 @!p2 $0x0  }
0x1d: {  	s5 =	simm.s32 @p1 $0x1;
	p0 =	seq.s32 s7, s2  }
0x1e: {  	s7 =	smul.u32 @!p0 $0xF7A, s2;
	p2 =	seq.s32 @!p0 s5, $0x0  }
0x1f: {  	s9 =	smul.u32 $0xF7A, s1;
	s8 =	simm.s32 @!p0 $0x1BF5;
	p2 =	por !p2, p0  }
0x20: {  	[sflag:s8] =	ssyncset.s32 @!p0 $0xFFFFF086;
	s6 =	sadd.s32 @!p0 s3, s7;
	s7 =	simm.s32 @!p0 $0x108  }
0x21: {  	s3 =	sadd.s32 s3, s9;
	s6 =	sadd.s32 @!p0 $0x88, s6;
	s7 =	simm.s32 @p2 $0x1082  }
0x22: {  	[simem:s7], [sflag:s8] =	dma.local @!p0 [hbm:s6], $0xF7A  }
0x23: {  	s9 =	sor.u32 $0xD0000000, s2;
	s6 =	simm.s32 $0x108;
	_ =	swait.ge @!p0 [sflag:s8], $0x0  }
0x24: {  	s3 =	sadd.s32 $0x88, s3;
	s6 =	simm.s32 @!p1 $0x1082;
	[sflag:s4] =	ssyncset.s32 $0xFFFFF086  }
0x25: {  	[simem:s6], [sflag:s4] =	dma.local [hbm:s3], $0xF7A  }
0x26: {  	[smem:$0x3F46] =	sst s1;
	(tag) =	ssettag s2;
	_ =	strace s9  }
0x27: {  	s1 =	sld [smem:$0x3F56]  }
0x28: {  	s2 =	sld [smem:$0x3F57]  }
0x29: {  	s4 =	sld [smem:$0x3F59]  }
0x2a: {  	p0 =	seq.s32 s5, $0x0;
	s5 =	sld [smem:$0x3F5A]  }
0x2b: {  	s6 =	sld [smem:$0x3F5B]  }
0x2c: {  	s7 =	sld [smem:$0x3F5C]  }
0x2d: {  	s3 =	simm.s32 $0x108;
	s8 =	sld [smem:$0x3F5D]  }
0x2e: {  	s3 =	simm.s32 @!p0 $0x1082;
	s9 =	sld [smem:$0x3F5E]  }
0x2f: {  	lr =	sadd.s32 s0, s3;
	s0 =	sld [smem:$0x3F55]  }
0x30: {  	s3 =	sld [smem:$0x3F58]  }
0x31: {  	[smem:$0x3F61] =	sst s10  }
0x32: {  	s10 =	sld [smem:$0x3F5F];
	_ =	sdelay $0x3  }
0x33: {  	p0 =	seq.s32 s10, $0x1;
	s10 =	sld [smem:$0x3F61];
	_ =	sdelay $0x3  }
0x34: {  	[smem:$0x3F61] =	sst s10  }
0x35: {  	s10 =	sld [smem:$0x3F60];
	_ =	sdelay $0x3  }
0x36: {  	p1 =	seq.s32 s10, $0x1;
	s10 =	sld [smem:$0x3F61];
	_ =	sdelay $0x3  }
0x37: {  	[smem:$0x3F61] =	sst s10  }
0x38: {  	s10 =	sld [smem:$0x3F62]  }
0x39: {  	_ = 	snop;
	(pc) =	sbr.ind lr, $3  }
0x3a: {  	_ = 	snop  }
0x3b: {  	_ = 	snop  }
0x3c: {  	p2 =	seq.s32 s10, $0x1;
	s10 =	sld [smem:$0x3F61]  }
0x3d: {  	_ =	shalt  }
0x3e: {  	_ =	shalt  }
0x3f: {  	_ =	shalt  }
0x40: {  	_ =	shalt  }
0x41: {  	_ =	shalt  }
0x42: {  	_ =	shalt  }
0x43: {  	_ =	shalt  }
0x44: {  	_ =	shalt  }
0x45: {  	_ =	shalt  }
0x46: {  	_ =	shalt  }
0x47: {  	_ =	shalt  }
0x48: {  	_ =	shalt  }
0x49: {  	_ =	shalt  }
0x4a: {  	_ =	shalt  }
0x4b: {  	_ =	shalt  }
0x4c: {  	_ =	shalt  }
0x4d: {  	_ =	shalt  }
0x4e: {  	_ =	shalt  }
0x4f: {  	_ =	shalt  }
0x50: {  	_ =	shalt  }
0x51: {  	_ =	shalt  }
0x52: {  	_ =	shalt  }
0x53: {  	_ =	shalt  }
0x54: {  	_ =	shalt  }
0x55: {  	_ =	shalt  }
0x56: {  	_ =	shalt  }
0x57: {  	_ =	shalt  }
0x58: {  	_ =	shalt  }
0x59: {  	_ =	shalt  }
0x5a: {  	_ =	shalt  }
0x5b: {  	_ =	shalt  }
0x5c: {  	_ =	shalt  }
0x5d: {  	_ =	shalt  }
0x5e: {  	_ =	shalt  }
0x5f: {  	_ =	shalt  }
0x60: {  	_ =	shalt  }
0x61: {  	_ =	shalt  }
0x62: {  	_ =	shalt  }
0x63: {  	_ =	shalt  }
0x64: {  	_ =	shalt  }
0x65: {  	_ =	shalt  }
0x66: {  	_ =	shalt  }
0x67: {  	_ =	shalt  }
0x68: {  	_ =	shalt  }
0x69: {  	_ =	shalt  }
0x6a: {  	_ =	shalt  }
0x6b: {  	_ =	shalt  }
0x6c: {  	_ =	shalt  }
0x6d: {  	_ =	shalt  }
0x6e: {  	_ =	shalt  }
0x6f: {  	_ =	shalt  }
0x70: {  	_ =	shalt  }
0x71: {  	_ =	shalt  }
0x72: {  	_ =	shalt  }
0x73: {  	_ =	shalt  }
0x74: {  	_ =	shalt  }
0x75: {  	_ =	shalt  }
0x76: {  	_ =	shalt  }
0x77: {  	_ =	shalt  }
0x78: {  	_ =	shalt  }
0x79: {  	_ =	shalt  }
0x7a: {  	_ =	shalt  }
0x7b: {  	_ =	shalt  }
0x7c: {  	_ =	shalt  }
0x7d: {  	_ =	shalt  }
0x7e: {  	_ =	shalt  }
0x7f: {  	_ =	shalt  }
0x80: {  	_ =	shalt  }
0x81: {  	_ =	shalt  }
0x82: {  	_ =	shalt  }
0x83: {  	_ =	shalt  }
0x84: {  	_ =	shalt  }
0x85: {  	_ =	shalt  }
0x86: {  	_ =	shalt  }
0x87: {  	_ =	shalt  }
.Lfunc_end0:
.L_simem_size_0:
called_computation.3_lowered:
.L_overlay_start_0:
0x88: {  	s2 =	sld [smem:$0x3FD9]  }
0x89: {  	s3 =	sld [smem:$0x3FFE];
	_ =	sdelay $0x1  }
0x8a: {  	s1 =	srdreg.scid  }
0x8b: {  	s0 =	sand.u32 $0x1, s1  }
0x8c: {  	s17 =	sshll.u32 s0, $0xA;
	s2 =	sadd.s32 s3, s2  }
0x8d: {  	s2 =	sadd.s32 s2, s17  }
0x8e: {  	[smem:$0x3F6D] =	sst s2  }
0x8f: {  	_ = 	snop  }
0x90: {  	s2 =	sld [smem:$0x3FD0];
	(tm) =	ssettm $0x1  }
0x91: {  	s18 =	sld [smem:$0x3FFB];
	_ =	sdelay $0x3  }
0x92: {  	_ =	strace s18  }
0x93: {  	s3 =	sld [smem:$0x3FFC];
	_ =	sdelay $0x3  }
0x94: {  	_ =	strace s3  }
0x95: {  	s3 =	sld [smem:$0x3FFD];
	_ =	sdelay $0x3  }
0x96: {  	_ =	strace s3  }
0x97: {  	_ =	strace $0x8FFFFFFF  }
0x98: {  	s19 =	sld [smem:$0x3FDB];
	_ =	sdelay $0x1  }
0x99: {  	s4 =	simm.s32 $_scs_section_size  }
0x9a: {  	s5 =	simm.s32 $_size__tile_overlayer_lowered;
	s6 =	simm.s32 $_tile_overlayer_lowered  }
0x9b: {  	s22 =	simm.s32 $0x1BFF;
	s21 =	sshll.u32 s6, $0x1;
	s3 =	sadd.s32 s4, s19  }
0x9c: {  	s7 =	simm.s32 $0x0;
	s20 =	sshll.u32 s5, $0x1;
	s5 =	sadd.s32 s21, s3  }
0x9d: {  	[timem:s7], [sflag:s22] =	dma.local [hbm:s5], s20  }
0x9e: {  	_ =	swait.ge [sflag:s22], s20  }
0x9f: {  	s4 =	ssub.s32 $0x0, s20;
	[sflag:s22] =	ssyncset.done $0x0  }
0xa0: {  	[sflag:s22] =	ssyncadd.s32 s4;
	_ =	sdelay $0x1  }
0xa1: {  	s23 =	simm.s32 $0x1B8B  }
0xa2: {  	_ =	swait.ge [sflag:s23], $0x1  }
0xa3: {  	[sflag:s23] =	ssyncset.done $0x0  }
0xa4: {  	s25 =	simm.s32 $0x1B8E;
	s24 =	sld [smem:$0x3FFE];
	[sflag:s23] =	ssyncadd.s32 $0xFFFFFFFF  }
0xa5: {  	s26 =	simm.s32 $execute0_lowered;
	[smem:$0x3FD2] =	sst s25  }
0xa6: {  	s5 =	sshll.u32 s26, $0x1;
	_ =	strace $0x8000004F;
	[dreg:$0x1] =	wrdreg $0xFFFFFFFF  }
0xa7: {  	s28 =	simm.s32 $_size_execute0_lowered;
	s3 =	sadd.s32 s3, s5;
	[dreg:$0x0] =	wrdreg $0x0  }
0xa8: {  	s5 =	sshll.u32 s28, $0x1;
	[dreg:$0x2] =	wrdreg s3  }
0xa9: {  	[dreg:$0x3] =	wrdreg s5  }
0xaa: {  	[dreg:$0x4] =	wrdreg $0xC0  }
0xab: {  	_ =	task [dreg:s7], $0x5FFFF  }
0xac: {  	[dreg:$0x1] =	wrdreg $0xFFFFFFFF  }
0xad: {  	[dreg:$0x0] =	wrdreg $0x60  }
0xae: {  	[dreg:$0x2] =	wrdreg s2  }
0xaf: {  	[dreg:$0x3] =	wrdreg s24  }
0xb0: {  	[dreg:$0x4] =	wrdreg $0x9  }
0xb1: {  	_ =	task.clear_ibuf [dreg:s7], $0x5FFFF;
	_ =	strace $0x9000004F  }
0xb2: {  	s29 =	simm.s32 $0x9;
	_ =	strace $0x80000051  }
0xb3: {  	_ =	swait.ge [sflag:s29], $0x1  }
0xb4: {  	[sflag:s29] =	ssyncadd.s32 $0xFFFFFFFF  }
0xb5: {  	_ =	strace $0x90000051  }
0xb6: {  	_ =	sfence  }
0xb7: {  	s30 =	sld [smem:$0x0];
	_ =	sdelay $0x2  }
0xb8: {  	s31 =	sshll.u32 s1, $0xD;
	s1 =	sshrl.u32 s1, $0x2  }
0xb9: {  	s3 =	sand.u32 $0x4000, s31;
	s1 =	sadd.s32 s1, s30  }
0xba: {  	s0 =	sor.u32 s3, s0;
	s1 =	sshll.u32 s1, $0x11  }
0xbb: {  	s0 =	sor.u32 s1, s0  }
0xbc: {  	s0 =	sadd.s32 $0x8F2B, s0  }
0xbd: {  	[sflag:s0] =	ssyncadd.remote.s32 $0x1  }
0xbe: {  	_ =	sfence.sel $0xFFFF  }
0xbf: {  	[dreg:$0x0] =	wrdreg $0xFFFFFFFF;
	(pc) =	sbr.abs _section_cstart, $3  }
0xc0: {  	[dreg:$0x1] =	wrdreg $0xFFFFFFFF  }
0xc1: {  	_ =	task.clear_ibuf [dreg:s7], $0x2FFFF;
	_ =	strace $0x9FFFFFFF  }
0xc2: {  	(tm) =	ssettm $0x7FFFFFFF  }
0xc3: {  	_ =	shalt  }
tec
execute0_lowered:
.L_overlay_start_1:
0x0: {  	(tag) =	ssettag $0x1  }
0x1: {  	s1 =	srdreg.scid  }
0x2: {  	s0 =	stileid.u32;
	s10 =	sand.u32 $0x1, s1  }
0x3: {  	s2 =	rddreg [dreg:$0x0];
	s31 =	sshll.u32 s0, $0x2;
	s3 =	sshll.u32 s10, $0x1  }
0x4: {  	s9 =	rddreg [dreg:$0x1];
	s6 =	sor.u32 s3, s31  }
0x5: {  	s1 =	rddreg [dreg:$0x2];
	s3 =	simm.s32 $0x0;
	s4 =	sshll.u32 s6, $0x4  }
0x6: {  	[smem:$0x7FF] =	sst s3;
	s4 =	sadd.s32 s4, s9  }
0x7: {  	_ =	strace $0x80000050;
	s5 =	sadd.s32 $0xDB800, s4;
	s4 =	simm.s32 $0x2  }
0x8: {  	[tilespmem:s3], [sflag:$0x2] =	stream.linear.gather [hbm4b:s5+s3], $0x100, $0x38;
	[tilespmem:$0x4900] =	vst v63  }
0x9: {  	_ =	swait.ge [sflag:s4], $0x100  }
0xa: {  	s7 =	simm.s32 $0x100;
	s8 =	simm.s32 $0x1;
	[sflag:s4] =	ssyncset.done $0x0  }
0xb: {  	s11 =	smul.u32 $0x900, s6;
	s6 =	simm.s32 $0x80;
	[sflag:s4] =	ssyncadd.s32 $0xFFFFFF00  }
0xc: {  	[tilespmem:s7], [sflag:$0x1] =	stream.indirect.gather [hbm4b:s2+s6], $0x90, s3, s6, $0xb8;
	[tilespmem:$0x4900] =	vst v63  }
0xd: {  	_ =	swait.ge [sflag:s8], $0x4800  }
0xe: {  	s11 =	sadd.s32 s11, s9;
	[sflag:s8] =	ssyncset.done $0x0  }
0xf: {  	s10 =	ssub.s32 $0x2, s10;
	s9 =	sadd.s32 $0x8A800, s11;
	[sflag:s8] =	ssyncadd.s32 $0xFFFFB800  }
0x10: {  	[hbm4b:s9+s3] =	stream.linear.scatter [tilespmem:s7], [sflag:$0x2], $0x4800, $0x38;
	[tilespmem:$0x4900] =	vst v63  }
0x11: {  	s12 =	sshrl.u32 s10, $0x1;
	_ =	swait.ge [sflag:s4], $0x4800  }
0x12: {  	s10 =	ssub.s32 s10, s12;
	[sflag:s4] =	ssyncset.done $0x0  }
0x13: {  	s12 =	smax.u32 s10, $0x1;
	[sflag:s4] =	ssyncadd.s32 $0xFFFFB800  }
0x14: {  	[tilespmem:s7], [sflag:$0x1] =	stream.indirect.gather [hbm4b:s2+s6], $0x90, s6, s6, $0xb8;
	[tilespmem:$0x4900] =	vst v63  }
0x15: {  	p0 =	sne.s32 s12, $0x1;
	_ =	swait.ge [sflag:s8], $0x4800  }
.Ltmp0:
0x16: {  	[sflag:s8] =	ssyncset.done $0x0;
	(pc) =	sbr.rel @!p0 .LBB2_2-.Ltmp0, $4  }
0x17: {  	s10 =	sadd.s32 $0x8B100, s11;
	[sflag:s8] =	ssyncadd.s32 $0xFFFFB800  }
0x18: {  	[hbm4b:s10+s3] =	stream.linear.scatter [tilespmem:s7], [sflag:$0x2], $0x4800, $0x38;
	[tilespmem:$0x4900] =	vst v63  }
0x19: {  	_ =	swait.ge [sflag:s4], $0x4800  }
0x1a: {  	s11 =	sadd.s32 $0xFFFFFFFF, s12;
	[sflag:s4] =	ssyncset.done $0x0  }
.LBB2_1:
0x1b: {  	p0 =	sne.s32 s11, $0x1;
	s11 =	sadd.s32 $0xFFFFFFFF, s11;
	[sflag:s4] =	ssyncadd.s32 $0xFFFFB800  }
0x1c: {  	[tilespmem:s3], [sflag:$0x2] =	stream.linear.gather [hbm4b:s5+s3], $0x100, $0x38;
	[tilespmem:$0x4900] =	vst v63  }
0x1d: {  	_ =	swait.ge [sflag:s4], $0x100  }
0x1e: {  	[sflag:s4] =	ssyncset.done $0x0  }
0x1f: {  	[sflag:s4] =	ssyncadd.s32 $0xFFFFFF00  }
0x20: {  	[tilespmem:s7], [sflag:$0x1] =	stream.indirect.gather [hbm4b:s2+s6], $0x90, s3, s6, $0xb8;
	[tilespmem:$0x4900] =	vst v63  }
0x21: {  	_ =	swait.ge [sflag:s8], $0x4800  }
0x22: {  	[sflag:s8] =	ssyncset.done $0x0  }
0x23: {  	[sflag:s8] =	ssyncadd.s32 $0xFFFFB800  }
0x24: {  	[hbm4b:s9+s3] =	stream.linear.scatter [tilespmem:s7], [sflag:$0x2], $0x4800, $0x38;
	[tilespmem:$0x4900] =	vst v63  }
0x25: {  	_ =	swait.ge [sflag:s4], $0x4800  }
0x26: {  	[sflag:s4] =	ssyncset.done $0x0  }
0x27: {  	[sflag:s4] =	ssyncadd.s32 $0xFFFFB800  }
0x28: {  	[tilespmem:s7], [sflag:$0x1] =	stream.indirect.gather [hbm4b:s2+s6], $0x90, s6, s6, $0xb8;
	[tilespmem:$0x4900] =	vst v63  }
0x29: {  	_ =	swait.ge [sflag:s8], $0x4800  }
.Ltmp1:
0x2a: {  	[sflag:s8] =	ssyncset.done $0x0;
	(pc) =	sbr.rel @p0 .LBB2_1-.Ltmp1, $4  }
0x2b: {  	[sflag:s8] =	ssyncadd.s32 $0xFFFFB800  }
0x2c: {  	[hbm4b:s10+s3] =	stream.linear.scatter [tilespmem:s7], [sflag:$0x2], $0x4800, $0x38;
	[tilespmem:$0x4900] =	vst v63  }
0x2d: {  	_ =	swait.ge [sflag:s4], $0x4800  }
0x2e: {  	[sflag:s4] =	ssyncset.done $0x0  }
.LBB2_2:
0x2f: {  	[sflag:s4] =	ssyncadd.s32 $0xFFFFB800  }
0x30: {  	_ =	sfence.sel $0x180000  }
0x31: {  	[bflag:$0x0] =	sbarrier.arrive $0xFFFF  }
0x32: {  	p0 =	sne.s32 s0, $0x0;
	_ =	strace $0x90000050  }
0x33: {  	s0 =	sadd.s32 @!p0 $0x100000, s1;
	[bflag:$0x2] =	sbarrier.arrive $0xFFFF  }
0x34: {  	[sflag:s0] =	ssyncadd.tile.s32 @!p0 $0x1;
	_ =	shalt  }
.Lfunc_end2:
_tile_overlayer_lowered:
.L_overlay_start_2:
0x35: {  	(tag) =	ssettag $0x2  }
0x36: {  	s0 =	rddreg [dreg:$0x0];
	s2 =	stileid.u32  }
0x37: {  	s1 =	rddreg [dreg:$0x1];
	p0 =	sne.s32 s2, $0x0  }
0x38: {  	s3 =	rddreg [dreg:$0x2];
	[bflag:$0x3] =	sbarrier.arrive $0xFFFF;
	s2 =	simm.s32 @!p0 $0x1C02  }
0x39: {  	[timem:s3], [sflag:s2] =	dma.local @!p0 [hbm:s0], s1  }
0x3a: {  	s0 =	simm.s32 @!p0 $0x2  }
0x3b: {  	_ =	swait.ge @!p0 [sflag:s0], s1  }
0x3c: {  	s1 =	ssub.s32 @!p0 $0x0, s1;
	[sflag:s0] =	ssyncset.done @!p0 $0x0  }
0x3d: {  	[sflag:s0] =	ssyncadd.s32 @!p0 s1  }
0x3e: {  	[bflag:$0x3] =	sbarrier.arrive $0xFFFF  }
0x3f: {  	_ =	shalt  }

// kernel: kernel.28.cloned.1.call-start
scs
__scs_entry_jumppad:
0x0: {  	(pc) =	sbr.rel $0x88, $3  }
0x1: {  	(tag) =	ssettag $0x0;
	lr =	simm.s32 $0x1  }
0x2: {  	[smem:$0x3F46] =	sst lr;
	_ =	strace $0xD0000000  }
0x3: {  	_ = 	snop  }
0x4: {  	_ = 	snop  }
0x5: {  	_ = 	snop  }
0x6: {  	_ = 	snop  }
0x7: {  	_ = 	snop  }
__scs_overlays_trampoline_lowered:
0x8: {  	[smem:$0x3F55] =	sst s0  }
0x9: {  	[smem:$0x3F56] =	sst s1  }
0xa: {  	[smem:$0x3F57] =	sst s2  }
0xb: {  	[smem:$0x3F58] =	sst s3  }
0xc: {  	[smem:$0x3F59] =	sst s4  }
0xd: {  	[smem:$0x3F5A] =	sst s5  }
0xe: {  	[smem:$0x3F5B] =	sst s6  }
0xf: {  	[smem:$0x3F5C] =	sst s7  }
0x10: {  	[smem:$0x3F5D] =	sst s8  }
0x11: {  	[smem:$0x3F5E] =	sst s9;
	s0 =	simm.s32 @!p0 $0x0  }
0x12: {  	s1 =	sld [smem:$0x3F44];
	s0 =	simm.s32 @p0 $0x1  }
0x13: {  	[smem:$0x3F5F] =	sst s0;
	s0 =	simm.s32 @!p1 $0x0  }
0x14: {  	s2 =	sld [smem:$0x3F43];
	s0 =	simm.s32 @p1 $0x1  }
0x15: {  	[smem:$0x3F60] =	sst s0;
	s0 =	simm.s32 @!p2 $0x0  }
0x16: {  	s3 =	sld [smem:$0x3FDB];
	s0 =	simm.s32 @p2 $0x1  }
0x17: {  	s4 =	simm.s32 $0x1BF5;
	[smem:$0x3F62] =	sst s0  }
0x18: {  	s0 =	sld [smem:$0x3F45];
	_ =	swait.ge [sflag:s4], $0x0  }
0x19: {  	s7 =	sld [smem:$0x3F46]  }
0x1a: {  	s8 =	sadd.s32 $0xFFFFE003, lr  }
0x1b: {  	s9 =	sadd.s32 $0xFFFFFEF7, lr;
	s5 =	simm.s32 $0xFFFFFFFF;
	p2 =	slt.u32 s8, $0xFFFFF086  }
0x1c: {  	p1 =	slt.u32 s9, $0xF7A;
	s5 =	simm.s32 @!p2 $0x0  }
0x1d: {  	s5 =	simm.s32 @p1 $0x1;
	p0 =	seq.s32 s7, s2  }
0x1e: {  	s7 =	smul.u32 @!p0 $0xF7A, s2;
	p2 =	seq.s32 @!p0 s5, $0x0  }
0x1f: {  	s9 =	smul.u32 $0xF7A, s1;
	s8 =	simm.s32 @!p0 $0x1BF5;
	p2 =	por !p2, p0  }
0x20: {  	[sflag:s8] =	ssyncset.s32 @!p0 $0xFFFFF086;
	s6 =	sadd.s32 @!p0 s3, s7;
	s7 =	simm.s32 @!p0 $0x108  }
0x21: {  	s3 =	sadd.s32 s3, s9;
	s6 =	sadd.s32 @!p0 $0x88, s6;
	s7 =	simm.s32 @p2 $0x1082  }
0x22: {  	[simem:s7], [sflag:s8] =	dma.local @!p0 [hbm:s6], $0xF7A  }
0x23: {  	s9 =	sor.u32 $0xD0000000, s2;
	s6 =	simm.s32 $0x108;
	_ =	swait.ge @!p0 [sflag:s8], $0x0  }
0x24: {  	s3 =	sadd.s32 $0x88, s3;
	s6 =	simm.s32 @!p1 $0x1082;
	[sflag:s4] =	ssyncset.s32 $0xFFFFF086  }
0x25: {  	[simem:s6], [sflag:s4] =	dma.local [hbm:s3], $0xF7A  }
0x26: {  	[smem:$0x3F46] =	sst s1;
	(tag) =	ssettag s2;
	_ =	strace s9  }
0x27: {  	s1 =	sld [smem:$0x3F56]  }
0x28: {  	s2 =	sld [smem:$0x3F57]  }
0x29: {  	s4 =	sld [smem:$0x3F59]  }
0x2a: {  	p0 =	seq.s32 s5, $0x0;
	s5 =	sld [smem:$0x3F5A]  }
0x2b: {  	s6 =	sld [smem:$0x3F5B]  }
0x2c: {  	s7 =	sld [smem:$0x3F5C]  }
0x2d: {  	s3 =	simm.s32 $0x108;
	s8 =	sld [smem:$0x3F5D]  }
0x2e: {  	s3 =	simm.s32 @!p0 $0x1082;
	s9 =	sld [smem:$0x3F5E]  }
0x2f: {  	lr =	sadd.s32 s0, s3;
	s0 =	sld [smem:$0x3F55]  }
0x30: {  	s3 =	sld [smem:$0x3F58]  }
0x31: {  	[smem:$0x3F61] =	sst s10  }
0x32: {  	s10 =	sld [smem:$0x3F5F];
	_ =	sdelay $0x3  }
0x33: {  	p0 =	seq.s32 s10, $0x1;
	s10 =	sld [smem:$0x3F61];
	_ =	sdelay $0x3  }
0x34: {  	[smem:$0x3F61] =	sst s10  }
0x35: {  	s10 =	sld [smem:$0x3F60];
	_ =	sdelay $0x3  }
0x36: {  	p1 =	seq.s32 s10, $0x1;
	s10 =	sld [smem:$0x3F61];
	_ =	sdelay $0x3  }
0x37: {  	[smem:$0x3F61] =	sst s10  }
0x38: {  	s10 =	sld [smem:$0x3F62]  }
0x39: {  	_ = 	snop;
	(pc) =	sbr.ind lr, $3  }
0x3a: {  	_ = 	snop  }
0x3b: {  	_ = 	snop  }
0x3c: {  	p2 =	seq.s32 s10, $0x1;
	s10 =	sld [smem:$0x3F61]  }
0x3d: {  	_ =	shalt  }
0x3e: {  	_ =	shalt  }
0x3f: {  	_ =	shalt  }
0x40: {  	_ =	shalt  }
0x41: {  	_ =	shalt  }
0x42: {  	_ =	shalt  }
0x43: {  	_ =	shalt  }
0x44: {  	_ =	shalt  }
0x45: {  	_ =	shalt  }
0x46: {  	_ =	shalt  }
0x47: {  	_ =	shalt  }
0x48: {  	_ =	shalt  }
0x49: {  	_ =	shalt  }
0x4a: {  	_ =	shalt  }
0x4b: {  	_ =	shalt  }
0x4c: {  	_ =	shalt  }
0x4d: {  	_ =	shalt  }
0x4e: {  	_ =	shalt  }
0x4f: {  	_ =	shalt  }
0x50: {  	_ =	shalt  }
0x51: {  	_ =	shalt  }
0x52: {  	_ =	shalt  }
0x53: {  	_ =	shalt  }
0x54: {  	_ =	shalt  }
0x55: {  	_ =	shalt  }
0x56: {  	_ =	shalt  }
0x57: {  	_ =	shalt  }
0x58: {  	_ =	shalt  }
0x59: {  	_ =	shalt  }
0x5a: {  	_ =	shalt  }
0x5b: {  	_ =	shalt  }
0x5c: {  	_ =	shalt  }
0x5d: {  	_ =	shalt  }
0x5e: {  	_ =	shalt  }
0x5f: {  	_ =	shalt  }
0x60: {  	_ =	shalt  }
0x61: {  	_ =	shalt  }
0x62: {  	_ =	shalt  }
0x63: {  	_ =	shalt  }
0x64: {  	_ =	shalt  }
0x65: {  	_ =	shalt  }
0x66: {  	_ =	shalt  }
0x67: {  	_ =	shalt  }
0x68: {  	_ =	shalt  }
0x69: {  	_ =	shalt  }
0x6a: {  	_ =	shalt  }
0x6b: {  	_ =	shalt  }
0x6c: {  	_ =	shalt  }
0x6d: {  	_ =	shalt  }
0x6e: {  	_ =	shalt  }
0x6f: {  	_ =	shalt  }
0x70: {  	_ =	shalt  }
0x71: {  	_ =	shalt  }
0x72: {  	_ =	shalt  }
0x73: {  	_ =	shalt  }
0x74: {  	_ =	shalt  }
0x75: {  	_ =	shalt  }
0x76: {  	_ =	shalt  }
0x77: {  	_ =	shalt  }
0x78: {  	_ =	shalt  }
0x79: {  	_ =	shalt  }
0x7a: {  	_ =	shalt  }
0x7b: {  	_ =	shalt  }
0x7c: {  	_ =	shalt  }
0x7d: {  	_ =	shalt  }
0x7e: {  	_ =	shalt  }
0x7f: {  	_ =	shalt  }
0x80: {  	_ =	shalt  }
0x81: {  	_ =	shalt  }
0x82: {  	_ =	shalt  }
0x83: {  	_ =	shalt  }
0x84: {  	_ =	shalt  }
0x85: {  	_ =	shalt  }
0x86: {  	_ =	shalt  }
0x87: {  	_ =	shalt  }
.Lfunc_end0:
.L_simem_size_0:
called_computation.4_lowered:
.L_overlay_start_0:
0x88: {  	s2 =	sld [smem:$0x3FD9]  }
0x89: {  	s3 =	sld [smem:$0x3FFE];
	_ =	sdelay $0x1  }
0x8a: {  	s1 =	srdreg.scid  }
0x8b: {  	s0 =	sand.u32 $0x1, s1  }
0x8c: {  	s17 =	sshll.u32 s0, $0xA;
	s2 =	sadd.s32 s3, s2  }
0x8d: {  	s2 =	sadd.s32 s2, s17  }
0x8e: {  	[smem:$0x3F6D] =	sst s2  }
0x8f: {  	_ = 	snop  }
0x90: {  	s2 =	sld [smem:$0x3FD0];
	(tm) =	ssettm $0x1  }
0x91: {  	s18 =	sld [smem:$0x3FFB];
	_ =	sdelay $0x3  }
0x92: {  	_ =	strace s18  }
0x93: {  	s3 =	sld [smem:$0x3FFC];
	_ =	sdelay $0x3  }
0x94: {  	_ =	strace s3  }
0x95: {  	s3 =	sld [smem:$0x3FFD];
	_ =	sdelay $0x3  }
0x96: {  	_ =	strace s3  }
0x97: {  	_ =	strace $0x8FFFFFFF  }
0x98: {  	s19 =	sld [smem:$0x3FDB];
	_ =	sdelay $0x1  }
0x99: {  	s4 =	simm.s32 $_scs_section_size  }
0x9a: {  	s5 =	simm.s32 $_size__tile_overlayer_lowered;
	s6 =	simm.s32 $_tile_overlayer_lowered  }
0x9b: {  	s22 =	simm.s32 $0x1BFF;
	s21 =	sshll.u32 s6, $0x1;
	s3 =	sadd.s32 s4, s19  }
0x9c: {  	s7 =	simm.s32 $0x0;
	s20 =	sshll.u32 s5, $0x1;
	s5 =	sadd.s32 s21, s3  }
0x9d: {  	[timem:s7], [sflag:s22] =	dma.local [hbm:s5], s20  }
0x9e: {  	_ =	swait.ge [sflag:s22], s20  }
0x9f: {  	s4 =	ssub.s32 $0x0, s20;
	[sflag:s22] =	ssyncset.done $0x0  }
0xa0: {  	[sflag:s22] =	ssyncadd.s32 s4;
	_ =	sdelay $0x1  }
0xa1: {  	s23 =	simm.s32 $0x1B8B  }
0xa2: {  	_ =	swait.ge [sflag:s23], $0x1  }
0xa3: {  	[sflag:s23] =	ssyncset.done $0x0  }
0xa4: {  	s25 =	simm.s32 $0x1B8E;
	s24 =	sld [smem:$0x3FFE];
	[sflag:s23] =	ssyncadd.s32 $0xFFFFFFFF  }
0xa5: {  	s26 =	simm.s32 $execute0_lowered;
	[smem:$0x3FD2] =	sst s25  }
0xa6: {  	s5 =	sshll.u32 s26, $0x1;
	_ =	strace $0x80000052;
	[dreg:$0x1] =	wrdreg $0xFFFFFFFF  }
0xa7: {  	s28 =	simm.s32 $_size_execute0_lowered;
	s3 =	sadd.s32 s3, s5;
	[dreg:$0x0] =	wrdreg $0x0  }
0xa8: {  	s5 =	sshll.u32 s28, $0x1;
	[dreg:$0x2] =	wrdreg s3  }
0xa9: {  	[dreg:$0x3] =	wrdreg s5  }
0xaa: {  	[dreg:$0x4] =	wrdreg $0xC0  }
0xab: {  	_ =	task [dreg:s7], $0x5FFFF  }
0xac: {  	[dreg:$0x1] =	wrdreg $0xFFFFFFFF  }
0xad: {  	[dreg:$0x0] =	wrdreg $0x60  }
0xae: {  	[dreg:$0x2] =	wrdreg s2  }
0xaf: {  	[dreg:$0x3] =	wrdreg s24  }
0xb0: {  	[dreg:$0x4] =	wrdreg $0x9  }
0xb1: {  	_ =	task.clear_ibuf [dreg:s7], $0x5FFFF;
	_ =	strace $0x90000052  }
0xb2: {  	s29 =	simm.s32 $0x9;
	_ =	strace $0x80000054  }
0xb3: {  	_ =	swait.ge [sflag:s29], $0x1  }
0xb4: {  	[sflag:s29] =	ssyncadd.s32 $0xFFFFFFFF  }
0xb5: {  	_ =	strace $0x90000054  }
0xb6: {  	_ =	sfence  }
0xb7: {  	s30 =	sld [smem:$0x0];
	_ =	sdelay $0x2  }
0xb8: {  	s31 =	sshll.u32 s1, $0xD;
	s1 =	sshrl.u32 s1, $0x2  }
0xb9: {  	s3 =	sand.u32 $0x4000, s31;
	s1 =	sadd.s32 s1, s30  }
0xba: {  	s0 =	sor.u32 s3, s0;
	s1 =	sshll.u32 s1, $0x11  }
0xbb: {  	s0 =	sor.u32 s1, s0  }
0xbc: {  	s0 =	sadd.s32 $0x8F2B, s0  }
0xbd: {  	[sflag:s0] =	ssyncadd.remote.s32 $0x1  }
0xbe: {  	_ =	sfence.sel $0xFFFF  }
0xbf: {  	[dreg:$0x0] =	wrdreg $0xFFFFFFFF;
	(pc) =	sbr.abs _section_cstart, $3  }
0xc0: {  	[dreg:$0x1] =	wrdreg $0xFFFFFFFF  }
0xc1: {  	_ =	task.clear_ibuf [dreg:s7], $0x2FFFF;
	_ =	strace $0x9FFFFFFF  }
0xc2: {  	(tm) =	ssettm $0x7FFFFFFF  }
0xc3: {  	_ =	shalt  }
tec
execute0_lowered:
.L_overlay_start_1:
0x0: {  	(tag) =	ssettag $0x1  }
0x1: {  	s1 =	srdreg.scid  }
0x2: {  	s0 =	stileid.u32;
	s2 =	rddreg [dreg:$0x0];
	s6 =	sand.u32 $0x1, s1  }
0x3: {  	s8 =	rddreg [dreg:$0x1];
	s30 =	sshll.u32 s0, $0x7;
	s3 =	sshll.u32 s6, $0x6  }
0x4: {  	s1 =	rddreg [dreg:$0x2];
	s7 =	sor.u32 s3, s30  }
0x5: {  	s10 =	ssub.s32 $0x2, s6;
	s3 =	simm.s32 $0x0;
	s4 =	sshrl.u32 s7, $0x3  }
0x6: {  	s6 =	simm.s32 $0x40;
	[smem:$0x7FF] =	sst s3;
	s4 =	sadd.s32 s4, s8  }
0x7: {  	_ =	strace $0x80000053;
	s5 =	sadd.s32 $0xAE800, s4;
	s4 =	simm.s32 $0x2  }
0x8: {  	[tilespmem:s3], [sflag:$0x2] =	stream.linear.gather [hbm4b:s5+s3], $0x40, $0x38;
	[tilespmem:$0x4440] =	vst v63  }
0x9: {  	s11 =	sshrl.u32 s10, $0x1;
	s9 =	smul.u32 $0x22, s7;
	_ =	swait.ge [sflag:s4], $0x40  }
0xa: {  	s7 =	simm.s32 $0x1;
	s31 =	ssub.s32 s10, s11;
	[sflag:s4] =	ssyncset.done $0x0  }
0xb: {  	s8 =	sadd.s32 s9, s8;
	s9 =	smax.u32 s31, $0x1;
	[sflag:s4] =	ssyncadd.s32 $0xFFFFFFC0  }
0xc: {  	[tilespmem:s6], [sflag:$0x1] =	stream.indirect.gather [hbm4b:s2+s6], $0x110, s3, s6, $0xb8;
	[tilespmem:$0x4440] =	vst v63  }
0xd: {  	p0 =	sne.s32 s9, $0x1;
	_ =	swait.ge [sflag:s7], $0x4400  }
.Ltmp0:
0xe: {  	[sflag:s7] =	ssyncset.done $0x0;
	(pc) =	sbr.rel @!p0 .LBB2_2-.Ltmp0, $4  }
0xf: {  	s8 =	sadd.s32 $0x8A800, s8;
	[sflag:s7] =	ssyncadd.s32 $0xFFFFBC00  }
0x10: {  	[hbm4b:s8+s3] =	stream.linear.scatter [tilespmem:s6], [sflag:$0x2], $0x4400, $0x38;
	[tilespmem:$0x4440] =	vst v63  }
0x11: {  	_ =	swait.ge [sflag:s4], $0x4400  }
0x12: {  	s9 =	sadd.s32 $0xFFFFFFFF, s9;
	[sflag:s4] =	ssyncset.done $0x0  }
.LBB2_1:
0x13: {  	p0 =	sne.s32 s9, $0x1;
	s9 =	sadd.s32 $0xFFFFFFFF, s9;
	[sflag:s4] =	ssyncadd.s32 $0xFFFFBC00  }
0x14: {  	[tilespmem:s3], [sflag:$0x2] =	stream.linear.gather [hbm4b:s5+s3], $0x40, $0x38;
	[tilespmem:$0x4440] =	vst v63  }
0x15: {  	_ =	swait.ge [sflag:s4], $0x40  }
0x16: {  	[sflag:s4] =	ssyncset.done $0x0  }
0x17: {  	[sflag:s4] =	ssyncadd.s32 $0xFFFFFFC0  }
0x18: {  	[tilespmem:s6], [sflag:$0x1] =	stream.indirect.gather [hbm4b:s2+s6], $0x110, s3, s6, $0xb8;
	[tilespmem:$0x4440] =	vst v63  }
0x19: {  	_ =	swait.ge [sflag:s7], $0x4400  }
.Ltmp1:
0x1a: {  	[sflag:s7] =	ssyncset.done $0x0;
	(pc) =	sbr.rel @p0 .LBB2_1-.Ltmp1, $4  }
0x1b: {  	[sflag:s7] =	ssyncadd.s32 $0xFFFFBC00  }
0x1c: {  	[hbm4b:s8+s3] =	stream.linear.scatter [tilespmem:s6], [sflag:$0x2], $0x4400, $0x38;
	[tilespmem:$0x4440] =	vst v63  }
0x1d: {  	_ =	swait.ge [sflag:s4], $0x4400  }
0x1e: {  	[sflag:s4] =	ssyncset.done $0x0  }
.LBB2_2:
0x1f: {  	[sflag:s4] =	ssyncadd.s32 $0xFFFFBC00  }
0x20: {  	_ =	sfence.sel $0x180000  }
0x21: {  	[bflag:$0x0] =	sbarrier.arrive $0xFFFF  }
0x22: {  	p0 =	sne.s32 s0, $0x0;
	_ =	strace $0x90000053  }
0x23: {  	s0 =	sadd.s32 @!p0 $0x100000, s1;
	[bflag:$0x2] =	sbarrier.arrive $0xFFFF  }
0x24: {  	[sflag:s0] =	ssyncadd.tile.s32 @!p0 $0x1;
	_ =	shalt  }
.Lfunc_end2:
_tile_overlayer_lowered:
.L_overlay_start_2:
0x25: {  	(tag) =	ssettag $0x2  }
0x26: {  	s0 =	rddreg [dreg:$0x0];
	s2 =	stileid.u32  }
0x27: {  	s1 =	rddreg [dreg:$0x1];
	p0 =	sne.s32 s2, $0x0  }
0x28: {  	s3 =	rddreg [dreg:$0x2];
	[bflag:$0x3] =	sbarrier.arrive $0xFFFF;
	s2 =	simm.s32 @!p0 $0x1C02  }
0x29: {  	[timem:s3], [sflag:s2] =	dma.local @!p0 [hbm:s0], s1  }
0x2a: {  	s0 =	simm.s32 @!p0 $0x2  }
0x2b: {  	_ =	swait.ge @!p0 [sflag:s0], s1  }
0x2c: {  	s1 =	ssub.s32 @!p0 $0x0, s1;
	[sflag:s0] =	ssyncset.done @!p0 $0x0  }
0x2d: {  	[sflag:s0] =	ssyncadd.s32 @!p0 s1  }
0x2e: {  	[bflag:$0x3] =	sbarrier.arrive $0xFFFF  }
0x2f: {  	_ =	shalt  }

</sc_bundles>
